<compile_context>
chip_gen: v7x
topology: tpu7x:2x2x1
jax: 0.10.2.dev20260603
libtpu: 0.0.44.dev20260713+nightly
codegen_flags: <defaults>
</compile_context>

<pallas_src>
import functools

import jax
import jax.numpy as jnp
from jax import lax
from jax.experimental import pallas as pl
from jax.experimental.pallas import tpu as pltpu
from jax.experimental.pallas import tpu_sc as plsc

T, D, E, DFF = 16384, 768, 64, 768
CAP = 384
NR = E * CAP + CAP
TRASH = E * CAP
BT = 1024
NB = T // BT
NW = 32
TPW = T // NW
CH = 128
NCH = TPW // CH
GW = 128


def _router_body(x_ref, wg_ref, tri_ref, slot_ref, gate_ref, counts_ref):
    i = pl.program_id(0)

    @pl.when(i == 0)
    def _init():
        counts_ref[...] = jnp.zeros_like(counts_ref)

    xblk = x_ref[...]
    logits = jnp.dot(xblk.astype(jnp.bfloat16),
                     wg_ref[...].astype(jnp.bfloat16),
                     preferred_element_type=jnp.float32)
    m = jnp.max(logits, axis=1, keepdims=True)
    p = jnp.exp(logits - m)
    denom = jnp.sum(p, axis=1, keepdims=True)
    probs = p / denom
    gate = jnp.max(probs, axis=1, keepdims=True)
    eiota = lax.broadcasted_iota(jnp.int32, (BT, E), 1)
    expert = jnp.min(jnp.where(probs == gate, eiota, E),
                     axis=1, keepdims=True)
    mask = eiota == expert
    onehot = mask.astype(jnp.float32)
    incl = jnp.dot(tri_ref[...], mask.astype(jnp.bfloat16),
                   preferred_element_type=jnp.float32)
    prev = counts_ref[0:1, :]
    pos = jnp.sum((incl - 1.0 + prev) * onehot, axis=1,
                  keepdims=True).astype(jnp.int32)
    slot = jnp.where(pos < CAP, expert * CAP + pos, TRASH)
    slot_ref[...] = slot
    gate_ref[...] = jnp.broadcast_to(gate, (BT, GW))
    counts_ref[0:1, :] = prev + jnp.sum(onehot, axis=0, keepdims=True)


_router = pl.pallas_call(
    _router_body,
    grid=(NB,),
    in_specs=[
        pl.BlockSpec((BT, D), lambda i: (i, 0)),
        pl.BlockSpec((D, E), lambda i: (0, 0)),
        pl.BlockSpec((BT, BT), lambda i: (0, 0)),
    ],
    out_specs=[
        pl.BlockSpec((BT, 1), lambda i: (i, 0)),
        pl.BlockSpec((BT, GW), lambda i: (i, 0)),
    ],
    out_shape=[
        jax.ShapeDtypeStruct((T, 1), jnp.int32),
        jax.ShapeDtypeStruct((T, GW), jnp.float32),
    ],
    scratch_shapes=[pltpu.VMEM((8, E), jnp.float32)],
)


def _ffn_body(buf_ref, g_ref, w1_ref, b1_ref, w2_ref, b2_ref, y_ref):
    e = pl.program_id(0)

    @pl.when(e < E)
    def _compute():
        emin = jnp.minimum(e, E - 1)
        a = buf_ref[...].astype(jnp.bfloat16)
        h = jnp.dot(a, w1_ref[0].astype(jnp.bfloat16),
                    preferred_element_type=jnp.float32)
        h = jnp.maximum(h + b1_ref[pl.ds(emin, 1), :], 0.0)
        y = jnp.dot(h.astype(jnp.bfloat16), w2_ref[0].astype(jnp.bfloat16),
                    preferred_element_type=jnp.float32)
        y = y + b2_ref[pl.ds(emin, 1), :]
        y_ref[...] = y * g_ref[:, 0:1]

    @pl.when(e == E)
    def _zeros():
        y_ref[...] = jnp.zeros_like(y_ref)


_ffn = pl.pallas_call(
    _ffn_body,
    grid=(E + 1,),
    in_specs=[
        pl.BlockSpec((CAP, D), lambda e: (jnp.minimum(e, E - 1), 0)),
        pl.BlockSpec((CAP, GW), lambda e: (jnp.minimum(e, E - 1), 0)),
        pl.BlockSpec((1, D, DFF), lambda e: (jnp.minimum(e, E - 1), 0, 0)),
        pl.BlockSpec((E, DFF), lambda e: (0, 0)),
        pl.BlockSpec((1, DFF, D), lambda e: (jnp.minimum(e, E - 1), 0, 0)),
        pl.BlockSpec((E, D), lambda e: (0, 0)),
    ],
    out_specs=pl.BlockSpec((CAP, D), lambda e: (e, 0)),
    out_shape=jax.ShapeDtypeStruct((NR, D), jnp.float32),
)


@functools.cache
def _sc_kernels():
    mesh = plsc.VectorSubcoreMesh(core_axis_name="c", subcore_axis_name="s")

    @functools.partial(
        pl.kernel,
        mesh=mesh,
        out_type=[
            jax.ShapeDtypeStruct((NR, D), jnp.float32),
            jax.ShapeDtypeStruct((NR, GW), jnp.float32),
        ],
        scratch_types=[
            pltpu.VMEM((NCH, CH), jnp.int32),
            pltpu.VMEM((CH, D), jnp.float32),
            pltpu.VMEM((CH, GW), jnp.float32),
            pltpu.SemaphoreType.DMA,
            pltpu.SemaphoreType.DMA,
        ],
    )
    def scatter_k(slot_hbm, x_hbm, aux_hbm, buf_hbm, grow_hbm,
                  idx_v, row_v, aux_v, sem1, sem2):
        wid = lax.axis_index("s") * 2 + lax.axis_index("c")
        base = wid * TPW
        for j in range(NCH):
            pltpu.sync_copy(slot_hbm.at[pl.ds(base + j * CH, CH)], idx_v.at[j])
        sta = None
        for j in range(NCH):
            pltpu.sync_copy(x_hbm.at[pl.ds(base + j * CH, CH)], row_v)
            stx = pltpu.async_copy(row_v, buf_hbm.at[idx_v.at[j]], sem1)
            if sta is not None:
                sta.wait()
            pltpu.sync_copy(aux_hbm.at[pl.ds(base + j * CH, CH)], aux_v)
            sta = pltpu.async_copy(aux_v, grow_hbm.at[idx_v.at[j]], sem2)
            stx.wait()
        sta.wait()

    @functools.partial(
        pl.kernel,
        mesh=mesh,
        out_type=jax.ShapeDtypeStruct((T, D), jnp.float32),
        scratch_types=[
            pltpu.VMEM((NCH, CH), jnp.int32),
            pltpu.VMEM((CH, D), jnp.float32),
            pltpu.SemaphoreType.DMA,
        ],
    )
    def gather_k(slot_hbm, y_hbm, out_hbm, idx_v, row_v, sem):
        wid = lax.axis_index("s") * 2 + lax.axis_index("c")
        base = wid * TPW
        for j in range(NCH):
            pltpu.sync_copy(slot_hbm.at[pl.ds(base + j * CH, CH)], idx_v.at[j])
        for j in range(NCH):
            pltpu.async_copy(y_hbm.at[idx_v.at[j]], row_v, sem).wait()
            pltpu.sync_copy(row_v, out_hbm.at[pl.ds(base + j * CH, CH)])

    return scatter_k, gather_k


def kernel(x, Wg, W1, b1, W2, b2):
    scatter_k, gather_k = _sc_kernels()
    tri = jnp.tril(jnp.ones((BT, BT), jnp.bfloat16))
    slot2d, aux = _router(x, Wg, tri)
    slot = slot2d.reshape(T)
    buf, grow = scatter_k(slot, x, aux)
    y = _ffn(buf, grow, W1, b1, W2, b2)
    return gather_k(slot, y)

# --- scband reference (transcript-rebuilt; emitter-appended) ---
"""Pipeline reference for scband-mo-emodel-73134703116972 (READ-ONLY COPY).

The authoritative reference and input builder live on the scoring server;
editing this copy changes nothing except your own understanding.
"""

import jax, jax.numpy as jnp
import numpy as np

T, D, E, DFF = 16384, 768, 64, 768
TOP_K = 1
EXPERT_CAPACITY_FACTOR = 1.5
CAPACITY = int(EXPERT_CAPACITY_FACTOR * T / E)


def setup_inputs(seed: int = 0) -> dict:
    key = jax.random.key(seed)
    ks = jax.random.split(key, 6)
    x = jax.random.normal(ks[0], (T, D), dtype=jnp.float32)
    Wg = jax.random.normal(ks[1], (D, E), dtype=jnp.float32) * (1.0 / np.sqrt(D))
    W1 = jax.random.normal(ks[2], (E, D, DFF), dtype=jnp.float32) * (1.0 / np.sqrt(D))
    b1 = jnp.zeros((E, DFF), dtype=jnp.float32)
    W2 = jax.random.normal(ks[3], (E, DFF, D), dtype=jnp.float32) * (1.0 / np.sqrt(DFF))
    b2 = jnp.zeros((E, D), dtype=jnp.float32)
    return {"x": x, "Wg": Wg, "W1": W1, "b1": b1, "W2": W2, "b2": b2}


def _moe_forward(x, Wg, W1, b1, W2, b2):
    # TopKGate (k=1, switch-style): router logits -> softmax -> top-1 expert
    logits = x @ Wg                                   # [T, E]
    probs = jax.nn.softmax(logits, axis=-1)           # [T, E]
    expert_idx = jnp.argmax(probs, axis=-1)           # [T] int
    gate_val = jnp.take_along_axis(probs, expert_idx[:, None], axis=-1)[:, 0]  # [T]
    # capacity-limited dispatch: position of each token within its expert
    onehot = jax.nn.one_hot(expert_idx, E, dtype=jnp.int32)   # [T, E]
    pos = jnp.sum(jnp.cumsum(onehot, axis=0) * onehot, axis=-1) - 1  # [T], 0-based slot
    keep = pos < CAPACITY                              # drop overflow tokens
    safe_pos = jnp.where(keep, pos, CAPACITY)          # overflow -> scratch slot
    keep_f = keep[:, None].astype(x.dtype)
    # scatter tokens into per-expert buffers (SparseCore scatter-add)
    buf = jnp.zeros((E, CAPACITY + 1, D), dtype=x.dtype)
    buf = buf.at[expert_idx, safe_pos].add(x * keep_f)  # [E, C+1, D]
    # expert FFNs (each expert is an independent MLP block)
    h = jax.nn.relu(jnp.einsum('ecd,edf->ecf', buf, W1) + b1[:, None, :])
    y = jnp.einsum('ecf,efd->ecd', h, W2) + b2[:, None, :]  # [E, C+1, D]
    # combine: gather back per-token expert output, weighted by gate value
    out = y[expert_idx, safe_pos] * gate_val[:, None] * keep_f  # [T, D]
    return out


def reference(x, Wg, W1, b1, W2, b2):
    return _moe_forward(x, Wg, W1, b1, W2, b2)

if __name__ == "__main__":
    import jax
    _d = setup_inputs()
    print(jax.jit(kernel)(*tuple(_d.values())))

</pallas_src>

<mosaic_0001>
#map = affine_map<(d0, d1) -> (0)>
#map1 = affine_map<(d0, d1) -> (0, 0)>
module attributes {stable_mosaic.version = 14 : i64} {
  func.func @scatter_k(%arg0: i32, %arg1: i32, %arg2: memref<16384xi32, #tpu.memory_space<hbm>>, %arg3: memref<16384x768xf32, #tpu.memory_space<hbm>>, %arg4: memref<16384x128xf32, #tpu.memory_space<hbm>>, %arg5: memref<24960x768xf32, #tpu.memory_space<hbm>>, %arg6: memref<24960x128xf32, #tpu.memory_space<hbm>>, %arg7: memref<4x128xi32, #tpu.memory_space<vmem>>, %arg8: memref<128x768xf32, #tpu.memory_space<vmem>>, %arg9: memref<128x128xf32, #tpu.memory_space<vmem>>, %arg10: memref<!tpu.dma_semaphore, #tpu.memory_space<semaphore_mem>>, %arg11: memref<!tpu.dma_semaphore, #tpu.memory_space<semaphore_mem>>) attributes {dimension_semantics = [#tpu.dimension_semantics<core_parallel>, #tpu.dimension_semantics<subcore_parallel>], iteration_bounds = array<i64: 2, 16>, scalar_prefetch = 0 : i64, scratch_operands = 5 : i64, tpu.core_type = #tpu.core_type<sc_vector_subcore>, window_params = [{transform_indices = #map}, {transform_indices = #map1}, {transform_indices = #map1}, {transform_indices = #map1}, {transform_indices = #map1}]} {
    %mul3A = arith.constant 2 : i32
    %mul3A_0 = arith.muli %arg1, %mul3A : i32
    %add3A = arith.addi %mul3A_0, %arg0 : i32
    %mul3A_1 = arith.constant 512 : i32
    %mul3A_2 = arith.muli %add3A, %mul3A_1 : i32
    %add3A_3 = arith.constant 0 : i32
    %add3A_4 = arith.addi %mul3A_2, %add3A_3 : i32
    %run_scoped3A = arith.constant 0 : i32
    "tpu.region"() ({
      %run_scoped3A_140 = tpu.sem_alloc : memref<!tpu.dma_semaphore, #tpu.memory_space<semaphore_mem>>
      %dma_start3A_141 = arith.constant 0 : i32
      %dma_start3A_142 = tpu.memref_slice %arg7[%run_scoped3A, %dma_start3A_141] : memref<4x128xi32, #tpu.memory_space<vmem>> -> memref<1x128xi32, #tpu.memory_space<vmem>>
      %dma_start3A_143 = tpu.memref_squeeze %dma_start3A_142 : memref<1x128xi32, #tpu.memory_space<vmem>> -> memref<128xi32, #tpu.memory_space<vmem>>
      %dma_start3A_144 = tpu.memref_slice %arg2[%add3A_4] : memref<16384xi32, #tpu.memory_space<hbm>> -> memref<128xi32, #tpu.memory_space<hbm>>
      %dma_start3A_145 = arith.constant 0 : i32
      %dma_start3A_146 = tpu.memref_slice %arg7[%run_scoped3A, %dma_start3A_145] : memref<4x128xi32, #tpu.memory_space<vmem>> -> memref<1x128xi32, #tpu.memory_space<vmem>>
      %dma_start3A_147 = tpu.memref_squeeze %dma_start3A_146 : memref<1x128xi32, #tpu.memory_space<vmem>> -> memref<128xi32, #tpu.memory_space<vmem>>
      %dma_start3A_148 = tpu.memref_slice %arg2[%add3A_4] : memref<16384xi32, #tpu.memory_space<hbm>> -> memref<128xi32, #tpu.memory_space<hbm>>
      tpu.enqueue_dma source(%dma_start3A_148 : memref<128xi32, #tpu.memory_space<hbm>>) target(%dma_start3A_147 : memref<128xi32, #tpu.memory_space<vmem>>) target_semaphore(%run_scoped3A_140 : memref<!tpu.dma_semaphore, #tpu.memory_space<semaphore_mem>>)
      %dma_wait3A_149 = arith.constant 0 : i32
      %dma_wait3A_150 = tpu.memref_slice %arg7[%run_scoped3A, %dma_wait3A_149] : memref<4x128xi32, #tpu.memory_space<vmem>> -> memref<1x128xi32, #tpu.memory_space<vmem>>
      %dma_wait3A_151 = tpu.memref_squeeze %dma_wait3A_150 : memref<1x128xi32, #tpu.memory_space<vmem>> -> memref<128xi32, #tpu.memory_space<vmem>>
      %dma_wait3A_152 = tpu.memref_slice %arg2[%add3A_4] : memref<16384xi32, #tpu.memory_space<hbm>> -> memref<128xi32, #tpu.memory_space<hbm>>
      %dma_wait3A_153 = arith.constant 0 : i32
      %dma_wait3A_154 = tpu.memref_slice %arg7[%run_scoped3A, %dma_wait3A_153] : memref<4x128xi32, #tpu.memory_space<vmem>> -> memref<1x128xi32, #tpu.memory_space<vmem>>
      %dma_wait3A_155 = tpu.memref_squeeze %dma_wait3A_154 : memref<1x128xi32, #tpu.memory_space<vmem>> -> memref<128xi32, #tpu.memory_space<vmem>>
      %dma_wait3A_156 = tpu.memref_slice %arg2[%add3A_4] : memref<16384xi32, #tpu.memory_space<hbm>> -> memref<128xi32, #tpu.memory_space<hbm>>
      tpu.wait_dma2 semaphore(%run_scoped3A_140 : memref<!tpu.dma_semaphore, #tpu.memory_space<semaphore_mem>>) src(%dma_wait3A_156 : memref<128xi32, #tpu.memory_space<hbm>>) dst(%dma_wait3A_155 : memref<128xi32, #tpu.memory_space<vmem>>)
      tpu.yield
    }) : () -> ()
    %add3A_5 = arith.constant 128 : i32
    %add3A_6 = arith.addi %mul3A_2, %add3A_5 : i32
    %run_scoped3A_7 = arith.constant 1 : i32
    "tpu.region"() ({
      %run_scoped3A_140 = tpu.sem_alloc : memref<!tpu.dma_semaphore, #tpu.memory_space<semaphore_mem>>
      %dma_start3A_141 = arith.constant 0 : i32
      %dma_start3A_142 = tpu.memref_slice %arg7[%run_scoped3A_7, %dma_start3A_141] : memref<4x128xi32, #tpu.memory_space<vmem>> -> memref<1x128xi32, #tpu.memory_space<vmem>>
      %dma_start3A_143 = tpu.memref_squeeze %dma_start3A_142 : memref<1x128xi32, #tpu.memory_space<vmem>> -> memref<128xi32, #tpu.memory_space<vmem>>
      %dma_start3A_144 = tpu.memref_slice %arg2[%add3A_6] : memref<16384xi32, #tpu.memory_space<hbm>> -> memref<128xi32, #tpu.memory_space<hbm>>
      %dma_start3A_145 = arith.constant 0 : i32
      %dma_start3A_146 = tpu.memref_slice %arg7[%run_scoped3A_7, %dma_start3A_145] : memref<4x128xi32, #tpu.memory_space<vmem>> -> memref<1x128xi32, #tpu.memory_space<vmem>>
      %dma_start3A_147 = tpu.memref_squeeze %dma_start3A_146 : memref<1x128xi32, #tpu.memory_space<vmem>> -> memref<128xi32, #tpu.memory_space<vmem>>
      %dma_start3A_148 = tpu.memref_slice %arg2[%add3A_6] : memref<16384xi32, #tpu.memory_space<hbm>> -> memref<128xi32, #tpu.memory_space<hbm>>
      tpu.enqueue_dma source(%dma_start3A_148 : memref<128xi32, #tpu.memory_space<hbm>>) target(%dma_start3A_147 : memref<128xi32, #tpu.memory_space<vmem>>) target_semaphore(%run_scoped3A_140 : memref<!tpu.dma_semaphore, #tpu.memory_space<semaphore_mem>>)
      %dma_wait3A_149 = arith.constant 0 : i32
      %dma_wait3A_150 = tpu.memref_slice %arg7[%run_scoped3A_7, %dma_wait3A_149] : memref<4x128xi32, #tpu.memory_space<vmem>> -> memref<1x128xi32, #tpu.memory_space<vmem>>
      %dma_wait3A_151 = tpu.memref_squeeze %dma_wait3A_150 : memref<1x128xi32, #tpu.memory_space<vmem>> -> memref<128xi32, #tpu.memory_space<vmem>>
      %dma_wait3A_152 = tpu.memref_slice %arg2[%add3A_6] : memref<16384xi32, #tpu.memory_space<hbm>> -> memref<128xi32, #tpu.memory_space<hbm>>
      %dma_wait3A_153 = arith.constant 0 : i32
      %dma_wait3A_154 = tpu.memref_slice %arg7[%run_scoped3A_7, %dma_wait3A_153] : memref<4x128xi32, #tpu.memory_space<vmem>> -> memref<1x128xi32, #tpu.memory_space<vmem>>
      %dma_wait3A_155 = tpu.memref_squeeze %dma_wait3A_154 : memref<1x128xi32, #tpu.memory_space<vmem>> -> memref<128xi32, #tpu.memory_space<vmem>>
      %dma_wait3A_156 = tpu.memref_slice %arg2[%add3A_6] : memref<16384xi32, #tpu.memory_space<hbm>> -> memref<128xi32, #tpu.memory_space<hbm>>
      tpu.wait_dma2 semaphore(%run_scoped3A_140 : memref<!tpu.dma_semaphore, #tpu.memory_space<semaphore_mem>>) src(%dma_wait3A_156 : memref<128xi32, #tpu.memory_space<hbm>>) dst(%dma_wait3A_155 : memref<128xi32, #tpu.memory_space<vmem>>)
      tpu.yield
    }) : () -> ()
    %add3A_8 = arith.constant 256 : i32
    %add3A_9 = arith.addi %mul3A_2, %add3A_8 : i32
    %run_scoped3A_10 = arith.constant 2 : i32
    "tpu.region"() ({
      %run_scoped3A_140 = tpu.sem_alloc : memref<!tpu.dma_semaphore, #tpu.memory_space<semaphore_mem>>
      %dma_start3A_141 = arith.constant 0 : i32
      %dma_start3A_142 = tpu.memref_slice %arg7[%run_scoped3A_10, %dma_start3A_141] : memref<4x128xi32, #tpu.memory_space<vmem>> -> memref<1x128xi32, #tpu.memory_space<vmem>>
      %dma_start3A_143 = tpu.memref_squeeze %dma_start3A_142 : memref<1x128xi32, #tpu.memory_space<vmem>> -> memref<128xi32, #tpu.memory_space<vmem>>
      %dma_start3A_144 = tpu.memref_slice %arg2[%add3A_9] : memref<16384xi32, #tpu.memory_space<hbm>> -> memref<128xi32, #tpu.memory_space<hbm>>
      %dma_start3A_145 = arith.constant 0 : i32
      %dma_start3A_146 = tpu.memref_slice %arg7[%run_scoped3A_10, %dma_start3A_145] : memref<4x128xi32, #tpu.memory_space<vmem>> -> memref<1x128xi32, #tpu.memory_space<vmem>>
      %dma_start3A_147 = tpu.memref_squeeze %dma_start3A_146 : memref<1x128xi32, #tpu.memory_space<vmem>> -> memref<128xi32, #tpu.memory_space<vmem>>
      %dma_start3A_148 = tpu.memref_slice %arg2[%add3A_9] : memref<16384xi32, #tpu.memory_space<hbm>> -> memref<128xi32, #tpu.memory_space<hbm>>
      tpu.enqueue_dma source(%dma_start3A_148 : memref<128xi32, #tpu.memory_space<hbm>>) target(%dma_start3A_147 : memref<128xi32, #tpu.memory_space<vmem>>) target_semaphore(%run_scoped3A_140 : memref<!tpu.dma_semaphore, #tpu.memory_space<semaphore_mem>>)
      %dma_wait3A_149 = arith.constant 0 : i32
      %dma_wait3A_150 = tpu.memref_slice %arg7[%run_scoped3A_10, %dma_wait3A_149] : memref<4x128xi32, #tpu.memory_space<vmem>> -> memref<1x128xi32, #tpu.memory_space<vmem>>
      %dma_wait3A_151 = tpu.memref_squeeze %dma_wait3A_150 : memref<1x128xi32, #tpu.memory_space<vmem>> -> memref<128xi32, #tpu.memory_space<vmem>>
      %dma_wait3A_152 = tpu.memref_slice %arg2[%add3A_9] : memref<16384xi32, #tpu.memory_space<hbm>> -> memref<128xi32, #tpu.memory_space<hbm>>
      %dma_wait3A_153 = arith.constant 0 : i32
      %dma_wait3A_154 = tpu.memref_slice %arg7[%run_scoped3A_10, %dma_wait3A_153] : memref<4x128xi32, #tpu.memory_space<vmem>> -> memref<1x128xi32, #tpu.memory_space<vmem>>
      %dma_wait3A_155 = tpu.memref_squeeze %dma_wait3A_154 : memref<1x128xi32, #tpu.memory_space<vmem>> -> memref<128xi32, #tpu.memory_space<vmem>>
      %dma_wait3A_156 = tpu.memref_slice %arg2[%add3A_9] : memref<16384xi32, #tpu.memory_space<hbm>> -> memref<128xi32, #tpu.memory_space<hbm>>
      tpu.wait_dma2 semaphore(%run_scoped3A_140 : memref<!tpu.dma_semaphore, #tpu.memory_space<semaphore_mem>>) src(%dma_wait3A_156 : memref<128xi32, #tpu.memory_space<hbm>>) dst(%dma_wait3A_155 : memref<128xi32, #tpu.memory_space<vmem>>)
      tpu.yield
    }) : () -> ()
    %add3A_11 = arith.constant 384 : i32
    %add3A_12 = arith.addi %mul3A_2, %add3A_11 : i32
    %run_scoped3A_13 = arith.constant 3 : i32
    "tpu.region"() ({
      %run_scoped3A_140 = tpu.sem_alloc : memref<!tpu.dma_semaphore, #tpu.memory_space<semaphore_mem>>
      %dma_start3A_141 = arith.constant 0 : i32
      %dma_start3A_142 = tpu.memref_slice %arg7[%run_scoped3A_13, %dma_start3A_141] : memref<4x128xi32, #tpu.memory_space<vmem>> -> memref<1x128xi32, #tpu.memory_space<vmem>>
      %dma_start3A_143 = tpu.memref_squeeze %dma_start3A_142 : memref<1x128xi32, #tpu.memory_space<vmem>> -> memref<128xi32, #tpu.memory_space<vmem>>
      %dma_start3A_144 = tpu.memref_slice %arg2[%add3A_12] : memref<16384xi32, #tpu.memory_space<hbm>> -> memref<128xi32, #tpu.memory_space<hbm>>
      %dma_start3A_145 = arith.constant 0 : i32
      %dma_start3A_146 = tpu.memref_slice %arg7[%run_scoped3A_13, %dma_start3A_145] : memref<4x128xi32, #tpu.memory_space<vmem>> -> memref<1x128xi32, #tpu.memory_space<vmem>>
      %dma_start3A_147 = tpu.memref_squeeze %dma_start3A_146 : memref<1x128xi32, #tpu.memory_space<vmem>> -> memref<128xi32, #tpu.memory_space<vmem>>
      %dma_start3A_148 = tpu.memref_slice %arg2[%add3A_12] : memref<16384xi32, #tpu.memory_space<hbm>> -> memref<128xi32, #tpu.memory_space<hbm>>
      tpu.enqueue_dma source(%dma_start3A_148 : memref<128xi32, #tpu.memory_space<hbm>>) target(%dma_start3A_147 : memref<128xi32, #tpu.memory_space<vmem>>) target_semaphore(%run_scoped3A_140 : memref<!tpu.dma_semaphore, #tpu.memory_space<semaphore_mem>>)
      %dma_wait3A_149 = arith.constant 0 : i32
      %dma_wait3A_150 = tpu.memref_slice %arg7[%run_scoped3A_13, %dma_wait3A_149] : memref<4x128xi32, #tpu.memory_space<vmem>> -> memref<1x128xi32, #tpu.memory_space<vmem>>
      %dma_wait3A_151 = tpu.memref_squeeze %dma_wait3A_150 : memref<1x128xi32, #tpu.memory_space<vmem>> -> memref<128xi32, #tpu.memory_space<vmem>>
      %dma_wait3A_152 = tpu.memref_slice %arg2[%add3A_12] : memref<16384xi32, #tpu.memory_space<hbm>> -> memref<128xi32, #tpu.memory_space<hbm>>
      %dma_wait3A_153 = arith.constant 0 : i32
      %dma_wait3A_154 = tpu.memref_slice %arg7[%run_scoped3A_13, %dma_wait3A_153] : memref<4x128xi32, #tpu.memory_space<vmem>> -> memref<1x128xi32, #tpu.memory_space<vmem>>
      %dma_wait3A_155 = tpu.memref_squeeze %dma_wait3A_154 : memref<1x128xi32, #tpu.memory_space<vmem>> -> memref<128xi32, #tpu.memory_space<vmem>>
      %dma_wait3A_156 = tpu.memref_slice %arg2[%add3A_12] : memref<16384xi32, #tpu.memory_space<hbm>> -> memref<128xi32, #tpu.memory_space<hbm>>
      tpu.wait_dma2 semaphore(%run_scoped3A_140 : memref<!tpu.dma_semaphore, #tpu.memory_space<semaphore_mem>>) src(%dma_wait3A_156 : memref<128xi32, #tpu.memory_space<hbm>>) dst(%dma_wait3A_155 : memref<128xi32, #tpu.memory_space<vmem>>)
      tpu.yield
    }) : () -> ()
    %add3A_14 = arith.constant 0 : i32
    %add3A_15 = arith.addi %mul3A_2, %add3A_14 : i32
    "tpu.region"() ({
      %run_scoped3A_140 = tpu.sem_alloc : memref<!tpu.dma_semaphore, #tpu.memory_space<semaphore_mem>>
      %dma_start3A_141 = arith.constant 0 : i32
      %dma_start3A_142 = tpu.memref_slice %arg3[%add3A_15, %dma_start3A_141] : memref<16384x768xf32, #tpu.memory_space<hbm>> -> memref<128x768xf32, #tpu.memory_space<hbm>>
      %dma_start3A_143 = arith.constant 0 : i32
      %dma_start3A_144 = tpu.memref_slice %arg3[%add3A_15, %dma_start3A_143] : memref<16384x768xf32, #tpu.memory_space<hbm>> -> memref<128x768xf32, #tpu.memory_space<hbm>>
      tpu.enqueue_dma source(%dma_start3A_144 : memref<128x768xf32, #tpu.memory_space<hbm>>) target(%arg8 : memref<128x768xf32, #tpu.memory_space<vmem>>) target_semaphore(%run_scoped3A_140 : memref<!tpu.dma_semaphore, #tpu.memory_space<semaphore_mem>>)
      %dma_wait3A_145 = arith.constant 0 : i32
      %dma_wait3A_146 = tpu.memref_slice %arg3[%add3A_15, %dma_wait3A_145] : memref<16384x768xf32, #tpu.memory_space<hbm>> -> memref<128x768xf32, #tpu.memory_space<hbm>>
      %dma_wait3A_147 = arith.constant 0 : i32
      %dma_wait3A_148 = tpu.memref_slice %arg3[%add3A_15, %dma_wait3A_147] : memref<16384x768xf32, #tpu.memory_space<hbm>> -> memref<128x768xf32, #tpu.memory_space<hbm>>
      tpu.wait_dma2 semaphore(%run_scoped3A_140 : memref<!tpu.dma_semaphore, #tpu.memory_space<semaphore_mem>>) src(%dma_wait3A_148 : memref<128x768xf32, #tpu.memory_space<hbm>>) dst(%arg8 : memref<128x768xf32, #tpu.memory_space<vmem>>)
      tpu.yield
    }) : () -> ()
    %dma_start3A = arith.constant 0 : i32
    %dma_start3A_16 = arith.constant 0 : i32
    %dma_start3A_17 = tpu.memref_slice %arg7[%dma_start3A, %dma_start3A_16] : memref<4x128xi32, #tpu.memory_space<vmem>> -> memref<1x128xi32, #tpu.memory_space<vmem>>
    %dma_start3A_18 = tpu.memref_squeeze %dma_start3A_17 : memref<1x128xi32, #tpu.memory_space<vmem>> -> memref<128xi32, #tpu.memory_space<vmem>>
    %dma_start3A_19 = arith.constant 0 : i32
    %dma_start3A_20 = arith.constant 0 : i32
    %dma_start3A_21 = tpu.memref_slice %arg5[%dma_start3A_19, %dma_start3A_20] : memref<24960x768xf32, #tpu.memory_space<hbm>> -> memref<24960x768xf32, #tpu.memory_space<hbm>>
    tpu.enqueue_indirect_dma source(%arg8 : memref<128x768xf32, #tpu.memory_space<vmem>>) target(%dma_start3A_21 : memref<24960x768xf32, #tpu.memory_space<hbm>>) offsets(%dma_start3A_18 : memref<128xi32, #tpu.memory_space<vmem>>) semaphore(%arg10 : memref<!tpu.dma_semaphore, #tpu.memory_space<semaphore_mem>>)
    %add3A_22 = arith.constant 0 : i32
    %add3A_23 = arith.addi %mul3A_2, %add3A_22 : i32
    "tpu.region"() ({
      %run_scoped3A_140 = tpu.sem_alloc : memref<!tpu.dma_semaphore, #tpu.memory_space<semaphore_mem>>
      %dma_start3A_141 = arith.constant 0 : i32
      %dma_start3A_142 = tpu.memref_slice %arg4[%add3A_23, %dma_start3A_141] : memref<16384x128xf32, #tpu.memory_space<hbm>> -> memref<128x128xf32, #tpu.memory_space<hbm>>
      %dma_start3A_143 = arith.constant 0 : i32
      %dma_start3A_144 = tpu.memref_slice %arg4[%add3A_23, %dma_start3A_143] : memref<16384x128xf32, #tpu.memory_space<hbm>> -> memref<128x128xf32, #tpu.memory_space<hbm>>
      tpu.enqueue_dma source(%dma_start3A_144 : memref<128x128xf32, #tpu.memory_space<hbm>>) target(%arg9 : memref<128x128xf32, #tpu.memory_space<vmem>>) target_semaphore(%run_scoped3A_140 : memref<!tpu.dma_semaphore, #tpu.memory_space<semaphore_mem>>)
      %dma_wait3A_145 = arith.constant 0 : i32
      %dma_wait3A_146 = tpu.memref_slice %arg4[%add3A_23, %dma_wait3A_145] : memref<16384x128xf32, #tpu.memory_space<hbm>> -> memref<128x128xf32, #tpu.memory_space<hbm>>
      %dma_wait3A_147 = arith.constant 0 : i32
      %dma_wait3A_148 = tpu.memref_slice %arg4[%add3A_23, %dma_wait3A_147] : memref<16384x128xf32, #tpu.memory_space<hbm>> -> memref<128x128xf32, #tpu.memory_space<hbm>>
      tpu.wait_dma2 semaphore(%run_scoped3A_140 : memref<!tpu.dma_semaphore, #tpu.memory_space<semaphore_mem>>) src(%dma_wait3A_148 : memref<128x128xf32, #tpu.memory_space<hbm>>) dst(%arg9 : memref<128x128xf32, #tpu.memory_space<vmem>>)
      tpu.yield
    }) : () -> ()
    %dma_start3A_24 = arith.constant 0 : i32
    %dma_start3A_25 = arith.constant 0 : i32
    %dma_start3A_26 = tpu.memref_slice %arg7[%dma_start3A_24, %dma_start3A_25] : memref<4x128xi32, #tpu.memory_space<vmem>> -> memref<1x128xi32, #tpu.memory_space<vmem>>
    %dma_start3A_27 = tpu.memref_squeeze %dma_start3A_26 : memref<1x128xi32, #tpu.memory_space<vmem>> -> memref<128xi32, #tpu.memory_space<vmem>>
    %dma_start3A_28 = arith.constant 0 : i32
    %dma_start3A_29 = arith.constant 0 : i32
    %dma_start3A_30 = tpu.memref_slice %arg6[%dma_start3A_28, %dma_start3A_29] : memref<24960x128xf32, #tpu.memory_space<hbm>> -> memref<24960x128xf32, #tpu.memory_space<hbm>>
    tpu.enqueue_indirect_dma source(%arg9 : memref<128x128xf32, #tpu.memory_space<vmem>>) target(%dma_start3A_30 : memref<24960x128xf32, #tpu.memory_space<hbm>>) offsets(%dma_start3A_27 : memref<128xi32, #tpu.memory_space<vmem>>) semaphore(%arg11 : memref<!tpu.dma_semaphore, #tpu.memory_space<semaphore_mem>>)
    %dma_wait3A = arith.constant 0 : i32
    %dma_wait3A_31 = arith.constant 0 : i32
    %dma_wait3A_32 = tpu.memref_slice %arg7[%dma_wait3A, %dma_wait3A_31] : memref<4x128xi32, #tpu.memory_space<vmem>> -> memref<1x128xi32, #tpu.memory_space<vmem>>
    %dma_wait3A_33 = tpu.memref_squeeze %dma_wait3A_32 : memref<1x128xi32, #tpu.memory_space<vmem>> -> memref<128xi32, #tpu.memory_space<vmem>>
    %dma_wait3A_34 = arith.constant 0 : i32
    %dma_wait3A_35 = arith.constant 0 : i32
    %dma_wait3A_36 = tpu.memref_slice %arg5[%dma_wait3A_34, %dma_wait3A_35] : memref<24960x768xf32, #tpu.memory_space<hbm>> -> memref<24960x768xf32, #tpu.memory_space<hbm>>
    tpu.wait_indirect_dma semaphore(%arg10 : memref<!tpu.dma_semaphore, #tpu.memory_space<semaphore_mem>>) src(%arg8 : memref<128x768xf32, #tpu.memory_space<vmem>>) dst(%dma_wait3A_36 : memref<24960x768xf32, #tpu.memory_space<hbm>>)
    %add3A_37 = arith.constant 128 : i32
    %add3A_38 = arith.addi %mul3A_2, %add3A_37 : i32
    "tpu.region"() ({
      %run_scoped3A_140 = tpu.sem_alloc : memref<!tpu.dma_semaphore, #tpu.memory_space<semaphore_mem>>
      %dma_start3A_141 = arith.constant 0 : i32
      %dma_start3A_142 = tpu.memref_slice %arg3[%add3A_38, %dma_start3A_141] : memref<16384x768xf32, #tpu.memory_space<hbm>> -> memref<128x768xf32, #tpu.memory_space<hbm>>
      %dma_start3A_143 = arith.constant 0 : i32
      %dma_start3A_144 = tpu.memref_slice %arg3[%add3A_38, %dma_start3A_143] : memref<16384x768xf32, #tpu.memory_space<hbm>> -> memref<128x768xf32, #tpu.memory_space<hbm>>
      tpu.enqueue_dma source(%dma_start3A_144 : memref<128x768xf32, #tpu.memory_space<hbm>>) target(%arg8 : memref<128x768xf32, #tpu.memory_space<vmem>>) target_semaphore(%run_scoped3A_140 : memref<!tpu.dma_semaphore, #tpu.memory_space<semaphore_mem>>)
      %dma_wait3A_145 = arith.constant 0 : i32
      %dma_wait3A_146 = tpu.memref_slice %arg3[%add3A_38, %dma_wait3A_145] : memref<16384x768xf32, #tpu.memory_space<hbm>> -> memref<128x768xf32, #tpu.memory_space<hbm>>
      %dma_wait3A_147 = arith.constant 0 : i32
      %dma_wait3A_148 = tpu.memref_slice %arg3[%add3A_38, %dma_wait3A_147] : memref<16384x768xf32, #tpu.memory_space<hbm>> -> memref<128x768xf32, #tpu.memory_space<hbm>>
      tpu.wait_dma2 semaphore(%run_scoped3A_140 : memref<!tpu.dma_semaphore, #tpu.memory_space<semaphore_mem>>) src(%dma_wait3A_148 : memref<128x768xf32, #tpu.memory_space<hbm>>) dst(%arg8 : memref<128x768xf32, #tpu.memory_space<vmem>>)
      tpu.yield
    }) : () -> ()
    %dma_start3A_39 = arith.constant 1 : i32
    %dma_start3A_40 = arith.constant 0 : i32
    %dma_start3A_41 = tpu.memref_slice %arg7[%dma_start3A_39, %dma_start3A_40] : memref<4x128xi32, #tpu.memory_space<vmem>> -> memref<1x128xi32, #tpu.memory_space<vmem>>
    %dma_start3A_42 = tpu.memref_squeeze %dma_start3A_41 : memref<1x128xi32, #tpu.memory_space<vmem>> -> memref<128xi32, #tpu.memory_space<vmem>>
    %dma_start3A_43 = arith.constant 0 : i32
    %dma_start3A_44 = arith.constant 0 : i32
    %dma_start3A_45 = tpu.memref_slice %arg5[%dma_start3A_43, %dma_start3A_44] : memref<24960x768xf32, #tpu.memory_space<hbm>> -> memref<24960x768xf32, #tpu.memory_space<hbm>>
    tpu.enqueue_indirect_dma source(%arg8 : memref<128x768xf32, #tpu.memory_space<vmem>>) target(%dma_start3A_45 : memref<24960x768xf32, #tpu.memory_space<hbm>>) offsets(%dma_start3A_42 : memref<128xi32, #tpu.memory_space<vmem>>) semaphore(%arg10 : memref<!tpu.dma_semaphore, #tpu.memory_space<semaphore_mem>>)
    %dma_wait3A_46 = arith.constant 0 : i32
    %dma_wait3A_47 = arith.constant 0 : i32
    %dma_wait3A_48 = tpu.memref_slice %arg7[%dma_wait3A_46, %dma_wait3A_47] : memref<4x128xi32, #tpu.memory_space<vmem>> -> memref<1x128xi32, #tpu.memory_space<vmem>>
    %dma_wait3A_49 = tpu.memref_squeeze %dma_wait3A_48 : memref<1x128xi32, #tpu.memory_space<vmem>> -> memref<128xi32, #tpu.memory_space<vmem>>
    %dma_wait3A_50 = arith.constant 0 : i32
    %dma_wait3A_51 = arith.constant 0 : i32
    %dma_wait3A_52 = tpu.memref_slice %arg6[%dma_wait3A_50, %dma_wait3A_51] : memref<24960x128xf32, #tpu.memory_space<hbm>> -> memref<24960x128xf32, #tpu.memory_space<hbm>>
    tpu.wait_indirect_dma semaphore(%arg11 : memref<!tpu.dma_semaphore, #tpu.memory_space<semaphore_mem>>) src(%arg9 : memref<128x128xf32, #tpu.memory_space<vmem>>) dst(%dma_wait3A_52 : memref<24960x128xf32, #tpu.memory_space<hbm>>)
    %add3A_53 = arith.constant 128 : i32
    %add3A_54 = arith.addi %mul3A_2, %add3A_53 : i32
    "tpu.region"() ({
      %run_scoped3A_140 = tpu.sem_alloc : memref<!tpu.dma_semaphore, #tpu.memory_space<semaphore_mem>>
      %dma_start3A_141 = arith.constant 0 : i32
      %dma_start3A_142 = tpu.memref_slice %arg4[%add3A_54, %dma_start3A_141] : memref<16384x128xf32, #tpu.memory_space<hbm>> -> memref<128x128xf32, #tpu.memory_space<hbm>>
      %dma_start3A_143 = arith.constant 0 : i32
      %dma_start3A_144 = tpu.memref_slice %arg4[%add3A_54, %dma_start3A_143] : memref<16384x128xf32, #tpu.memory_space<hbm>> -> memref<128x128xf32, #tpu.memory_space<hbm>>
      tpu.enqueue_dma source(%dma_start3A_144 : memref<128x128xf32, #tpu.memory_space<hbm>>) target(%arg9 : memref<128x128xf32, #tpu.memory_space<vmem>>) target_semaphore(%run_scoped3A_140 : memref<!tpu.dma_semaphore, #tpu.memory_space<semaphore_mem>>)
      %dma_wait3A_145 = arith.constant 0 : i32
      %dma_wait3A_146 = tpu.memref_slice %arg4[%add3A_54, %dma_wait3A_145] : memref<16384x128xf32, #tpu.memory_space<hbm>> -> memref<128x128xf32, #tpu.memory_space<hbm>>
      %dma_wait3A_147 = arith.constant 0 : i32
      %dma_wait3A_148 = tpu.memref_slice %arg4[%add3A_54, %dma_wait3A_147] : memref<16384x128xf32, #tpu.memory_space<hbm>> -> memref<128x128xf32, #tpu.memory_space<hbm>>
      tpu.wait_dma2 semaphore(%run_scoped3A_140 : memref<!tpu.dma_semaphore, #tpu.memory_space<semaphore_mem>>) src(%dma_wait3A_148 : memref<128x128xf32, #tpu.memory_space<hbm>>) dst(%arg9 : memref<128x128xf32, #tpu.memory_space<vmem>>)
      tpu.yield
    }) : () -> ()
    %dma_start3A_55 = arith.constant 1 : i32
    %dma_start3A_56 = arith.constant 0 : i32
    %dma_start3A_57 = tpu.memref_slice %arg7[%dma_start3A_55, %dma_start3A_56] : memref<4x128xi32, #tpu.memory_space<vmem>> -> memref<1x128xi32, #tpu.memory_space<vmem>>
    %dma_start3A_58 = tpu.memref_squeeze %dma_start3A_57 : memref<1x128xi32, #tpu.memory_space<vmem>> -> memref<128xi32, #tpu.memory_space<vmem>>
    %dma_start3A_59 = arith.constant 0 : i32
    %dma_start3A_60 = arith.constant 0 : i32
    %dma_start3A_61 = tpu.memref_slice %arg6[%dma_start3A_59, %dma_start3A_60] : memref<24960x128xf32, #tpu.memory_space<hbm>> -> memref<24960x128xf32, #tpu.memory_space<hbm>>
    tpu.enqueue_indirect_dma source(%arg9 : memref<128x128xf32, #tpu.memory_space<vmem>>) target(%dma_start3A_61 : memref<24960x128xf32, #tpu.memory_space<hbm>>) offsets(%dma_start3A_58 : memref<128xi32, #tpu.memory_space<vmem>>) semaphore(%arg11 : memref<!tpu.dma_semaphore, #tpu.memory_space<semaphore_mem>>)
    %dma_wait3A_62 = arith.constant 1 : i32
    %dma_wait3A_63 = arith.constant 0 : i32
    %dma_wait3A_64 = tpu.memref_slice %arg7[%dma_wait3A_62, %dma_wait3A_63] : memref<4x128xi32, #tpu.memory_space<vmem>> -> memref<1x128xi32, #tpu.memory_space<vmem>>
    %dma_wait3A_65 = tpu.memref_squeeze %dma_wait3A_64 : memref<1x128xi32, #tpu.memory_space<vmem>> -> memref<128xi32, #tpu.memory_space<vmem>>
    %dma_wait3A_66 = arith.constant 0 : i32
    %dma_wait3A_67 = arith.constant 0 : i32
    %dma_wait3A_68 = tpu.memref_slice %arg5[%dma_wait3A_66, %dma_wait3A_67] : memref<24960x768xf32, #tpu.memory_space<hbm>> -> memref<24960x768xf32, #tpu.memory_space<hbm>>
    tpu.wait_indirect_dma semaphore(%arg10 : memref<!tpu.dma_semaphore, #tpu.memory_space<semaphore_mem>>) src(%arg8 : memref<128x768xf32, #tpu.memory_space<vmem>>) dst(%dma_wait3A_68 : memref<24960x768xf32, #tpu.memory_space<hbm>>)
    %add3A_69 = arith.constant 256 : i32
    %add3A_70 = arith.addi %mul3A_2, %add3A_69 : i32
    "tpu.region"() ({
      %run_scoped3A_140 = tpu.sem_alloc : memref<!tpu.dma_semaphore, #tpu.memory_space<semaphore_mem>>
      %dma_start3A_141 = arith.constant 0 : i32
      %dma_start3A_142 = tpu.memref_slice %arg3[%add3A_70, %dma_start3A_141] : memref<16384x768xf32, #tpu.memory_space<hbm>> -> memref<128x768xf32, #tpu.memory_space<hbm>>
      %dma_start3A_143 = arith.constant 0 : i32
      %dma_start3A_144 = tpu.memref_slice %arg3[%add3A_70, %dma_start3A_143] : memref<16384x768xf32, #tpu.memory_space<hbm>> -> memref<128x768xf32, #tpu.memory_space<hbm>>
      tpu.enqueue_dma source(%dma_start3A_144 : memref<128x768xf32, #tpu.memory_space<hbm>>) target(%arg8 : memref<128x768xf32, #tpu.memory_space<vmem>>) target_semaphore(%run_scoped3A_140 : memref<!tpu.dma_semaphore, #tpu.memory_space<semaphore_mem>>)
      %dma_wait3A_145 = arith.constant 0 : i32
      %dma_wait3A_146 = tpu.memref_slice %arg3[%add3A_70, %dma_wait3A_145] : memref<16384x768xf32, #tpu.memory_space<hbm>> -> memref<128x768xf32, #tpu.memory_space<hbm>>
      %dma_wait3A_147 = arith.constant 0 : i32
      %dma_wait3A_148 = tpu.memref_slice %arg3[%add3A_70, %dma_wait3A_147] : memref<16384x768xf32, #tpu.memory_space<hbm>> -> memref<128x768xf32, #tpu.memory_space<hbm>>
      tpu.wait_dma2 semaphore(%run_scoped3A_140 : memref<!tpu.dma_semaphore, #tpu.memory_space<semaphore_mem>>) src(%dma_wait3A_148 : memref<128x768xf32, #tpu.memory_space<hbm>>) dst(%arg8 : memref<128x768xf32, #tpu.memory_space<vmem>>)
      tpu.yield
    }) : () -> ()
    %dma_start3A_71 = arith.constant 2 : i32
    %dma_start3A_72 = arith.constant 0 : i32
    %dma_start3A_73 = tpu.memref_slice %arg7[%dma_start3A_71, %dma_start3A_72] : memref<4x128xi32, #tpu.memory_space<vmem>> -> memref<1x128xi32, #tpu.memory_space<vmem>>
    %dma_start3A_74 = tpu.memref_squeeze %dma_start3A_73 : memref<1x128xi32, #tpu.memory_space<vmem>> -> memref<128xi32, #tpu.memory_space<vmem>>
    %dma_start3A_75 = arith.constant 0 : i32
    %dma_start3A_76 = arith.constant 0 : i32
    %dma_start3A_77 = tpu.memref_slice %arg5[%dma_start3A_75, %dma_start3A_76] : memref<24960x768xf32, #tpu.memory_space<hbm>> -> memref<24960x768xf32, #tpu.memory_space<hbm>>
    tpu.enqueue_indirect_dma source(%arg8 : memref<128x768xf32, #tpu.memory_space<vmem>>) target(%dma_start3A_77 : memref<24960x768xf32, #tpu.memory_space<hbm>>) offsets(%dma_start3A_74 : memref<128xi32, #tpu.memory_space<vmem>>) semaphore(%arg10 : memref<!tpu.dma_semaphore, #tpu.memory_space<semaphore_mem>>)
    %dma_wait3A_78 = arith.constant 1 : i32
    %dma_wait3A_79 = arith.constant 0 : i32
    %dma_wait3A_80 = tpu.memref_slice %arg7[%dma_wait3A_78, %dma_wait3A_79] : memref<4x128xi32, #tpu.memory_space<vmem>> -> memref<1x128xi32, #tpu.memory_space<vmem>>
    %dma_wait3A_81 = tpu.memref_squeeze %dma_wait3A_80 : memref<1x128xi32, #tpu.memory_space<vmem>> -> memref<128xi32, #tpu.memory_space<vmem>>
    %dma_wait3A_82 = arith.constant 0 : i32
    %dma_wait3A_83 = arith.constant 0 : i32
    %dma_wait3A_84 = tpu.memref_slice %arg6[%dma_wait3A_82, %dma_wait3A_83] : memref<24960x128xf32, #tpu.memory_space<hbm>> -> memref<24960x128xf32, #tpu.memory_space<hbm>>
    tpu.wait_indirect_dma semaphore(%arg11 : memref<!tpu.dma_semaphore, #tpu.memory_space<semaphore_mem>>) src(%arg9 : memref<128x128xf32, #tpu.memory_space<vmem>>) dst(%dma_wait3A_84 : memref<24960x128xf32, #tpu.memory_space<hbm>>)
    %add3A_85 = arith.constant 256 : i32
    %add3A_86 = arith.addi %mul3A_2, %add3A_85 : i32
    "tpu.region"() ({
      %run_scoped3A_140 = tpu.sem_alloc : memref<!tpu.dma_semaphore, #tpu.memory_space<semaphore_mem>>
      %dma_start3A_141 = arith.constant 0 : i32
      %dma_start3A_142 = tpu.memref_slice %arg4[%add3A_86, %dma_start3A_141] : memref<16384x128xf32, #tpu.memory_space<hbm>> -> memref<128x128xf32, #tpu.memory_space<hbm>>
      %dma_start3A_143 = arith.constant 0 : i32
      %dma_start3A_144 = tpu.memref_slice %arg4[%add3A_86, %dma_start3A_143] : memref<16384x128xf32, #tpu.memory_space<hbm>> -> memref<128x128xf32, #tpu.memory_space<hbm>>
      tpu.enqueue_dma source(%dma_start3A_144 : memref<128x128xf32, #tpu.memory_space<hbm>>) target(%arg9 : memref<128x128xf32, #tpu.memory_space<vmem>>) target_semaphore(%run_scoped3A_140 : memref<!tpu.dma_semaphore, #tpu.memory_space<semaphore_mem>>)
      %dma_wait3A_145 = arith.constant 0 : i32
      %dma_wait3A_146 = tpu.memref_slice %arg4[%add3A_86, %dma_wait3A_145] : memref<16384x128xf32, #tpu.memory_space<hbm>> -> memref<128x128xf32, #tpu.memory_space<hbm>>
      %dma_wait3A_147 = arith.constant 0 : i32
      %dma_wait3A_148 = tpu.memref_slice %arg4[%add3A_86, %dma_wait3A_147] : memref<16384x128xf32, #tpu.memory_space<hbm>> -> memref<128x128xf32, #tpu.memory_space<hbm>>
      tpu.wait_dma2 semaphore(%run_scoped3A_140 : memref<!tpu.dma_semaphore, #tpu.memory_space<semaphore_mem>>) src(%dma_wait3A_148 : memref<128x128xf32, #tpu.memory_space<hbm>>) dst(%arg9 : memref<128x128xf32, #tpu.memory_space<vmem>>)
      tpu.yield
    }) : () -> ()
    %dma_start3A_87 = arith.constant 2 : i32
    %dma_start3A_88 = arith.constant 0 : i32
    %dma_start3A_89 = tpu.memref_slice %arg7[%dma_start3A_87, %dma_start3A_88] : memref<4x128xi32, #tpu.memory_space<vmem>> -> memref<1x128xi32, #tpu.memory_space<vmem>>
    %dma_start3A_90 = tpu.memref_squeeze %dma_start3A_89 : memref<1x128xi32, #tpu.memory_space<vmem>> -> memref<128xi32, #tpu.memory_space<vmem>>
    %dma_start3A_91 = arith.constant 0 : i32
    %dma_start3A_92 = arith.constant 0 : i32
    %dma_start3A_93 = tpu.memref_slice %arg6[%dma_start3A_91, %dma_start3A_92] : memref<24960x128xf32, #tpu.memory_space<hbm>> -> memref<24960x128xf32, #tpu.memory_space<hbm>>
    tpu.enqueue_indirect_dma source(%arg9 : memref<128x128xf32, #tpu.memory_space<vmem>>) target(%dma_start3A_93 : memref<24960x128xf32, #tpu.memory_space<hbm>>) offsets(%dma_start3A_90 : memref<128xi32, #tpu.memory_space<vmem>>) semaphore(%arg11 : memref<!tpu.dma_semaphore, #tpu.memory_space<semaphore_mem>>)
    %dma_wait3A_94 = arith.constant 2 : i32
    %dma_wait3A_95 = arith.constant 0 : i32
    %dma_wait3A_96 = tpu.memref_slice %arg7[%dma_wait3A_94, %dma_wait3A_95] : memref<4x128xi32, #tpu.memory_space<vmem>> -> memref<1x128xi32, #tpu.memory_space<vmem>>
    %dma_wait3A_97 = tpu.memref_squeeze %dma_wait3A_96 : memref<1x128xi32, #tpu.memory_space<vmem>> -> memref<128xi32, #tpu.memory_space<vmem>>
    %dma_wait3A_98 = arith.constant 0 : i32
    %dma_wait3A_99 = arith.constant 0 : i32
    %dma_wait3A_100 = tpu.memref_slice %arg5[%dma_wait3A_98, %dma_wait3A_99] : memref<24960x768xf32, #tpu.memory_space<hbm>> -> memref<24960x768xf32, #tpu.memory_space<hbm>>
    tpu.wait_indirect_dma semaphore(%arg10 : memref<!tpu.dma_semaphore, #tpu.memory_space<semaphore_mem>>) src(%arg8 : memref<128x768xf32, #tpu.memory_space<vmem>>) dst(%dma_wait3A_100 : memref<24960x768xf32, #tpu.memory_space<hbm>>)
    %add3A_101 = arith.constant 384 : i32
    %add3A_102 = arith.addi %mul3A_2, %add3A_101 : i32
    "tpu.region"() ({
      %run_scoped3A_140 = tpu.sem_alloc : memref<!tpu.dma_semaphore, #tpu.memory_space<semaphore_mem>>
      %dma_start3A_141 = arith.constant 0 : i32
      %dma_start3A_142 = tpu.memref_slice %arg3[%add3A_102, %dma_start3A_141] : memref<16384x768xf32, #tpu.memory_space<hbm>> -> memref<128x768xf32, #tpu.memory_space<hbm>>
      %dma_start3A_143 = arith.constant 0 : i32
      %dma_start3A_144 = tpu.memref_slice %arg3[%add3A_102, %dma_start3A_143] : memref<16384x768xf32, #tpu.memory_space<hbm>> -> memref<128x768xf32, #tpu.memory_space<hbm>>
      tpu.enqueue_dma source(%dma_start3A_144 : memref<128x768xf32, #tpu.memory_space<hbm>>) target(%arg8 : memref<128x768xf32, #tpu.memory_space<vmem>>) target_semaphore(%run_scoped3A_140 : memref<!tpu.dma_semaphore, #tpu.memory_space<semaphore_mem>>)
      %dma_wait3A_145 = arith.constant 0 : i32
      %dma_wait3A_146 = tpu.memref_slice %arg3[%add3A_102, %dma_wait3A_145] : memref<16384x768xf32, #tpu.memory_space<hbm>> -> memref<128x768xf32, #tpu.memory_space<hbm>>
      %dma_wait3A_147 = arith.constant 0 : i32
      %dma_wait3A_148 = tpu.memref_slice %arg3[%add3A_102, %dma_wait3A_147] : memref<16384x768xf32, #tpu.memory_space<hbm>> -> memref<128x768xf32, #tpu.memory_space<hbm>>
      tpu.wait_dma2 semaphore(%run_scoped3A_140 : memref<!tpu.dma_semaphore, #tpu.memory_space<semaphore_mem>>) src(%dma_wait3A_148 : memref<128x768xf32, #tpu.memory_space<hbm>>) dst(%arg8 : memref<128x768xf32, #tpu.memory_space<vmem>>)
      tpu.yield
    }) : () -> ()
    %dma_start3A_103 = arith.constant 3 : i32
    %dma_start3A_104 = arith.constant 0 : i32
    %dma_start3A_105 = tpu.memref_slice %arg7[%dma_start3A_103, %dma_start3A_104] : memref<4x128xi32, #tpu.memory_space<vmem>> -> memref<1x128xi32, #tpu.memory_space<vmem>>
    %dma_start3A_106 = tpu.memref_squeeze %dma_start3A_105 : memref<1x128xi32, #tpu.memory_space<vmem>> -> memref<128xi32, #tpu.memory_space<vmem>>
    %dma_start3A_107 = arith.constant 0 : i32
    %dma_start3A_108 = arith.constant 0 : i32
    %dma_start3A_109 = tpu.memref_slice %arg5[%dma_start3A_107, %dma_start3A_108] : memref<24960x768xf32, #tpu.memory_space<hbm>> -> memref<24960x768xf32, #tpu.memory_space<hbm>>
    tpu.enqueue_indirect_dma source(%arg8 : memref<128x768xf32, #tpu.memory_space<vmem>>) target(%dma_start3A_109 : memref<24960x768xf32, #tpu.memory_space<hbm>>) offsets(%dma_start3A_106 : memref<128xi32, #tpu.memory_space<vmem>>) semaphore(%arg10 : memref<!tpu.dma_semaphore, #tpu.memory_space<semaphore_mem>>)
    %dma_wait3A_110 = arith.constant 2 : i32
    %dma_wait3A_111 = arith.constant 0 : i32
    %dma_wait3A_112 = tpu.memref_slice %arg7[%dma_wait3A_110, %dma_wait3A_111] : memref<4x128xi32, #tpu.memory_space<vmem>> -> memref<1x128xi32, #tpu.memory_space<vmem>>
    %dma_wait3A_113 = tpu.memref_squeeze %dma_wait3A_112 : memref<1x128xi32, #tpu.memory_space<vmem>> -> memref<128xi32, #tpu.memory_space<vmem>>
    %dma_wait3A_114 = arith.constant 0 : i32
    %dma_wait3A_115 = arith.constant 0 : i32
    %dma_wait3A_116 = tpu.memref_slice %arg6[%dma_wait3A_114, %dma_wait3A_115] : memref<24960x128xf32, #tpu.memory_space<hbm>> -> memref<24960x128xf32, #tpu.memory_space<hbm>>
    tpu.wait_indirect_dma semaphore(%arg11 : memref<!tpu.dma_semaphore, #tpu.memory_space<semaphore_mem>>) src(%arg9 : memref<128x128xf32, #tpu.memory_space<vmem>>) dst(%dma_wait3A_116 : memref<24960x128xf32, #tpu.memory_space<hbm>>)
    %add3A_117 = arith.constant 384 : i32
    %add3A_118 = arith.addi %mul3A_2, %add3A_117 : i32
    "tpu.region"() ({
      %run_scoped3A_140 = tpu.sem_alloc : memref<!tpu.dma_semaphore, #tpu.memory_space<semaphore_mem>>
      %dma_start3A_141 = arith.constant 0 : i32
      %dma_start3A_142 = tpu.memref_slice %arg4[%add3A_118, %dma_start3A_141] : memref<16384x128xf32, #tpu.memory_space<hbm>> -> memref<128x128xf32, #tpu.memory_space<hbm>>
      %dma_start3A_143 = arith.constant 0 : i32
      %dma_start3A_144 = tpu.memref_slice %arg4[%add3A_118, %dma_start3A_143] : memref<16384x128xf32, #tpu.memory_space<hbm>> -> memref<128x128xf32, #tpu.memory_space<hbm>>
      tpu.enqueue_dma source(%dma_start3A_144 : memref<128x128xf32, #tpu.memory_space<hbm>>) target(%arg9 : memref<128x128xf32, #tpu.memory_space<vmem>>) target_semaphore(%run_scoped3A_140 : memref<!tpu.dma_semaphore, #tpu.memory_space<semaphore_mem>>)
      %dma_wait3A_145 = arith.constant 0 : i32
      %dma_wait3A_146 = tpu.memref_slice %arg4[%add3A_118, %dma_wait3A_145] : memref<16384x128xf32, #tpu.memory_space<hbm>> -> memref<128x128xf32, #tpu.memory_space<hbm>>
      %dma_wait3A_147 = arith.constant 0 : i32
      %dma_wait3A_148 = tpu.memref_slice %arg4[%add3A_118, %dma_wait3A_147] : memref<16384x128xf32, #tpu.memory_space<hbm>> -> memref<128x128xf32, #tpu.memory_space<hbm>>
      tpu.wait_dma2 semaphore(%run_scoped3A_140 : memref<!tpu.dma_semaphore, #tpu.memory_space<semaphore_mem>>) src(%dma_wait3A_148 : memref<128x128xf32, #tpu.memory_space<hbm>>) dst(%arg9 : memref<128x128xf32, #tpu.memory_space<vmem>>)
      tpu.yield
    }) : () -> ()
    %dma_start3A_119 = arith.constant 3 : i32
    %dma_start3A_120 = arith.constant 0 : i32
    %dma_start3A_121 = tpu.memref_slice %arg7[%dma_start3A_119, %dma_start3A_120] : memref<4x128xi32, #tpu.memory_space<vmem>> -> memref<1x128xi32, #tpu.memory_space<vmem>>
    %dma_start3A_122 = tpu.memref_squeeze %dma_start3A_121 : memref<1x128xi32, #tpu.memory_space<vmem>> -> memref<128xi32, #tpu.memory_space<vmem>>
    %dma_start3A_123 = arith.constant 0 : i32
    %dma_start3A_124 = arith.constant 0 : i32
    %dma_start3A_125 = tpu.memref_slice %arg6[%dma_start3A_123, %dma_start3A_124] : memref<24960x128xf32, #tpu.memory_space<hbm>> -> memref<24960x128xf32, #tpu.memory_space<hbm>>
    tpu.enqueue_indirect_dma source(%arg9 : memref<128x128xf32, #tpu.memory_space<vmem>>) target(%dma_start3A_125 : memref<24960x128xf32, #tpu.memory_space<hbm>>) offsets(%dma_start3A_122 : memref<128xi32, #tpu.memory_space<vmem>>) semaphore(%arg11 : memref<!tpu.dma_semaphore, #tpu.memory_space<semaphore_mem>>)
    %dma_wait3A_126 = arith.constant 3 : i32
    %dma_wait3A_127 = arith.constant 0 : i32
    %dma_wait3A_128 = tpu.memref_slice %arg7[%dma_wait3A_126, %dma_wait3A_127] : memref<4x128xi32, #tpu.memory_space<vmem>> -> memref<1x128xi32, #tpu.memory_space<vmem>>
    %dma_wait3A_129 = tpu.memref_squeeze %dma_wait3A_128 : memref<1x128xi32, #tpu.memory_space<vmem>> -> memref<128xi32, #tpu.memory_space<vmem>>
    %dma_wait3A_130 = arith.constant 0 : i32
    %dma_wait3A_131 = arith.constant 0 : i32
    %dma_wait3A_132 = tpu.memref_slice %arg5[%dma_wait3A_130, %dma_wait3A_131] : memref<24960x768xf32, #tpu.memory_space<hbm>> -> memref<24960x768xf32, #tpu.memory_space<hbm>>
    tpu.wait_indirect_dma semaphore(%arg10 : memref<!tpu.dma_semaphore, #tpu.memory_space<semaphore_mem>>) src(%arg8 : memref<128x768xf32, #tpu.memory_space<vmem>>) dst(%dma_wait3A_132 : memref<24960x768xf32, #tpu.memory_space<hbm>>)
    %dma_wait3A_133 = arith.constant 3 : i32
    %dma_wait3A_134 = arith.constant 0 : i32
    %dma_wait3A_135 = tpu.memref_slice %arg7[%dma_wait3A_133, %dma_wait3A_134] : memref<4x128xi32, #tpu.memory_space<vmem>> -> memref<1x128xi32, #tpu.memory_space<vmem>>
    %dma_wait3A_136 = tpu.memref_squeeze %dma_wait3A_135 : memref<1x128xi32, #tpu.memory_space<vmem>> -> memref<128xi32, #tpu.memory_space<vmem>>
    %dma_wait3A_137 = arith.constant 0 : i32
    %dma_wait3A_138 = arith.constant 0 : i32
    %dma_wait3A_139 = tpu.memref_slice %arg6[%dma_wait3A_137, %dma_wait3A_138] : memref<24960x128xf32, #tpu.memory_space<hbm>> -> memref<24960x128xf32, #tpu.memory_space<hbm>>
    tpu.wait_indirect_dma semaphore(%arg11 : memref<!tpu.dma_semaphore, #tpu.memory_space<semaphore_mem>>) src(%arg9 : memref<128x128xf32, #tpu.memory_space<vmem>>) dst(%dma_wait3A_139 : memref<24960x128xf32, #tpu.memory_space<hbm>>)
    return
  }
}

#map = affine_map<(d0, d1) -> (0)>
#map1 = affine_map<(d0, d1) -> (0, 0)>
module attributes {stable_mosaic.version = 14 : i64} {
  func.func @gather_k(%arg0: i32, %arg1: i32, %arg2: memref<16384xi32, #tpu.memory_space<hbm>>, %arg3: memref<24960x768xf32, #tpu.memory_space<hbm>>, %arg4: memref<16384x768xf32, #tpu.memory_space<hbm>>, %arg5: memref<4x128xi32, #tpu.memory_space<vmem>>, %arg6: memref<128x768xf32, #tpu.memory_space<vmem>>, %arg7: memref<!tpu.dma_semaphore, #tpu.memory_space<semaphore_mem>>) attributes {dimension_semantics = [#tpu.dimension_semantics<core_parallel>, #tpu.dimension_semantics<subcore_parallel>], iteration_bounds = array<i64: 2, 16>, scalar_prefetch = 0 : i64, scratch_operands = 3 : i64, tpu.core_type = #tpu.core_type<sc_vector_subcore>, window_params = [{transform_indices = #map}, {transform_indices = #map1}, {transform_indices = #map1}]} {
    %mul3A = arith.constant 2 : i32
    %mul3A_0 = arith.muli %arg1, %mul3A : i32
    %add3A = arith.addi %mul3A_0, %arg0 : i32
    %mul3A_1 = arith.constant 512 : i32
    %mul3A_2 = arith.muli %add3A, %mul3A_1 : i32
    %add3A_3 = arith.constant 0 : i32
    %add3A_4 = arith.addi %mul3A_2, %add3A_3 : i32
    %run_scoped3A = arith.constant 0 : i32
    "tpu.region"() ({
      %run_scoped3A_76 = tpu.sem_alloc : memref<!tpu.dma_semaphore, #tpu.memory_space<semaphore_mem>>
      %dma_start3A_77 = arith.constant 0 : i32
      %dma_start3A_78 = tpu.memref_slice %arg5[%run_scoped3A, %dma_start3A_77] : memref<4x128xi32, #tpu.memory_space<vmem>> -> memref<1x128xi32, #tpu.memory_space<vmem>>
      %dma_start3A_79 = tpu.memref_squeeze %dma_start3A_78 : memref<1x128xi32, #tpu.memory_space<vmem>> -> memref<128xi32, #tpu.memory_space<vmem>>
      %dma_start3A_80 = tpu.memref_slice %arg2[%add3A_4] : memref<16384xi32, #tpu.memory_space<hbm>> -> memref<128xi32, #tpu.memory_space<hbm>>
      %dma_start3A_81 = arith.constant 0 : i32
      %dma_start3A_82 = tpu.memref_slice %arg5[%run_scoped3A, %dma_start3A_81] : memref<4x128xi32, #tpu.memory_space<vmem>> -> memref<1x128xi32, #tpu.memory_space<vmem>>
      %dma_start3A_83 = tpu.memref_squeeze %dma_start3A_82 : memref<1x128xi32, #tpu.memory_space<vmem>> -> memref<128xi32, #tpu.memory_space<vmem>>
      %dma_start3A_84 = tpu.memref_slice %arg2[%add3A_4] : memref<16384xi32, #tpu.memory_space<hbm>> -> memref<128xi32, #tpu.memory_space<hbm>>
      tpu.enqueue_dma source(%dma_start3A_84 : memref<128xi32, #tpu.memory_space<hbm>>) target(%dma_start3A_83 : memref<128xi32, #tpu.memory_space<vmem>>) target_semaphore(%run_scoped3A_76 : memref<!tpu.dma_semaphore, #tpu.memory_space<semaphore_mem>>)
      %dma_wait3A_85 = arith.constant 0 : i32
      %dma_wait3A_86 = tpu.memref_slice %arg5[%run_scoped3A, %dma_wait3A_85] : memref<4x128xi32, #tpu.memory_space<vmem>> -> memref<1x128xi32, #tpu.memory_space<vmem>>
      %dma_wait3A_87 = tpu.memref_squeeze %dma_wait3A_86 : memref<1x128xi32, #tpu.memory_space<vmem>> -> memref<128xi32, #tpu.memory_space<vmem>>
      %dma_wait3A_88 = tpu.memref_slice %arg2[%add3A_4] : memref<16384xi32, #tpu.memory_space<hbm>> -> memref<128xi32, #tpu.memory_space<hbm>>
      %dma_wait3A_89 = arith.constant 0 : i32
      %dma_wait3A_90 = tpu.memref_slice %arg5[%run_scoped3A, %dma_wait3A_89] : memref<4x128xi32, #tpu.memory_space<vmem>> -> memref<1x128xi32, #tpu.memory_space<vmem>>
      %dma_wait3A_91 = tpu.memref_squeeze %dma_wait3A_90 : memref<1x128xi32, #tpu.memory_space<vmem>> -> memref<128xi32, #tpu.memory_space<vmem>>
      %dma_wait3A_92 = tpu.memref_slice %arg2[%add3A_4] : memref<16384xi32, #tpu.memory_space<hbm>> -> memref<128xi32, #tpu.memory_space<hbm>>
      tpu.wait_dma2 semaphore(%run_scoped3A_76 : memref<!tpu.dma_semaphore, #tpu.memory_space<semaphore_mem>>) src(%dma_wait3A_92 : memref<128xi32, #tpu.memory_space<hbm>>) dst(%dma_wait3A_91 : memref<128xi32, #tpu.memory_space<vmem>>)
      tpu.yield
    }) : () -> ()
    %add3A_5 = arith.constant 128 : i32
    %add3A_6 = arith.addi %mul3A_2, %add3A_5 : i32
    %run_scoped3A_7 = arith.constant 1 : i32
    "tpu.region"() ({
      %run_scoped3A_76 = tpu.sem_alloc : memref<!tpu.dma_semaphore, #tpu.memory_space<semaphore_mem>>
      %dma_start3A_77 = arith.constant 0 : i32
      %dma_start3A_78 = tpu.memref_slice %arg5[%run_scoped3A_7, %dma_start3A_77] : memref<4x128xi32, #tpu.memory_space<vmem>> -> memref<1x128xi32, #tpu.memory_space<vmem>>
      %dma_start3A_79 = tpu.memref_squeeze %dma_start3A_78 : memref<1x128xi32, #tpu.memory_space<vmem>> -> memref<128xi32, #tpu.memory_space<vmem>>
      %dma_start3A_80 = tpu.memref_slice %arg2[%add3A_6] : memref<16384xi32, #tpu.memory_space<hbm>> -> memref<128xi32, #tpu.memory_space<hbm>>
      %dma_start3A_81 = arith.constant 0 : i32
      %dma_start3A_82 = tpu.memref_slice %arg5[%run_scoped3A_7, %dma_start3A_81] : memref<4x128xi32, #tpu.memory_space<vmem>> -> memref<1x128xi32, #tpu.memory_space<vmem>>
      %dma_start3A_83 = tpu.memref_squeeze %dma_start3A_82 : memref<1x128xi32, #tpu.memory_space<vmem>> -> memref<128xi32, #tpu.memory_space<vmem>>
      %dma_start3A_84 = tpu.memref_slice %arg2[%add3A_6] : memref<16384xi32, #tpu.memory_space<hbm>> -> memref<128xi32, #tpu.memory_space<hbm>>
      tpu.enqueue_dma source(%dma_start3A_84 : memref<128xi32, #tpu.memory_space<hbm>>) target(%dma_start3A_83 : memref<128xi32, #tpu.memory_space<vmem>>) target_semaphore(%run_scoped3A_76 : memref<!tpu.dma_semaphore, #tpu.memory_space<semaphore_mem>>)
      %dma_wait3A_85 = arith.constant 0 : i32
      %dma_wait3A_86 = tpu.memref_slice %arg5[%run_scoped3A_7, %dma_wait3A_85] : memref<4x128xi32, #tpu.memory_space<vmem>> -> memref<1x128xi32, #tpu.memory_space<vmem>>
      %dma_wait3A_87 = tpu.memref_squeeze %dma_wait3A_86 : memref<1x128xi32, #tpu.memory_space<vmem>> -> memref<128xi32, #tpu.memory_space<vmem>>
      %dma_wait3A_88 = tpu.memref_slice %arg2[%add3A_6] : memref<16384xi32, #tpu.memory_space<hbm>> -> memref<128xi32, #tpu.memory_space<hbm>>
      %dma_wait3A_89 = arith.constant 0 : i32
      %dma_wait3A_90 = tpu.memref_slice %arg5[%run_scoped3A_7, %dma_wait3A_89] : memref<4x128xi32, #tpu.memory_space<vmem>> -> memref<1x128xi32, #tpu.memory_space<vmem>>
      %dma_wait3A_91 = tpu.memref_squeeze %dma_wait3A_90 : memref<1x128xi32, #tpu.memory_space<vmem>> -> memref<128xi32, #tpu.memory_space<vmem>>
      %dma_wait3A_92 = tpu.memref_slice %arg2[%add3A_6] : memref<16384xi32, #tpu.memory_space<hbm>> -> memref<128xi32, #tpu.memory_space<hbm>>
      tpu.wait_dma2 semaphore(%run_scoped3A_76 : memref<!tpu.dma_semaphore, #tpu.memory_space<semaphore_mem>>) src(%dma_wait3A_92 : memref<128xi32, #tpu.memory_space<hbm>>) dst(%dma_wait3A_91 : memref<128xi32, #tpu.memory_space<vmem>>)
      tpu.yield
    }) : () -> ()
    %add3A_8 = arith.constant 256 : i32
    %add3A_9 = arith.addi %mul3A_2, %add3A_8 : i32
    %run_scoped3A_10 = arith.constant 2 : i32
    "tpu.region"() ({
      %run_scoped3A_76 = tpu.sem_alloc : memref<!tpu.dma_semaphore, #tpu.memory_space<semaphore_mem>>
      %dma_start3A_77 = arith.constant 0 : i32
      %dma_start3A_78 = tpu.memref_slice %arg5[%run_scoped3A_10, %dma_start3A_77] : memref<4x128xi32, #tpu.memory_space<vmem>> -> memref<1x128xi32, #tpu.memory_space<vmem>>
      %dma_start3A_79 = tpu.memref_squeeze %dma_start3A_78 : memref<1x128xi32, #tpu.memory_space<vmem>> -> memref<128xi32, #tpu.memory_space<vmem>>
      %dma_start3A_80 = tpu.memref_slice %arg2[%add3A_9] : memref<16384xi32, #tpu.memory_space<hbm>> -> memref<128xi32, #tpu.memory_space<hbm>>
      %dma_start3A_81 = arith.constant 0 : i32
      %dma_start3A_82 = tpu.memref_slice %arg5[%run_scoped3A_10, %dma_start3A_81] : memref<4x128xi32, #tpu.memory_space<vmem>> -> memref<1x128xi32, #tpu.memory_space<vmem>>
      %dma_start3A_83 = tpu.memref_squeeze %dma_start3A_82 : memref<1x128xi32, #tpu.memory_space<vmem>> -> memref<128xi32, #tpu.memory_space<vmem>>
      %dma_start3A_84 = tpu.memref_slice %arg2[%add3A_9] : memref<16384xi32, #tpu.memory_space<hbm>> -> memref<128xi32, #tpu.memory_space<hbm>>
      tpu.enqueue_dma source(%dma_start3A_84 : memref<128xi32, #tpu.memory_space<hbm>>) target(%dma_start3A_83 : memref<128xi32, #tpu.memory_space<vmem>>) target_semaphore(%run_scoped3A_76 : memref<!tpu.dma_semaphore, #tpu.memory_space<semaphore_mem>>)
      %dma_wait3A_85 = arith.constant 0 : i32
      %dma_wait3A_86 = tpu.memref_slice %arg5[%run_scoped3A_10, %dma_wait3A_85] : memref<4x128xi32, #tpu.memory_space<vmem>> -> memref<1x128xi32, #tpu.memory_space<vmem>>
      %dma_wait3A_87 = tpu.memref_squeeze %dma_wait3A_86 : memref<1x128xi32, #tpu.memory_space<vmem>> -> memref<128xi32, #tpu.memory_space<vmem>>
      %dma_wait3A_88 = tpu.memref_slice %arg2[%add3A_9] : memref<16384xi32, #tpu.memory_space<hbm>> -> memref<128xi32, #tpu.memory_space<hbm>>
      %dma_wait3A_89 = arith.constant 0 : i32
      %dma_wait3A_90 = tpu.memref_slice %arg5[%run_scoped3A_10, %dma_wait3A_89] : memref<4x128xi32, #tpu.memory_space<vmem>> -> memref<1x128xi32, #tpu.memory_space<vmem>>
      %dma_wait3A_91 = tpu.memref_squeeze %dma_wait3A_90 : memref<1x128xi32, #tpu.memory_space<vmem>> -> memref<128xi32, #tpu.memory_space<vmem>>
      %dma_wait3A_92 = tpu.memref_slice %arg2[%add3A_9] : memref<16384xi32, #tpu.memory_space<hbm>> -> memref<128xi32, #tpu.memory_space<hbm>>
      tpu.wait_dma2 semaphore(%run_scoped3A_76 : memref<!tpu.dma_semaphore, #tpu.memory_space<semaphore_mem>>) src(%dma_wait3A_92 : memref<128xi32, #tpu.memory_space<hbm>>) dst(%dma_wait3A_91 : memref<128xi32, #tpu.memory_space<vmem>>)
      tpu.yield
    }) : () -> ()
    %add3A_11 = arith.constant 384 : i32
    %add3A_12 = arith.addi %mul3A_2, %add3A_11 : i32
    %run_scoped3A_13 = arith.constant 3 : i32
    "tpu.region"() ({
      %run_scoped3A_76 = tpu.sem_alloc : memref<!tpu.dma_semaphore, #tpu.memory_space<semaphore_mem>>
      %dma_start3A_77 = arith.constant 0 : i32
      %dma_start3A_78 = tpu.memref_slice %arg5[%run_scoped3A_13, %dma_start3A_77] : memref<4x128xi32, #tpu.memory_space<vmem>> -> memref<1x128xi32, #tpu.memory_space<vmem>>
      %dma_start3A_79 = tpu.memref_squeeze %dma_start3A_78 : memref<1x128xi32, #tpu.memory_space<vmem>> -> memref<128xi32, #tpu.memory_space<vmem>>
      %dma_start3A_80 = tpu.memref_slice %arg2[%add3A_12] : memref<16384xi32, #tpu.memory_space<hbm>> -> memref<128xi32, #tpu.memory_space<hbm>>
      %dma_start3A_81 = arith.constant 0 : i32
      %dma_start3A_82 = tpu.memref_slice %arg5[%run_scoped3A_13, %dma_start3A_81] : memref<4x128xi32, #tpu.memory_space<vmem>> -> memref<1x128xi32, #tpu.memory_space<vmem>>
      %dma_start3A_83 = tpu.memref_squeeze %dma_start3A_82 : memref<1x128xi32, #tpu.memory_space<vmem>> -> memref<128xi32, #tpu.memory_space<vmem>>
      %dma_start3A_84 = tpu.memref_slice %arg2[%add3A_12] : memref<16384xi32, #tpu.memory_space<hbm>> -> memref<128xi32, #tpu.memory_space<hbm>>
      tpu.enqueue_dma source(%dma_start3A_84 : memref<128xi32, #tpu.memory_space<hbm>>) target(%dma_start3A_83 : memref<128xi32, #tpu.memory_space<vmem>>) target_semaphore(%run_scoped3A_76 : memref<!tpu.dma_semaphore, #tpu.memory_space<semaphore_mem>>)
      %dma_wait3A_85 = arith.constant 0 : i32
      %dma_wait3A_86 = tpu.memref_slice %arg5[%run_scoped3A_13, %dma_wait3A_85] : memref<4x128xi32, #tpu.memory_space<vmem>> -> memref<1x128xi32, #tpu.memory_space<vmem>>
      %dma_wait3A_87 = tpu.memref_squeeze %dma_wait3A_86 : memref<1x128xi32, #tpu.memory_space<vmem>> -> memref<128xi32, #tpu.memory_space<vmem>>
      %dma_wait3A_88 = tpu.memref_slice %arg2[%add3A_12] : memref<16384xi32, #tpu.memory_space<hbm>> -> memref<128xi32, #tpu.memory_space<hbm>>
      %dma_wait3A_89 = arith.constant 0 : i32
      %dma_wait3A_90 = tpu.memref_slice %arg5[%run_scoped3A_13, %dma_wait3A_89] : memref<4x128xi32, #tpu.memory_space<vmem>> -> memref<1x128xi32, #tpu.memory_space<vmem>>
      %dma_wait3A_91 = tpu.memref_squeeze %dma_wait3A_90 : memref<1x128xi32, #tpu.memory_space<vmem>> -> memref<128xi32, #tpu.memory_space<vmem>>
      %dma_wait3A_92 = tpu.memref_slice %arg2[%add3A_12] : memref<16384xi32, #tpu.memory_space<hbm>> -> memref<128xi32, #tpu.memory_space<hbm>>
      tpu.wait_dma2 semaphore(%run_scoped3A_76 : memref<!tpu.dma_semaphore, #tpu.memory_space<semaphore_mem>>) src(%dma_wait3A_92 : memref<128xi32, #tpu.memory_space<hbm>>) dst(%dma_wait3A_91 : memref<128xi32, #tpu.memory_space<vmem>>)
      tpu.yield
    }) : () -> ()
    %dma_start3A = arith.constant 0 : i32
    %dma_start3A_14 = arith.constant 0 : i32
    %dma_start3A_15 = tpu.memref_slice %arg5[%dma_start3A, %dma_start3A_14] : memref<4x128xi32, #tpu.memory_space<vmem>> -> memref<1x128xi32, #tpu.memory_space<vmem>>
    %dma_start3A_16 = tpu.memref_squeeze %dma_start3A_15 : memref<1x128xi32, #tpu.memory_space<vmem>> -> memref<128xi32, #tpu.memory_space<vmem>>
    %dma_start3A_17 = arith.constant 0 : i32
    %dma_start3A_18 = arith.constant 0 : i32
    %dma_start3A_19 = tpu.memref_slice %arg3[%dma_start3A_17, %dma_start3A_18] : memref<24960x768xf32, #tpu.memory_space<hbm>> -> memref<24960x768xf32, #tpu.memory_space<hbm>>
    tpu.enqueue_indirect_dma source(%dma_start3A_19 : memref<24960x768xf32, #tpu.memory_space<hbm>>) target(%arg6 : memref<128x768xf32, #tpu.memory_space<vmem>>) offsets(%dma_start3A_16 : memref<128xi32, #tpu.memory_space<vmem>>) semaphore(%arg7 : memref<!tpu.dma_semaphore, #tpu.memory_space<semaphore_mem>>)
    %dma_wait3A = arith.constant 0 : i32
    %dma_wait3A_20 = arith.constant 0 : i32
    %dma_wait3A_21 = tpu.memref_slice %arg5[%dma_wait3A, %dma_wait3A_20] : memref<4x128xi32, #tpu.memory_space<vmem>> -> memref<1x128xi32, #tpu.memory_space<vmem>>
    %dma_wait3A_22 = tpu.memref_squeeze %dma_wait3A_21 : memref<1x128xi32, #tpu.memory_space<vmem>> -> memref<128xi32, #tpu.memory_space<vmem>>
    %dma_wait3A_23 = arith.constant 0 : i32
    %dma_wait3A_24 = arith.constant 0 : i32
    %dma_wait3A_25 = tpu.memref_slice %arg3[%dma_wait3A_23, %dma_wait3A_24] : memref<24960x768xf32, #tpu.memory_space<hbm>> -> memref<24960x768xf32, #tpu.memory_space<hbm>>
    tpu.wait_indirect_dma semaphore(%arg7 : memref<!tpu.dma_semaphore, #tpu.memory_space<semaphore_mem>>) src(%dma_wait3A_25 : memref<24960x768xf32, #tpu.memory_space<hbm>>) dst(%arg6 : memref<128x768xf32, #tpu.memory_space<vmem>>)
    %add3A_26 = arith.constant 0 : i32
    %add3A_27 = arith.addi %mul3A_2, %add3A_26 : i32
    "tpu.region"() ({
      %run_scoped3A_76 = tpu.sem_alloc : memref<!tpu.dma_semaphore, #tpu.memory_space<semaphore_mem>>
      %dma_start3A_77 = arith.constant 0 : i32
      %dma_start3A_78 = tpu.memref_slice %arg4[%add3A_27, %dma_start3A_77] : memref<16384x768xf32, #tpu.memory_space<hbm>> -> memref<128x768xf32, #tpu.memory_space<hbm>>
      %dma_start3A_79 = arith.constant 0 : i32
      %dma_start3A_80 = tpu.memref_slice %arg4[%add3A_27, %dma_start3A_79] : memref<16384x768xf32, #tpu.memory_space<hbm>> -> memref<128x768xf32, #tpu.memory_space<hbm>>
      tpu.enqueue_dma source(%arg6 : memref<128x768xf32, #tpu.memory_space<vmem>>) target(%dma_start3A_80 : memref<128x768xf32, #tpu.memory_space<hbm>>) target_semaphore(%run_scoped3A_76 : memref<!tpu.dma_semaphore, #tpu.memory_space<semaphore_mem>>)
      %dma_wait3A_81 = arith.constant 0 : i32
      %dma_wait3A_82 = tpu.memref_slice %arg4[%add3A_27, %dma_wait3A_81] : memref<16384x768xf32, #tpu.memory_space<hbm>> -> memref<128x768xf32, #tpu.memory_space<hbm>>
      %dma_wait3A_83 = arith.constant 0 : i32
      %dma_wait3A_84 = tpu.memref_slice %arg4[%add3A_27, %dma_wait3A_83] : memref<16384x768xf32, #tpu.memory_space<hbm>> -> memref<128x768xf32, #tpu.memory_space<hbm>>
      tpu.wait_dma2 semaphore(%run_scoped3A_76 : memref<!tpu.dma_semaphore, #tpu.memory_space<semaphore_mem>>) src(%arg6 : memref<128x768xf32, #tpu.memory_space<vmem>>) dst(%dma_wait3A_84 : memref<128x768xf32, #tpu.memory_space<hbm>>)
      tpu.yield
    }) : () -> ()
    %dma_start3A_28 = arith.constant 1 : i32
    %dma_start3A_29 = arith.constant 0 : i32
    %dma_start3A_30 = tpu.memref_slice %arg5[%dma_start3A_28, %dma_start3A_29] : memref<4x128xi32, #tpu.memory_space<vmem>> -> memref<1x128xi32, #tpu.memory_space<vmem>>
    %dma_start3A_31 = tpu.memref_squeeze %dma_start3A_30 : memref<1x128xi32, #tpu.memory_space<vmem>> -> memref<128xi32, #tpu.memory_space<vmem>>
    %dma_start3A_32 = arith.constant 0 : i32
    %dma_start3A_33 = arith.constant 0 : i32
    %dma_start3A_34 = tpu.memref_slice %arg3[%dma_start3A_32, %dma_start3A_33] : memref<24960x768xf32, #tpu.memory_space<hbm>> -> memref<24960x768xf32, #tpu.memory_space<hbm>>
    tpu.enqueue_indirect_dma source(%dma_start3A_34 : memref<24960x768xf32, #tpu.memory_space<hbm>>) target(%arg6 : memref<128x768xf32, #tpu.memory_space<vmem>>) offsets(%dma_start3A_31 : memref<128xi32, #tpu.memory_space<vmem>>) semaphore(%arg7 : memref<!tpu.dma_semaphore, #tpu.memory_space<semaphore_mem>>)
    %dma_wait3A_35 = arith.constant 1 : i32
    %dma_wait3A_36 = arith.constant 0 : i32
    %dma_wait3A_37 = tpu.memref_slice %arg5[%dma_wait3A_35, %dma_wait3A_36] : memref<4x128xi32, #tpu.memory_space<vmem>> -> memref<1x128xi32, #tpu.memory_space<vmem>>
    %dma_wait3A_38 = tpu.memref_squeeze %dma_wait3A_37 : memref<1x128xi32, #tpu.memory_space<vmem>> -> memref<128xi32, #tpu.memory_space<vmem>>
    %dma_wait3A_39 = arith.constant 0 : i32
    %dma_wait3A_40 = arith.constant 0 : i32
    %dma_wait3A_41 = tpu.memref_slice %arg3[%dma_wait3A_39, %dma_wait3A_40] : memref<24960x768xf32, #tpu.memory_space<hbm>> -> memref<24960x768xf32, #tpu.memory_space<hbm>>
    tpu.wait_indirect_dma semaphore(%arg7 : memref<!tpu.dma_semaphore, #tpu.memory_space<semaphore_mem>>) src(%dma_wait3A_41 : memref<24960x768xf32, #tpu.memory_space<hbm>>) dst(%arg6 : memref<128x768xf32, #tpu.memory_space<vmem>>)
    %add3A_42 = arith.constant 128 : i32
    %add3A_43 = arith.addi %mul3A_2, %add3A_42 : i32
    "tpu.region"() ({
      %run_scoped3A_76 = tpu.sem_alloc : memref<!tpu.dma_semaphore, #tpu.memory_space<semaphore_mem>>
      %dma_start3A_77 = arith.constant 0 : i32
      %dma_start3A_78 = tpu.memref_slice %arg4[%add3A_43, %dma_start3A_77] : memref<16384x768xf32, #tpu.memory_space<hbm>> -> memref<128x768xf32, #tpu.memory_space<hbm>>
      %dma_start3A_79 = arith.constant 0 : i32
      %dma_start3A_80 = tpu.memref_slice %arg4[%add3A_43, %dma_start3A_79] : memref<16384x768xf32, #tpu.memory_space<hbm>> -> memref<128x768xf32, #tpu.memory_space<hbm>>
      tpu.enqueue_dma source(%arg6 : memref<128x768xf32, #tpu.memory_space<vmem>>) target(%dma_start3A_80 : memref<128x768xf32, #tpu.memory_space<hbm>>) target_semaphore(%run_scoped3A_76 : memref<!tpu.dma_semaphore, #tpu.memory_space<semaphore_mem>>)
      %dma_wait3A_81 = arith.constant 0 : i32
      %dma_wait3A_82 = tpu.memref_slice %arg4[%add3A_43, %dma_wait3A_81] : memref<16384x768xf32, #tpu.memory_space<hbm>> -> memref<128x768xf32, #tpu.memory_space<hbm>>
      %dma_wait3A_83 = arith.constant 0 : i32
      %dma_wait3A_84 = tpu.memref_slice %arg4[%add3A_43, %dma_wait3A_83] : memref<16384x768xf32, #tpu.memory_space<hbm>> -> memref<128x768xf32, #tpu.memory_space<hbm>>
      tpu.wait_dma2 semaphore(%run_scoped3A_76 : memref<!tpu.dma_semaphore, #tpu.memory_space<semaphore_mem>>) src(%arg6 : memref<128x768xf32, #tpu.memory_space<vmem>>) dst(%dma_wait3A_84 : memref<128x768xf32, #tpu.memory_space<hbm>>)
      tpu.yield
    }) : () -> ()
    %dma_start3A_44 = arith.constant 2 : i32
    %dma_start3A_45 = arith.constant 0 : i32
    %dma_start3A_46 = tpu.memref_slice %arg5[%dma_start3A_44, %dma_start3A_45] : memref<4x128xi32, #tpu.memory_space<vmem>> -> memref<1x128xi32, #tpu.memory_space<vmem>>
    %dma_start3A_47 = tpu.memref_squeeze %dma_start3A_46 : memref<1x128xi32, #tpu.memory_space<vmem>> -> memref<128xi32, #tpu.memory_space<vmem>>
    %dma_start3A_48 = arith.constant 0 : i32
    %dma_start3A_49 = arith.constant 0 : i32
    %dma_start3A_50 = tpu.memref_slice %arg3[%dma_start3A_48, %dma_start3A_49] : memref<24960x768xf32, #tpu.memory_space<hbm>> -> memref<24960x768xf32, #tpu.memory_space<hbm>>
    tpu.enqueue_indirect_dma source(%dma_start3A_50 : memref<24960x768xf32, #tpu.memory_space<hbm>>) target(%arg6 : memref<128x768xf32, #tpu.memory_space<vmem>>) offsets(%dma_start3A_47 : memref<128xi32, #tpu.memory_space<vmem>>) semaphore(%arg7 : memref<!tpu.dma_semaphore, #tpu.memory_space<semaphore_mem>>)
    %dma_wait3A_51 = arith.constant 2 : i32
    %dma_wait3A_52 = arith.constant 0 : i32
    %dma_wait3A_53 = tpu.memref_slice %arg5[%dma_wait3A_51, %dma_wait3A_52] : memref<4x128xi32, #tpu.memory_space<vmem>> -> memref<1x128xi32, #tpu.memory_space<vmem>>
    %dma_wait3A_54 = tpu.memref_squeeze %dma_wait3A_53 : memref<1x128xi32, #tpu.memory_space<vmem>> -> memref<128xi32, #tpu.memory_space<vmem>>
    %dma_wait3A_55 = arith.constant 0 : i32
    %dma_wait3A_56 = arith.constant 0 : i32
    %dma_wait3A_57 = tpu.memref_slice %arg3[%dma_wait3A_55, %dma_wait3A_56] : memref<24960x768xf32, #tpu.memory_space<hbm>> -> memref<24960x768xf32, #tpu.memory_space<hbm>>
    tpu.wait_indirect_dma semaphore(%arg7 : memref<!tpu.dma_semaphore, #tpu.memory_space<semaphore_mem>>) src(%dma_wait3A_57 : memref<24960x768xf32, #tpu.memory_space<hbm>>) dst(%arg6 : memref<128x768xf32, #tpu.memory_space<vmem>>)
    %add3A_58 = arith.constant 256 : i32
    %add3A_59 = arith.addi %mul3A_2, %add3A_58 : i32
    "tpu.region"() ({
      %run_scoped3A_76 = tpu.sem_alloc : memref<!tpu.dma_semaphore, #tpu.memory_space<semaphore_mem>>
      %dma_start3A_77 = arith.constant 0 : i32
      %dma_start3A_78 = tpu.memref_slice %arg4[%add3A_59, %dma_start3A_77] : memref<16384x768xf32, #tpu.memory_space<hbm>> -> memref<128x768xf32, #tpu.memory_space<hbm>>
      %dma_start3A_79 = arith.constant 0 : i32
      %dma_start3A_80 = tpu.memref_slice %arg4[%add3A_59, %dma_start3A_79] : memref<16384x768xf32, #tpu.memory_space<hbm>> -> memref<128x768xf32, #tpu.memory_space<hbm>>
      tpu.enqueue_dma source(%arg6 : memref<128x768xf32, #tpu.memory_space<vmem>>) target(%dma_start3A_80 : memref<128x768xf32, #tpu.memory_space<hbm>>) target_semaphore(%run_scoped3A_76 : memref<!tpu.dma_semaphore, #tpu.memory_space<semaphore_mem>>)
      %dma_wait3A_81 = arith.constant 0 : i32
      %dma_wait3A_82 = tpu.memref_slice %arg4[%add3A_59, %dma_wait3A_81] : memref<16384x768xf32, #tpu.memory_space<hbm>> -> memref<128x768xf32, #tpu.memory_space<hbm>>
      %dma_wait3A_83 = arith.constant 0 : i32
      %dma_wait3A_84 = tpu.memref_slice %arg4[%add3A_59, %dma_wait3A_83] : memref<16384x768xf32, #tpu.memory_space<hbm>> -> memref<128x768xf32, #tpu.memory_space<hbm>>
      tpu.wait_dma2 semaphore(%run_scoped3A_76 : memref<!tpu.dma_semaphore, #tpu.memory_space<semaphore_mem>>) src(%arg6 : memref<128x768xf32, #tpu.memory_space<vmem>>) dst(%dma_wait3A_84 : memref<128x768xf32, #tpu.memory_space<hbm>>)
      tpu.yield
    }) : () -> ()
    %dma_start3A_60 = arith.constant 3 : i32
    %dma_start3A_61 = arith.constant 0 : i32
    %dma_start3A_62 = tpu.memref_slice %arg5[%dma_start3A_60, %dma_start3A_61] : memref<4x128xi32, #tpu.memory_space<vmem>> -> memref<1x128xi32, #tpu.memory_space<vmem>>
    %dma_start3A_63 = tpu.memref_squeeze %dma_start3A_62 : memref<1x128xi32, #tpu.memory_space<vmem>> -> memref<128xi32, #tpu.memory_space<vmem>>
    %dma_start3A_64 = arith.constant 0 : i32
    %dma_start3A_65 = arith.constant 0 : i32
    %dma_start3A_66 = tpu.memref_slice %arg3[%dma_start3A_64, %dma_start3A_65] : memref<24960x768xf32, #tpu.memory_space<hbm>> -> memref<24960x768xf32, #tpu.memory_space<hbm>>
    tpu.enqueue_indirect_dma source(%dma_start3A_66 : memref<24960x768xf32, #tpu.memory_space<hbm>>) target(%arg6 : memref<128x768xf32, #tpu.memory_space<vmem>>) offsets(%dma_start3A_63 : memref<128xi32, #tpu.memory_space<vmem>>) semaphore(%arg7 : memref<!tpu.dma_semaphore, #tpu.memory_space<semaphore_mem>>)
    %dma_wait3A_67 = arith.constant 3 : i32
    %dma_wait3A_68 = arith.constant 0 : i32
    %dma_wait3A_69 = tpu.memref_slice %arg5[%dma_wait3A_67, %dma_wait3A_68] : memref<4x128xi32, #tpu.memory_space<vmem>> -> memref<1x128xi32, #tpu.memory_space<vmem>>
    %dma_wait3A_70 = tpu.memref_squeeze %dma_wait3A_69 : memref<1x128xi32, #tpu.memory_space<vmem>> -> memref<128xi32, #tpu.memory_space<vmem>>
    %dma_wait3A_71 = arith.constant 0 : i32
    %dma_wait3A_72 = arith.constant 0 : i32
    %dma_wait3A_73 = tpu.memref_slice %arg3[%dma_wait3A_71, %dma_wait3A_72] : memref<24960x768xf32, #tpu.memory_space<hbm>> -> memref<24960x768xf32, #tpu.memory_space<hbm>>
    tpu.wait_indirect_dma semaphore(%arg7 : memref<!tpu.dma_semaphore, #tpu.memory_space<semaphore_mem>>) src(%dma_wait3A_73 : memref<24960x768xf32, #tpu.memory_space<hbm>>) dst(%arg6 : memref<128x768xf32, #tpu.memory_space<vmem>>)
    %add3A_74 = arith.constant 384 : i32
    %add3A_75 = arith.addi %mul3A_2, %add3A_74 : i32
    "tpu.region"() ({
      %run_scoped3A_76 = tpu.sem_alloc : memref<!tpu.dma_semaphore, #tpu.memory_space<semaphore_mem>>
      %dma_start3A_77 = arith.constant 0 : i32
      %dma_start3A_78 = tpu.memref_slice %arg4[%add3A_75, %dma_start3A_77] : memref<16384x768xf32, #tpu.memory_space<hbm>> -> memref<128x768xf32, #tpu.memory_space<hbm>>
      %dma_start3A_79 = arith.constant 0 : i32
      %dma_start3A_80 = tpu.memref_slice %arg4[%add3A_75, %dma_start3A_79] : memref<16384x768xf32, #tpu.memory_space<hbm>> -> memref<128x768xf32, #tpu.memory_space<hbm>>
      tpu.enqueue_dma source(%arg6 : memref<128x768xf32, #tpu.memory_space<vmem>>) target(%dma_start3A_80 : memref<128x768xf32, #tpu.memory_space<hbm>>) target_semaphore(%run_scoped3A_76 : memref<!tpu.dma_semaphore, #tpu.memory_space<semaphore_mem>>)
      %dma_wait3A_81 = arith.constant 0 : i32
      %dma_wait3A_82 = tpu.memref_slice %arg4[%add3A_75, %dma_wait3A_81] : memref<16384x768xf32, #tpu.memory_space<hbm>> -> memref<128x768xf32, #tpu.memory_space<hbm>>
      %dma_wait3A_83 = arith.constant 0 : i32
      %dma_wait3A_84 = tpu.memref_slice %arg4[%add3A_75, %dma_wait3A_83] : memref<16384x768xf32, #tpu.memory_space<hbm>> -> memref<128x768xf32, #tpu.memory_space<hbm>>
      tpu.wait_dma2 semaphore(%run_scoped3A_76 : memref<!tpu.dma_semaphore, #tpu.memory_space<semaphore_mem>>) src(%arg6 : memref<128x768xf32, #tpu.memory_space<vmem>>) dst(%dma_wait3A_84 : memref<128x768xf32, #tpu.memory_space<hbm>>)
      tpu.yield
    }) : () -> ()
    return
  }
}

module attributes {stable_mosaic.version = 14 : i64} {
  func.func @_router_body(%arg0: i32, %arg1: memref<1024x768xf32, #tpu.memory_space<vmem>>, %arg2: memref<768x64xf32, #tpu.memory_space<vmem>>, %arg3: memref<1024x1024xbf16, #tpu.memory_space<vmem>>, %arg4: memref<1024x1xi32, #tpu.memory_space<vmem>>, %arg5: memref<1024x128xf32, #tpu.memory_space<vmem>>, %arg6: memref<8x64xf32, #tpu.memory_space<vmem>>) attributes {dimension_semantics = [#tpu.dimension_semantics<arbitrary>], iteration_bounds = array<i64: 16>, scalar_prefetch = 0 : i64, scratch_operands = 1 : i64, tpu.core_type = #tpu.core_type<tc>, window_params = [{transform_indices = @transform_0, window_bounds = array<i64: 1024, 768>}, {pipeline_mode = #tpu.pipeline_mode<synchronous>, transform_indices = @transform_1, window_bounds = array<i64: 768, 64>}, {pipeline_mode = #tpu.pipeline_mode<synchronous>, transform_indices = @transform_2, window_bounds = array<i64: 1024, 1024>}, {transform_indices = @transform_3, window_bounds = array<i64: 1024, 1>}, {transform_indices = @transform_4, window_bounds = array<i64: 1024, 128>}]} {
    %eq3A = arith.constant 0 : i32
    %eq3A_0 = arith.cmpi eq, %arg0, %eq3A : i32
    %convert_element_type3A = arith.extui %eq3A_0 : i1 to i32
    %cond3A = arith.constant 0 : i32
    %cond3A_1 = arith.cmpi ne, %convert_element_type3A, %cond3A : i32
    scf.if %cond3A_1 {
      %broadcast_in_dim3A_69 = arith.constant 0.000000e+00 : f32
      %broadcast_in_dim3A_70 = vector.broadcast %broadcast_in_dim3A_69 : f32 to vector<8x64xf32>
      %swap3A_71 = arith.constant 0 : index
      %swap3A_72 = arith.constant 0 : index
      %swap3A_73 = vector.load %arg6[%swap3A_71, %swap3A_72] : memref<8x64xf32, #tpu.memory_space<vmem>>, vector<8x64xf32>
      tpu.vector_store %arg6[%swap3A_71, %swap3A_72], %broadcast_in_dim3A_70 {strides = array<i32>} : memref<8x64xf32, #tpu.memory_space<vmem>>, vector<8x64xf32>,
    } else {
    }
    %get3A = arith.constant 0 : index
    %get3A_2 = arith.constant 0 : index
    %get3A_3 = vector.load %arg1[%get3A, %get3A_2] : memref<1024x768xf32, #tpu.memory_space<vmem>>, vector<1024x768xf32>
    %convert_element_type3A_4 = arith.truncf %get3A_3 : vector<1024x768xf32> to vector<1024x768xbf16>
    %get3A_5 = arith.constant 0 : index
    %get3A_6 = arith.constant 0 : index
    %get3A_7 = vector.load %arg2[%get3A_5, %get3A_6] : memref<768x64xf32, #tpu.memory_space<vmem>>, vector<768x64xf32>
    %convert_element_type3A_8 = arith.truncf %get3A_7 : vector<768x64xf32> to vector<768x64xbf16>
    %dot_general3A = arith.constant dense<0.000000e+00> : vector<1024x64xf32>
    %dot_general3A_9 = tpu.matmul %convert_element_type3A_4, %convert_element_type3A_8, %dot_general3A {dimension_numbers = #tpu.dot_dimension_numbers<[1], [0], [0], [1], [0, 0, 1, 1], [], []>, transpose_lhs_hint = false} : vector<1024x768xbf16>, vector<768x64xbf16>, vector<1024x64xf32> -> vector<1024x64xf32>
    %reduce_max3A = arith.constant dense<0xFF800000> : vector<1024xf32>
    %reduce_max3A_10 = vector.multi_reduction <maximumf>, %dot_general3A_9, %reduce_max3A [1] : vector<1024x64xf32> to vector<1024xf32>
    %broadcast_in_dim3A = vector.shape_cast %reduce_max3A_10 : vector<1024xf32> to vector<1024x1xf32>
    %sub3A = vector.broadcast %broadcast_in_dim3A : vector<1024x1xf32> to vector<1024x64xf32>
    %sub3A_11 = arith.subf %dot_general3A_9, %sub3A : vector<1024x64xf32>
    %exp3A = math.exp %sub3A_11 : vector<1024x64xf32>
    %reduce_sum3A = arith.constant dense<0.000000e+00> : vector<1024xf32>
    %reduce_sum3A_12 = vector.multi_reduction <add>, %exp3A, %reduce_sum3A [1] : vector<1024x64xf32> to vector<1024xf32>
    %broadcast_in_dim3A_13 = vector.shape_cast %reduce_sum3A_12 : vector<1024xf32> to vector<1024x1xf32>
    %div3A = vector.broadcast %broadcast_in_dim3A_13 : vector<1024x1xf32> to vector<1024x64xf32>
    %div3A_14 = arith.divf %exp3A, %div3A : vector<1024x64xf32>
    %reduce_max3A_15 = arith.constant dense<0xFF800000> : vector<1024xf32>
    %reduce_max3A_16 = vector.multi_reduction <maximumf>, %div3A_14, %reduce_max3A_15 [1] : vector<1024x64xf32> to vector<1024xf32>
    %broadcast_in_dim3A_17 = vector.shape_cast %reduce_max3A_16 : vector<1024xf32> to vector<1024x1xf32>
    %iota3A = tpu.iota {dimensions = array<i32: 1>} : vector<1024x64xi32>
    %eq3A_18 = vector.broadcast %broadcast_in_dim3A_17 : vector<1024x1xf32> to vector<1024x64xf32>
    %eq3A_19 = arith.cmpf oeq, %div3A_14, %eq3A_18 : vector<1024x64xf32>
    %jit3A = arith.constant 64 : i32
    %broadcast_in_dim3A_20 = vector.broadcast %jit3A : i32 to vector<1024x64xi32>
    %select_n3A = arith.select %eq3A_19, %iota3A, %broadcast_in_dim3A_20 : vector<1024x64xi1>, vector<1024x64xi32>
    %reduce_min3A = arith.constant dense<2147483647> : vector<1024xi32>
    %reduce_min3A_21 = vector.multi_reduction <minsi>, %select_n3A, %reduce_min3A [1] : vector<1024x64xi32> to vector<1024xi32>
    %broadcast_in_dim3A_22 = vector.shape_cast %reduce_min3A_21 : vector<1024xi32> to vector<1024x1xi32>
    %eq3A_23 = vector.broadcast %broadcast_in_dim3A_22 : vector<1024x1xi32> to vector<1024x64xi32>
    %eq3A_24 = arith.cmpi eq, %iota3A, %eq3A_23 : vector<1024x64xi32>
    %convert_element_type3A_25 = arith.extui %eq3A_24 : vector<1024x64xi1> to vector<1024x64xi32>
    %convert_element_type3A_26 = arith.sitofp %convert_element_type3A_25 : vector<1024x64xi32> to vector<1024x64xf32>
    %get3A_27 = arith.constant 0 : index
    %get3A_28 = arith.constant 0 : index
    %get3A_29 = vector.load %arg3[%get3A_27, %get3A_28] : memref<1024x1024xbf16, #tpu.memory_space<vmem>>, vector<1024x1024xbf16>
    %convert_element_type3A_30 = arith.extui %eq3A_24 : vector<1024x64xi1> to vector<1024x64xi32>
    %convert_element_type3A_31 = arith.sitofp %convert_element_type3A_30 : vector<1024x64xi32> to vector<1024x64xf32>
    %convert_element_type3A_32 = arith.truncf %convert_element_type3A_31 : vector<1024x64xf32> to vector<1024x64xbf16>
    %dot_general3A_33 = arith.constant dense<0.000000e+00> : vector<1024x64xf32>
    %dot_general3A_34 = tpu.matmul %get3A_29, %convert_element_type3A_32, %dot_general3A_33 {dimension_numbers = #tpu.dot_dimension_numbers<[1], [0], [0], [1], [0, 0, 1, 1], [], []>, transpose_lhs_hint = false} : vector<1024x1024xbf16>, vector<1024x64xbf16>, vector<1024x64xf32> -> vector<1024x64xf32>
    %get3A_35 = arith.constant 0 : index
    %get3A_36 = arith.constant 0 : index
    %get3A_37 = vector.load %arg6[%get3A_35, %get3A_36] : memref<8x64xf32, #tpu.memory_space<vmem>>, vector<1x64xf32>
    %sub3A_38 = arith.constant 1.000000e+00 : f32
    %sub3A_39 = vector.broadcast %sub3A_38 : f32 to vector<1024x64xf32>
    %sub3A_40 = arith.subf %dot_general3A_34, %sub3A_39 : vector<1024x64xf32>
    %add3A = vector.broadcast %get3A_37 : vector<1x64xf32> to vector<1024x64xf32>
    %add3A_41 = arith.addf %sub3A_40, %add3A : vector<1024x64xf32>
    %mul3A = arith.mulf %add3A_41, %convert_element_type3A_26 : vector<1024x64xf32>
    %reduce_sum3A_42 = arith.constant dense<0.000000e+00> : vector<1024xf32>
    %reduce_sum3A_43 = vector.multi_reduction <add>, %mul3A, %reduce_sum3A_42 [1] : vector<1024x64xf32> to vector<1024xf32>
    %broadcast_in_dim3A_44 = vector.shape_cast %reduce_sum3A_43 : vector<1024xf32> to vector<1024x1xf32>
    %convert_element_type3A_45 = arith.fptosi %broadcast_in_dim3A_44 : vector<1024x1xf32> to vector<1024x1xi32>
    %lt3A = arith.constant 384 : i32
    %lt3A_46 = vector.broadcast %lt3A : i32 to vector<1024x1xi32>
    %lt3A_47 = arith.cmpi slt, %convert_element_type3A_45, %lt3A_46 : vector<1024x1xi32>
    %mul3A_48 = arith.constant 384 : i32
    %mul3A_49 = vector.broadcast %mul3A_48 : i32 to vector<1024x1xi32>
    %mul3A_50 = arith.muli %broadcast_in_dim3A_22, %mul3A_49 : vector<1024x1xi32>
    %add3A_51 = arith.addi %mul3A_50, %convert_element_type3A_45 : vector<1024x1xi32>
    %jit3A_52 = arith.constant 24576 : i32
    %broadcast_in_dim3A_53 = vector.broadcast %jit3A_52 : i32 to vector<1024x1xi32>
    %select_n3A_54 = arith.select %lt3A_47, %add3A_51, %broadcast_in_dim3A_53 : vector<1024x1xi1>, vector<1024x1xi32>
    %swap3A = arith.constant 0 : index
    %swap3A_55 = arith.constant 0 : index
    %swap3A_56 = vector.load %arg4[%swap3A, %swap3A_55] : memref<1024x1xi32, #tpu.memory_space<vmem>>, vector<1024x1xi32>
    tpu.vector_store %arg4[%swap3A, %swap3A_55], %select_n3A_54 {strides = array<i32>} : memref<1024x1xi32, #tpu.memory_space<vmem>>, vector<1024x1xi32>,
    %broadcast_in_dim3A_57 = vector.shape_cast %broadcast_in_dim3A_17 : vector<1024x1xf32> to vector<1024x1xf32>
    %broadcast_in_dim3A_58 = vector.broadcast %broadcast_in_dim3A_57 : vector<1024x1xf32> to vector<1024x128xf32>
    %swap3A_59 = arith.constant 0 : index
    %swap3A_60 = arith.constant 0 : index
    %swap3A_61 = vector.load %arg5[%swap3A_59, %swap3A_60] : memref<1024x128xf32, #tpu.memory_space<vmem>>, vector<1024x128xf32>
    tpu.vector_store %arg5[%swap3A_59, %swap3A_60], %broadcast_in_dim3A_58 {strides = array<i32>} : memref<1024x128xf32, #tpu.memory_space<vmem>>, vector<1024x128xf32>,
    %reduce_sum3A_62 = arith.constant dense<0.000000e+00> : vector<64xf32>
    %reduce_sum3A_63 = vector.multi_reduction <add>, %convert_element_type3A_26, %reduce_sum3A_62 [0] : vector<1024x64xf32> to vector<64xf32>
    %broadcast_in_dim3A_64 = vector.shape_cast %reduce_sum3A_63 : vector<64xf32> to vector<1x64xf32>
    %add3A_65 = arith.addf %get3A_37, %broadcast_in_dim3A_64 : vector<1x64xf32>
    %swap3A_66 = arith.constant 0 : index
    %swap3A_67 = arith.constant 0 : index
    %swap3A_68 = vector.load %arg6[%swap3A_66, %swap3A_67] : memref<8x64xf32, #tpu.memory_space<vmem>>, vector<1x64xf32>
    tpu.vector_store %arg6[%swap3A_66, %swap3A_67], %add3A_65 {strides = array<i32>} : memref<8x64xf32, #tpu.memory_space<vmem>>, vector<1x64xf32>,
    return
  }
  func.func @transform_0(%arg0: i32) -> (i32, i32) {
    %c0_i32 = arith.constant 0 : i32
    %c0_i32_0 = arith.constant 0 : i32
    return %arg0, %c0_i32 : i32, i32
  }
  func.func @transform_1(%arg0: i32) -> (i32, i32) {
    %c0_i32 = arith.constant 0 : i32
    %c0_i32_0 = arith.constant 0 : i32
    %c0_i32_1 = arith.constant 0 : i32
    return %c0_i32, %c0_i32_0 : i32, i32
  }
  func.func @transform_2(%arg0: i32) -> (i32, i32) {
    %c0_i32 = arith.constant 0 : i32
    %c0_i32_0 = arith.constant 0 : i32
    %c0_i32_1 = arith.constant 0 : i32
    return %c0_i32, %c0_i32_0 : i32, i32
  }
  func.func @transform_3(%arg0: i32) -> (i32, i32) {
    %c0_i32 = arith.constant 0 : i32
    %c0_i32_0 = arith.constant 0 : i32
    return %arg0, %c0_i32 : i32, i32
  }
  func.func @transform_4(%arg0: i32) -> (i32, i32) {
    %c0_i32 = arith.constant 0 : i32
    %c0_i32_0 = arith.constant 0 : i32
    return %arg0, %c0_i32 : i32, i32
  }
}

module attributes {stable_mosaic.version = 14 : i64} {
  func.func @_ffn_body(%arg0: i32, %arg1: memref<384x768xf32, #tpu.memory_space<vmem>>, %arg2: memref<384x128xf32, #tpu.memory_space<vmem>>, %arg3: memref<1x768x768xf32, #tpu.memory_space<vmem>>, %arg4: memref<64x768xf32, #tpu.memory_space<vmem>>, %arg5: memref<1x768x768xf32, #tpu.memory_space<vmem>>, %arg6: memref<64x768xf32, #tpu.memory_space<vmem>>, %arg7: memref<384x768xf32, #tpu.memory_space<vmem>>) attributes {dimension_semantics = [#tpu.dimension_semantics<arbitrary>], iteration_bounds = array<i64: 65>, scalar_prefetch = 0 : i64, scratch_operands = 0 : i64, tpu.core_type = #tpu.core_type<tc>, window_params = [{transform_indices = @transform_0, window_bounds = array<i64: 384, 768>}, {transform_indices = @transform_1, window_bounds = array<i64: 384, 128>}, {transform_indices = @transform_2, window_bounds = array<i64: 1, 768, 768>}, {pipeline_mode = #tpu.pipeline_mode<synchronous>, transform_indices = @transform_3, window_bounds = array<i64: 64, 768>}, {transform_indices = @transform_4, window_bounds = array<i64: 1, 768, 768>}, {pipeline_mode = #tpu.pipeline_mode<synchronous>, transform_indices = @transform_5, window_bounds = array<i64: 64, 768>}, {transform_indices = @transform_6, window_bounds = array<i64: 384, 768>}]} {
    %lt3A = arith.constant 64 : i32
    %lt3A_0 = arith.cmpi slt, %arg0, %lt3A : i32
    %convert_element_type3A = arith.extui %lt3A_0 : i1 to i32
    %cond3A = arith.constant 0 : i32
    %cond3A_1 = arith.cmpi ne, %convert_element_type3A, %cond3A : i32
    scf.if %cond3A_1 {
      %min3A = arith.constant 63 : i32
      %min3A_6 = arith.minsi %arg0, %min3A : i32
      %get3A = arith.constant 0 : index
      %get3A_7 = arith.constant 0 : index
      %get3A_8 = vector.load %arg1[%get3A, %get3A_7] : memref<384x768xf32, #tpu.memory_space<vmem>>, vector<384x768xf32>
      %convert_element_type3A_9 = arith.truncf %get3A_8 : vector<384x768xf32> to vector<384x768xbf16>
      %get3A_10 = arith.constant 0 : index
      %get3A_11 = arith.constant 0 : index
      %get3A_12 = arith.constant 0 : index
      %get3A_13 = vector.load %arg3[%get3A_10, %get3A_11, %get3A_12] : memref<1x768x768xf32, #tpu.memory_space<vmem>>, vector<1x768x768xf32>
      %get3A_14 = vector.shape_cast %get3A_13 : vector<1x768x768xf32> to vector<768x768xf32>
      %convert_element_type3A_15 = arith.truncf %get3A_14 : vector<768x768xf32> to vector<768x768xbf16>
      %dot_general3A = arith.constant dense<0.000000e+00> : vector<384x768xf32>
      %dot_general3A_16 = tpu.matmul %convert_element_type3A_9, %convert_element_type3A_15, %dot_general3A {dimension_numbers = #tpu.dot_dimension_numbers<[1], [0], [0], [1], [0, 0, 1, 1], [], []>, transpose_lhs_hint = false} : vector<384x768xbf16>, vector<768x768xbf16>, vector<384x768xf32> -> vector<384x768xf32>
      %get3A_17 = arith.index_cast %min3A_6 : i32 to index
      %get3A_18 = arith.constant 0 : index
      %get3A_19 = vector.load %arg4[%get3A_17, %get3A_18] : memref<64x768xf32, #tpu.memory_space<vmem>>, vector<1x768xf32>
      %add3A = vector.broadcast %get3A_19 : vector<1x768xf32> to vector<384x768xf32>
      %add3A_20 = arith.addf %dot_general3A_16, %add3A : vector<384x768xf32>
      %max3A = arith.constant 0.000000e+00 : f32
      %max3A_21 = vector.broadcast %max3A : f32 to vector<384x768xf32>
      %max3A_22 = arith.maximumf %add3A_20, %max3A_21 : vector<384x768xf32>
      %convert_element_type3A_23 = arith.truncf %max3A_22 : vector<384x768xf32> to vector<384x768xbf16>
      %get3A_24 = arith.constant 0 : index
      %get3A_25 = arith.constant 0 : index
      %get3A_26 = arith.constant 0 : index
      %get3A_27 = vector.load %arg5[%get3A_24, %get3A_25, %get3A_26] : memref<1x768x768xf32, #tpu.memory_space<vmem>>, vector<1x768x768xf32>
      %get3A_28 = vector.shape_cast %get3A_27 : vector<1x768x768xf32> to vector<768x768xf32>
      %convert_element_type3A_29 = arith.truncf %get3A_28 : vector<768x768xf32> to vector<768x768xbf16>
      %dot_general3A_30 = arith.constant dense<0.000000e+00> : vector<384x768xf32>
      %dot_general3A_31 = tpu.matmul %convert_element_type3A_23, %convert_element_type3A_29, %dot_general3A_30 {dimension_numbers = #tpu.dot_dimension_numbers<[1], [0], [0], [1], [0, 0, 1, 1], [], []>, transpose_lhs_hint = false} : vector<384x768xbf16>, vector<768x768xbf16>, vector<384x768xf32> -> vector<384x768xf32>
      %get3A_32 = arith.index_cast %min3A_6 : i32 to index
      %get3A_33 = arith.constant 0 : index
      %get3A_34 = vector.load %arg6[%get3A_32, %get3A_33] : memref<64x768xf32, #tpu.memory_space<vmem>>, vector<1x768xf32>
      %add3A_35 = vector.broadcast %get3A_34 : vector<1x768xf32> to vector<384x768xf32>
      %add3A_36 = arith.addf %dot_general3A_31, %add3A_35 : vector<384x768xf32>
      %get3A_37 = arith.constant 0 : index
      %get3A_38 = arith.constant 0 : index
      %get3A_39 = vector.load %arg2[%get3A_37, %get3A_38] : memref<384x128xf32, #tpu.memory_space<vmem>>, vector<384x1xf32>
      %mul3A = vector.broadcast %get3A_39 : vector<384x1xf32> to vector<384x768xf32>
      %mul3A_40 = arith.mulf %add3A_36, %mul3A : vector<384x768xf32>
      %swap3A = arith.constant 0 : index
      %swap3A_41 = arith.constant 0 : index
      %swap3A_42 = vector.load %arg7[%swap3A, %swap3A_41] : memref<384x768xf32, #tpu.memory_space<vmem>>, vector<384x768xf32>
      tpu.vector_store %arg7[%swap3A, %swap3A_41], %mul3A_40 {strides = array<i32>} : memref<384x768xf32, #tpu.memory_space<vmem>>, vector<384x768xf32>,
    } else {
    }
    %eq3A = arith.constant 64 : i32
    %eq3A_2 = arith.cmpi eq, %arg0, %eq3A : i32
    %convert_element_type3A_3 = arith.extui %eq3A_2 : i1 to i32
    %cond3A_4 = arith.constant 0 : i32
    %cond3A_5 = arith.cmpi ne, %convert_element_type3A_3, %cond3A_4 : i32
    scf.if %cond3A_5 {
      %broadcast_in_dim3A = arith.constant 0.000000e+00 : f32
      %broadcast_in_dim3A_6 = vector.broadcast %broadcast_in_dim3A : f32 to vector<384x768xf32>
      %swap3A = arith.constant 0 : index
      %swap3A_7 = arith.constant 0 : index
      %swap3A_8 = vector.load %arg7[%swap3A, %swap3A_7] : memref<384x768xf32, #tpu.memory_space<vmem>>, vector<384x768xf32>
      tpu.vector_store %arg7[%swap3A, %swap3A_7], %broadcast_in_dim3A_6 {strides = array<i32>} : memref<384x768xf32, #tpu.memory_space<vmem>>, vector<384x768xf32>,
    } else {
    }
    return
  }
  func.func @transform_0(%arg0: i32) -> (i32, i32) {
    %min3A = arith.constant 63 : i32
    %min3A_0 = arith.minsi %arg0, %min3A : i32
    %c0_i32 = arith.constant 0 : i32
    %c0_i32_1 = arith.constant 0 : i32
    return %min3A_0, %c0_i32 : i32, i32
  }
  func.func @transform_1(%arg0: i32) -> (i32, i32) {
    %min3A = arith.constant 63 : i32
    %min3A_0 = arith.minsi %arg0, %min3A : i32
    %c0_i32 = arith.constant 0 : i32
    %c0_i32_1 = arith.constant 0 : i32
    return %min3A_0, %c0_i32 : i32, i32
  }
  func.func @transform_2(%arg0: i32) -> (i32, i32, i32) {
    %min3A = arith.constant 63 : i32
    %min3A_0 = arith.minsi %arg0, %min3A : i32
    %c0_i32 = arith.constant 0 : i32
    %c0_i32_1 = arith.constant 0 : i32
    %c0_i32_2 = arith.constant 0 : i32
    return %min3A_0, %c0_i32, %c0_i32_1 : i32, i32, i32
  }
  func.func @transform_3(%arg0: i32) -> (i32, i32) {
    %c0_i32 = arith.constant 0 : i32
    %c0_i32_0 = arith.constant 0 : i32
    %c0_i32_1 = arith.constant 0 : i32
    return %c0_i32, %c0_i32_0 : i32, i32
  }
  func.func @transform_4(%arg0: i32) -> (i32, i32, i32) {
    %min3A = arith.constant 63 : i32
    %min3A_0 = arith.minsi %arg0, %min3A : i32
    %c0_i32 = arith.constant 0 : i32
    %c0_i32_1 = arith.constant 0 : i32
    %c0_i32_2 = arith.constant 0 : i32
    return %min3A_0, %c0_i32, %c0_i32_1 : i32, i32, i32
  }
  func.func @transform_5(%arg0: i32) -> (i32, i32) {
    %c0_i32 = arith.constant 0 : i32
    %c0_i32_0 = arith.constant 0 : i32
    %c0_i32_1 = arith.constant 0 : i32
    return %c0_i32, %c0_i32_0 : i32, i32
  }
  func.func @transform_6(%arg0: i32) -> (i32, i32) {
    %c0_i32 = arith.constant 0 : i32
    %c0_i32_0 = arith.constant 0 : i32
    return %arg0, %c0_i32 : i32, i32
  }
}

</mosaic_0001>

<sc_bundles>
// kernel: kernel.6.cloned.1.call-start
scs
__scs_entry_jumppad:
0x0: {  	(pc) =	sbr.rel $0x88, $3  }
0x1: {  	(tag) =	ssettag $0x0;
	lr =	simm.s32 $0x1  }
0x2: {  	[smem:$0x3F9B] =	sst lr;
	_ =	strace $0xD0000000  }
0x3: {  	_ = 	snop  }
0x4: {  	_ = 	snop  }
0x5: {  	_ = 	snop  }
0x6: {  	_ = 	snop  }
0x7: {  	_ = 	snop  }
__scs_overlays_trampoline_lowered:
0x8: {  	[smem:$0x3FAA] =	sst s0  }
0x9: {  	[smem:$0x3FAB] =	sst s1  }
0xa: {  	[smem:$0x3FAC] =	sst s2  }
0xb: {  	[smem:$0x3FAD] =	sst s3  }
0xc: {  	[smem:$0x3FAE] =	sst s4  }
0xd: {  	[smem:$0x3FAF] =	sst s5  }
0xe: {  	[smem:$0x3FB0] =	sst s6  }
0xf: {  	[smem:$0x3FB1] =	sst s7  }
0x10: {  	[smem:$0x3FB2] =	sst s8  }
0x11: {  	[smem:$0x3FB3] =	sst s9;
	s0 =	simm.s32 @!p0 $0x0  }
0x12: {  	s1 =	sld [smem:$0x3F99];
	s0 =	simm.s32 @p0 $0x1  }
0x13: {  	[smem:$0x3FB4] =	sst s0;
	s0 =	simm.s32 @!p1 $0x0  }
0x14: {  	s2 =	sld [smem:$0x3F98];
	s0 =	simm.s32 @p1 $0x1  }
0x15: {  	[smem:$0x3FB5] =	sst s0;
	s0 =	simm.s32 @!p2 $0x0  }
0x16: {  	s3 =	sld [smem:$0x3FDB];
	s0 =	simm.s32 @p2 $0x1  }
0x17: {  	s4 =	simm.s32 $0x1BF5;
	[smem:$0x3FB7] =	sst s0  }
0x18: {  	s0 =	sld [smem:$0x3F9A];
	_ =	swait.ge [sflag:s4], $0x0  }
0x19: {  	s7 =	sld [smem:$0x3F9B]  }
0x1a: {  	s8 =	sadd.s32 $0xFFFFE003, lr  }
0x1b: {  	s9 =	sadd.s32 $0xFFFFFEF7, lr;
	s5 =	simm.s32 $0xFFFFFFFF;
	p2 =	slt.u32 s8, $0xFFFFF086  }
0x1c: {  	p1 =	slt.u32 s9, $0xF7A;
	s5 =	simm.s32 @!p2 $0x0  }
0x1d: {  	s5 =	simm.s32 @p1 $0x1;
	p0 =	seq.s32 s7, s2  }
0x1e: {  	s7 =	smul.u32 @!p0 $0xF7A, s2;
	p2 =	seq.s32 @!p0 s5, $0x0  }
0x1f: {  	s9 =	smul.u32 $0xF7A, s1;
	s8 =	simm.s32 @!p0 $0x1BF5;
	p2 =	por !p2, p0  }
0x20: {  	[sflag:s8] =	ssyncset.s32 @!p0 $0xFFFFF086;
	s6 =	sadd.s32 @!p0 s3, s7;
	s7 =	simm.s32 @!p0 $0x108  }
0x21: {  	s3 =	sadd.s32 s3, s9;
	s6 =	sadd.s32 @!p0 $0x88, s6;
	s7 =	simm.s32 @p2 $0x1082  }
0x22: {  	[simem:s7], [sflag:s8] =	dma.local @!p0 [hbm:s6], $0xF7A  }
0x23: {  	s9 =	sor.u32 $0xD0000000, s2;
	s6 =	simm.s32 $0x108;
	_ =	swait.ge @!p0 [sflag:s8], $0x0  }
0x24: {  	s3 =	sadd.s32 $0x88, s3;
	s6 =	simm.s32 @!p1 $0x1082;
	[sflag:s4] =	ssyncset.s32 $0xFFFFF086  }
0x25: {  	[simem:s6], [sflag:s4] =	dma.local [hbm:s3], $0xF7A  }
0x26: {  	[smem:$0x3F9B] =	sst s1;
	(tag) =	ssettag s2;
	_ =	strace s9  }
0x27: {  	s1 =	sld [smem:$0x3FAB]  }
0x28: {  	s2 =	sld [smem:$0x3FAC]  }
0x29: {  	s4 =	sld [smem:$0x3FAE]  }
0x2a: {  	p0 =	seq.s32 s5, $0x0;
	s5 =	sld [smem:$0x3FAF]  }
0x2b: {  	s6 =	sld [smem:$0x3FB0]  }
0x2c: {  	s7 =	sld [smem:$0x3FB1]  }
0x2d: {  	s3 =	simm.s32 $0x108;
	s8 =	sld [smem:$0x3FB2]  }
0x2e: {  	s3 =	simm.s32 @!p0 $0x1082;
	s9 =	sld [smem:$0x3FB3]  }
0x2f: {  	lr =	sadd.s32 s0, s3;
	s0 =	sld [smem:$0x3FAA]  }
0x30: {  	s3 =	sld [smem:$0x3FAD]  }
0x31: {  	[smem:$0x3FB6] =	sst s10  }
0x32: {  	s10 =	sld [smem:$0x3FB4];
	_ =	sdelay $0x3  }
0x33: {  	p0 =	seq.s32 s10, $0x1;
	s10 =	sld [smem:$0x3FB6];
	_ =	sdelay $0x3  }
0x34: {  	[smem:$0x3FB6] =	sst s10  }
0x35: {  	s10 =	sld [smem:$0x3FB5];
	_ =	sdelay $0x3  }
0x36: {  	p1 =	seq.s32 s10, $0x1;
	s10 =	sld [smem:$0x3FB6];
	_ =	sdelay $0x3  }
0x37: {  	[smem:$0x3FB6] =	sst s10  }
0x38: {  	s10 =	sld [smem:$0x3FB7]  }
0x39: {  	_ = 	snop;
	(pc) =	sbr.ind lr, $3  }
0x3a: {  	_ = 	snop  }
0x3b: {  	_ = 	snop  }
0x3c: {  	p2 =	seq.s32 s10, $0x1;
	s10 =	sld [smem:$0x3FB6]  }
0x3d: {  	_ =	shalt  }
0x3e: {  	_ =	shalt  }
0x3f: {  	_ =	shalt  }
0x40: {  	_ =	shalt  }
0x41: {  	_ =	shalt  }
0x42: {  	_ =	shalt  }
0x43: {  	_ =	shalt  }
0x44: {  	_ =	shalt  }
0x45: {  	_ =	shalt  }
0x46: {  	_ =	shalt  }
0x47: {  	_ =	shalt  }
0x48: {  	_ =	shalt  }
0x49: {  	_ =	shalt  }
0x4a: {  	_ =	shalt  }
0x4b: {  	_ =	shalt  }
0x4c: {  	_ =	shalt  }
0x4d: {  	_ =	shalt  }
0x4e: {  	_ =	shalt  }
0x4f: {  	_ =	shalt  }
0x50: {  	_ =	shalt  }
0x51: {  	_ =	shalt  }
0x52: {  	_ =	shalt  }
0x53: {  	_ =	shalt  }
0x54: {  	_ =	shalt  }
0x55: {  	_ =	shalt  }
0x56: {  	_ =	shalt  }
0x57: {  	_ =	shalt  }
0x58: {  	_ =	shalt  }
0x59: {  	_ =	shalt  }
0x5a: {  	_ =	shalt  }
0x5b: {  	_ =	shalt  }
0x5c: {  	_ =	shalt  }
0x5d: {  	_ =	shalt  }
0x5e: {  	_ =	shalt  }
0x5f: {  	_ =	shalt  }
0x60: {  	_ =	shalt  }
0x61: {  	_ =	shalt  }
0x62: {  	_ =	shalt  }
0x63: {  	_ =	shalt  }
0x64: {  	_ =	shalt  }
0x65: {  	_ =	shalt  }
0x66: {  	_ =	shalt  }
0x67: {  	_ =	shalt  }
0x68: {  	_ =	shalt  }
0x69: {  	_ =	shalt  }
0x6a: {  	_ =	shalt  }
0x6b: {  	_ =	shalt  }
0x6c: {  	_ =	shalt  }
0x6d: {  	_ =	shalt  }
0x6e: {  	_ =	shalt  }
0x6f: {  	_ =	shalt  }
0x70: {  	_ =	shalt  }
0x71: {  	_ =	shalt  }
0x72: {  	_ =	shalt  }
0x73: {  	_ =	shalt  }
0x74: {  	_ =	shalt  }
0x75: {  	_ =	shalt  }
0x76: {  	_ =	shalt  }
0x77: {  	_ =	shalt  }
0x78: {  	_ =	shalt  }
0x79: {  	_ =	shalt  }
0x7a: {  	_ =	shalt  }
0x7b: {  	_ =	shalt  }
0x7c: {  	_ =	shalt  }
0x7d: {  	_ =	shalt  }
0x7e: {  	_ =	shalt  }
0x7f: {  	_ =	shalt  }
0x80: {  	_ =	shalt  }
0x81: {  	_ =	shalt  }
0x82: {  	_ =	shalt  }
0x83: {  	_ =	shalt  }
0x84: {  	_ =	shalt  }
0x85: {  	_ =	shalt  }
0x86: {  	_ =	shalt  }
0x87: {  	_ =	shalt  }
.Lfunc_end0:
.L_simem_size_0:
called_computation_lowered:
.L_overlay_start_0:
0x88: {  	s2 =	sld [smem:$0x3FD9]  }
0x89: {  	s3 =	sld [smem:$0x3FFE];
	_ =	sdelay $0x1  }
0x8a: {  	s1 =	srdreg.scid  }
0x8b: {  	s0 =	sand.u32 $0x1, s1  }
0x8c: {  	s17 =	sshll.u32 s0, $0xA;
	s2 =	sadd.s32 s3, s2  }
0x8d: {  	s2 =	sadd.s32 s2, s17  }
0x8e: {  	[smem:$0x3FC2] =	sst s2  }
0x8f: {  	_ = 	snop  }
0x90: {  	s2 =	sld [smem:$0x3FC9]  }
0x91: {  	s18 =	sld [smem:$0x3FD0];
	(tm) =	ssettm $0x1  }
0x92: {  	s4 =	sld [smem:$0x3FFB];
	_ =	sdelay $0x3  }
0x93: {  	_ =	strace s4  }
0x94: {  	s4 =	sld [smem:$0x3FFC];
	_ =	sdelay $0x3  }
0x95: {  	_ =	strace s4  }
0x96: {  	s4 =	sld [smem:$0x3FFD];
	_ =	sdelay $0x3  }
0x97: {  	_ =	strace s4  }
0x98: {  	_ =	strace $0x8FFFFFFF  }
0x99: {  	s19 =	sld [smem:$0x3FDB];
	_ =	sdelay $0x1  }
0x9a: {  	s5 =	simm.s32 $_scs_section_size  }
0x9b: {  	s6 =	simm.s32 $_size__tile_overlayer_lowered;
	s7 =	simm.s32 $_tile_overlayer_lowered  }
0x9c: {  	s22 =	simm.s32 $0x1BFF;
	s21 =	sshll.u32 s7, $0x1;
	s4 =	sadd.s32 s5, s19  }
0x9d: {  	s8 =	simm.s32 $0x0;
	s20 =	sshll.u32 s6, $0x1;
	s6 =	sadd.s32 s21, s4  }
0x9e: {  	[timem:s8], [sflag:s22] =	dma.local [hbm:s6], s20  }
0x9f: {  	_ =	swait.ge [sflag:s22], s20  }
0xa0: {  	s5 =	ssub.s32 $0x0, s20;
	[sflag:s22] =	ssyncset.done $0x0  }
0xa1: {  	[sflag:s22] =	ssyncadd.s32 s5;
	_ =	sdelay $0x1  }
0xa2: {  	s23 =	simm.s32 $0x1B8B  }
0xa3: {  	_ =	swait.ge [sflag:s23], $0x1  }
0xa4: {  	[sflag:s23] =	ssyncset.done $0x0  }
0xa5: {  	s25 =	simm.s32 $0x1B8E;
	s24 =	sld [smem:$0x3FFE];
	[sflag:s23] =	ssyncadd.s32 $0xFFFFFFFF  }
0xa6: {  	s26 =	simm.s32 $execute0_lowered;
	[smem:$0x3FD2] =	sst s25  }
0xa7: {  	s6 =	sshll.u32 s26, $0x1;
	_ =	strace $0x80000046;
	[dreg:$0x1] =	wrdreg $0xFFFFFFFF  }
0xa8: {  	s28 =	simm.s32 $_size_execute0_lowered;
	s4 =	sadd.s32 s4, s6;
	[dreg:$0x0] =	wrdreg $0x0  }
0xa9: {  	s6 =	sshll.u32 s28, $0x1;
	[dreg:$0x2] =	wrdreg s4  }
0xaa: {  	[dreg:$0x3] =	wrdreg s6  }
0xab: {  	[dreg:$0x4] =	wrdreg $0xC0  }
0xac: {  	_ =	task [dreg:s8], $0x5FFFF  }
0xad: {  	[dreg:$0x1] =	wrdreg $0xFFFFFFFF  }
0xae: {  	[dreg:$0x0] =	wrdreg $0x60  }
0xaf: {  	[dreg:$0x2] =	wrdreg s24  }
0xb0: {  	[dreg:$0x3] =	wrdreg s2  }
0xb1: {  	[dreg:$0x4] =	wrdreg s18  }
0xb2: {  	[dreg:$0x5] =	wrdreg $0x9  }
0xb3: {  	_ =	task.clear_ibuf [dreg:s8], $0x6FFFF;
	_ =	strace $0x90000046  }
0xb4: {  	s29 =	simm.s32 $0x9;
	_ =	strace $0x80000048  }
0xb5: {  	_ =	swait.ge [sflag:s29], $0x1  }
0xb6: {  	[sflag:s29] =	ssyncadd.s32 $0xFFFFFFFF  }
0xb7: {  	_ =	strace $0x90000048  }
0xb8: {  	_ =	sfence  }
0xb9: {  	s30 =	sld [smem:$0x0];
	_ =	sdelay $0x2  }
0xba: {  	s31 =	sshll.u32 s1, $0xD;
	s1 =	sshrl.u32 s1, $0x2  }
0xbb: {  	s3 =	sand.u32 $0x4000, s31;
	s1 =	sadd.s32 s1, s30  }
0xbc: {  	s0 =	sor.u32 s3, s0;
	s1 =	sshll.u32 s1, $0x11  }
0xbd: {  	s0 =	sor.u32 s1, s0  }
0xbe: {  	s0 =	sadd.s32 $0x8F2B, s0  }
0xbf: {  	[sflag:s0] =	ssyncadd.remote.s32 $0x1  }
0xc0: {  	_ =	sfence.sel $0xFFFF  }
0xc1: {  	[dreg:$0x0] =	wrdreg $0xFFFFFFFF;
	(pc) =	sbr.abs _section_cstart, $3  }
0xc2: {  	[dreg:$0x1] =	wrdreg $0xFFFFFFFF  }
0xc3: {  	_ =	task.clear_ibuf [dreg:s8], $0x2FFFF;
	_ =	strace $0x9FFFFFFF  }
0xc4: {  	(tm) =	ssettm $0x7FFFFFFF  }
0xc5: {  	_ =	shalt  }
tec
execute0_lowered:
.L_overlay_start_1:
0x0: {  	(tag) =	ssettag $0x1  }
0x1: {  	s0 =	rddreg [dreg:$0x0];
	s1 =	srdreg.scid  }
0x2: {  	s2 =	rddreg [dreg:$0x1];
	s3 =	stileid.u32  }
0x3: {  	s15 =	simm.s32 $0x1;
	s14 =	simm.s32 $0x200;
	s1 =	sand.u32 $0x1, s1  }
0x4: {  	s4 =	sshll.u32 s3, $0xA;
	s3 =	simm.s32 $0x0;
	s16 =	sadd.s32 $0x41200, s0  }
0x5: {  	s19 =	sadd.s32 $0x1200, s0;
	s5 =	sshll.u32 s1, $0x9;
	[smem:$0x7FF] =	sst s3  }
0x6: {  	s1 =	ssub.s32 $0x2, s1;
	s4 =	sor.u32 s5, s4;
	_ =	strace $0x80000047  }
0x7: {  	s22 =	sshrl.u32 s1, $0x1;
	s6 =	sshrl.u32 s4, $0x3;
	s8 =	sor.u32 $0x80, s4  }
0x8: {  	s9 =	sor.u32 $0x100, s4;
	s12 =	sor.u32 $0x180, s4;
	s4 =	sshll.u32 s4, $0x4  }
0x9: {  	s1 =	ssub.s32 s1, s22;
	s7 =	sadd.s32 s16, s6;
	s17 =	sshrl.u32 s8, $0x3  }
0xa: {  	s11 =	sshrl.u32 s9, $0x3;
	s13 =	sshrl.u32 s12, $0x3;
	s6 =	smul.u32 $0x300, s6  }
0xb: {  	s4 =	sadd.s32 s19, s4;
	s24 =	sshll.u32 s8, $0x4;
	[dreg:$0x4] =	wrdreg s7  }
0xc: {  	s26 =	sshll.u32 s9, $0x4;
	s10 =	sadd.s32 s16, s17;
	[dreg:$0x9] =	wrdreg s4  }
0xd: {  	s30 =	sshll.u32 s12, $0x4;
	s18 =	sadd.s32 s16, s11;
	[dreg:$0x5] =	wrdreg s10  }
0xe: {  	s8 =	simm.s32 $0x3;
	s5 =	sadd.s32 s16, s13;
	[dreg:$0x6] =	wrdreg s18  }
0xf: {  	s21 =	smul.u32 $0x300, s17;
	s29 =	sadd.s32 s19, s26;
	[dreg:$0x7] =	wrdreg s5  }
0x10: {  	s25 =	smul.u32 $0x300, s11;
	s31 =	sadd.s32 s19, s30;
	[dreg:$0xd] =	wrdreg s29  }
0x11: {  	s4 =	sadd.s32 $0x41A00, s0;
	s20 =	sadd.s32 s2, s6;
	[dreg:$0xf] =	wrdreg s31  }
0x12: {  	s28 =	smul.u32 $0x300, s13;
	s5 =	sadd.s32 s19, s24;
	[dreg:$0x8] =	wrdreg s20  }
0x13: {  	s7 =	smax.u32 s1, $0x1;
	s23 =	sadd.s32 s2, s21;
	[dreg:$0xb] =	wrdreg s5  }
0x14: {  	v2 =	vlaneseq.u32;
	s16 =	simm.s32 $0x2;
	s6 =	sadd.s32 s2, s25;
	[dreg:$0xa] =	wrdreg s23  }
0x15: {  	vm0 =	vmmov $0xffff;
	v1 =	vshrl.u32 v2, $0x3;
	s1 =	simm.s32 $0x18200;
	s2 =	sadd.s32 s2, s28;
	[dreg:$0xc] =	wrdreg s6  }
0x16: {  	v0 =	vand.u32 $0x7, v2;
	v2 =	vor.u32 $0x8, v2;
	v1 =	vmul.u32 $0x8, v1;
	s5 =	sadd.s32 $0x41B00, s0;
	s6 =	sadd.s32 $0x41C00, s0;
	[dreg:$0xe] =	wrdreg s2  }
.LBB2_1:
0x17: {  	s17 =	rddreg [dreg:$0x4]  }
0x18: {  	[tilespmem:s3], [sflag:$0x3] =	stream.linear.gather [hbm4b:s17+s3], $0x80, $0x38;
	[tilespmem:$0x1C200] =	vst v63  }
0x19: {  	_ =	swait.ge [sflag:s8], $0x80  }
0x1a: {  	[sflag:s8] =	ssyncset.done $0x0  }
0x1b: {  	s0 =	simm.s32 $0x80;
	s2 =	rddreg [dreg:$0x5];
	[sflag:s8] =	ssyncadd.s32 $0xFFFFFF80  }
0x1c: {  	[tilespmem:s0], [sflag:$0x3] =	stream.linear.gather [hbm4b:s2+s3], $0x80, $0x38;
	[tilespmem:$0x1C200] =	vst v63  }
0x1d: {  	_ =	swait.ge [sflag:s8], $0x80  }
0x1e: {  	[sflag:s8] =	ssyncset.done $0x0  }
0x1f: {  	s10 =	simm.s32 $0x100;
	s9 =	rddreg [dreg:$0x6];
	[sflag:s8] =	ssyncadd.s32 $0xFFFFFF80  }
0x20: {  	[tilespmem:s10], [sflag:$0x3] =	stream.linear.gather [hbm4b:s9+s3], $0x80, $0x38;
	[tilespmem:$0x1C200] =	vst v63  }
0x21: {  	_ =	swait.ge [sflag:s8], $0x80  }
0x22: {  	[sflag:s8] =	ssyncset.done $0x0  }
0x23: {  	s12 =	simm.s32 $0x180;
	s11 =	rddreg [dreg:$0x7];
	[sflag:s8] =	ssyncadd.s32 $0xFFFFFF80  }
0x24: {  	[tilespmem:s12], [sflag:$0x3] =	stream.linear.gather [hbm4b:s11+s3], $0x80, $0x38;
	[tilespmem:$0x1C200] =	vst v63  }
0x25: {  	_ =	swait.ge [sflag:s8], $0x80  }
0x26: {  	[sflag:s8] =	ssyncset.done $0x0  }
0x27: {  	s13 =	rddreg [dreg:$0x8];
	[sflag:s8] =	ssyncadd.s32 $0xFFFFFF80  }
0x28: {  	[tilespmem:s14], [sflag:$0x3] =	stream.linear.gather [hbm4b:s13+s3], $0x18000, $0x38;
	[tilespmem:$0x1C200] =	vst v63  }
0x29: {  	_ =	swait.ge [sflag:s8], $0x18000  }
0x2a: {  	[sflag:s8] =	ssyncset.done $0x0  }
0x2b: {  	[sflag:s8] =	ssyncadd.s32 $0xFFFE8000  }
0x2c: {  	v3 =	vld [tilespmem:$0x0];
	_ =	sdelay $0x4  }
0x2d: {  	v4 =	vshrl.u32 v3, $0x3  }
0x2e: {  	v4 =	vmul.u32 $0x30, v4  }
0x2f: {  	v3 =	vand.u32 $0x7, v3  }
0x30: {  	v3 =	vor.u32 v3, v4  }
0x31: {  	v4 =	vperm.xlane v3, v0;
	_ =	sdelay $0x1  }
0x32: {  	v4 =	vadd.s32 v1, v4;
	_ =	sdelay $0x3  }
0x33: {  	v3 =	vperm.xlane v3, v2  }
0x34: {  	[hbm4b:s4+s3] =	stream.indirect_vreg.scatter [tilespmem:s14], [sflag:$0x1], $0x80, v4, vm0, $0xb8;
	[tilespmem:$0x1C200] =	vst v63  }
0x35: {  	s17 =	simm.s32 $0xA00;
	v3 =	vadd.s32 v1, v3  }
0x36: {  	[hbm4b:s5+s3] =	stream.indirect_vreg.scatter [tilespmem:s17], [sflag:$0x1], $0x80, v4, vm0, $0xb8;
	[tilespmem:$0x1C200] =	vst v63  }
0x37: {  	s18 =	simm.s32 $0x1200  }
0x38: {  	[hbm4b:s6+s3] =	stream.indirect_vreg.scatter [tilespmem:s18], [sflag:$0x1], $0x80, v4, vm0, $0xb8;
	[tilespmem:$0x1C200] =	vst v63  }
0x39: {  	s19 =	simm.s32 $0x1A00  }
0x3a: {  	[hbm4b:s4+s3] =	stream.indirect_vreg.scatter [tilespmem:s19], [sflag:$0x1], $0x80, v3, vm0, $0xb8;
	[tilespmem:$0x1C200] =	vst v63  }
0x3b: {  	s20 =	simm.s32 $0x2200  }
0x3c: {  	[hbm4b:s5+s3] =	stream.indirect_vreg.scatter [tilespmem:s20], [sflag:$0x1], $0x80, v3, vm0, $0xb8;
	[tilespmem:$0x1C200] =	vst v63  }
0x3d: {  	s21 =	simm.s32 $0x2A00  }
0x3e: {  	[hbm4b:s6+s3] =	stream.indirect_vreg.scatter [tilespmem:s21], [sflag:$0x1], $0x80, v3, vm0, $0xb8;
	[tilespmem:$0x1C200] =	vst v63  }
0x3f: {  	v3 =	vld [tilespmem:$0x10];
	_ =	sdelay $0x4  }
0x40: {  	v33 =	vshrl.u32 v3, $0x3  }
0x41: {  	v4 =	vmul.u32 $0x30, v33  }
0x42: {  	v3 =	vand.u32 $0x7, v3  }
0x43: {  	v3 =	vor.u32 v3, v4  }
0x44: {  	v4 =	vperm.xlane v3, v0;
	_ =	sdelay $0x1  }
0x45: {  	v4 =	vadd.s32 v1, v4;
	_ =	sdelay $0x3  }
0x46: {  	s22 =	simm.s32 $0x3200;
	v3 =	vperm.xlane v3, v2  }
0x47: {  	[hbm4b:s4+s3] =	stream.indirect_vreg.scatter [tilespmem:s22], [sflag:$0x1], $0x80, v4, vm0, $0xb8;
	[tilespmem:$0x1C200] =	vst v63  }
0x48: {  	s23 =	simm.s32 $0x3A00;
	v3 =	vadd.s32 v1, v3  }
0x49: {  	[hbm4b:s5+s3] =	stream.indirect_vreg.scatter [tilespmem:s23], [sflag:$0x1], $0x80, v4, vm0, $0xb8;
	[tilespmem:$0x1C200] =	vst v63  }
0x4a: {  	s24 =	simm.s32 $0x4200  }
0x4b: {  	[hbm4b:s6+s3] =	stream.indirect_vreg.scatter [tilespmem:s24], [sflag:$0x1], $0x80, v4, vm0, $0xb8;
	[tilespmem:$0x1C200] =	vst v63  }
0x4c: {  	s25 =	simm.s32 $0x4A00  }
0x4d: {  	[hbm4b:s4+s3] =	stream.indirect_vreg.scatter [tilespmem:s25], [sflag:$0x1], $0x80, v3, vm0, $0xb8;
	[tilespmem:$0x1C200] =	vst v63  }
0x4e: {  	s26 =	simm.s32 $0x5200  }
0x4f: {  	[hbm4b:s5+s3] =	stream.indirect_vreg.scatter [tilespmem:s26], [sflag:$0x1], $0x80, v3, vm0, $0xb8;
	[tilespmem:$0x1C200] =	vst v63  }
0x50: {  	s28 =	simm.s32 $0x5A00  }
0x51: {  	[hbm4b:s6+s3] =	stream.indirect_vreg.scatter [tilespmem:s28], [sflag:$0x1], $0x80, v3, vm0, $0xb8;
	[tilespmem:$0x1C200] =	vst v63  }
0x52: {  	v3 =	vld [tilespmem:$0x20];
	_ =	sdelay $0x4  }
0x53: {  	v34 =	vshrl.u32 v3, $0x3  }
0x54: {  	v4 =	vmul.u32 $0x30, v34  }
0x55: {  	v3 =	vand.u32 $0x7, v3  }
0x56: {  	v3 =	vor.u32 v3, v4  }
0x57: {  	v4 =	vperm.xlane v3, v0;
	_ =	sdelay $0x1  }
0x58: {  	v4 =	vadd.s32 v1, v4;
	_ =	sdelay $0x3  }
0x59: {  	s29 =	simm.s32 $0x6200;
	v3 =	vperm.xlane v3, v2  }
0x5a: {  	[hbm4b:s4+s3] =	stream.indirect_vreg.scatter [tilespmem:s29], [sflag:$0x1], $0x80, v4, vm0, $0xb8;
	[tilespmem:$0x1C200] =	vst v63  }
0x5b: {  	s30 =	simm.s32 $0x6A00;
	v3 =	vadd.s32 v1, v3  }
0x5c: {  	[hbm4b:s5+s3] =	stream.indirect_vreg.scatter [tilespmem:s30], [sflag:$0x1], $0x80, v4, vm0, $0xb8;
	[tilespmem:$0x1C200] =	vst v63  }
0x5d: {  	s31 =	simm.s32 $0x7200  }
0x5e: {  	[hbm4b:s6+s3] =	stream.indirect_vreg.scatter [tilespmem:s31], [sflag:$0x1], $0x80, v4, vm0, $0xb8;
	[tilespmem:$0x1C200] =	vst v63  }
0x5f: {  	s9 =	simm.s32 $0x7A00  }
0x60: {  	[hbm4b:s4+s3] =	stream.indirect_vreg.scatter [tilespmem:s9], [sflag:$0x1], $0x80, v3, vm0, $0xb8;
	[tilespmem:$0x1C200] =	vst v63  }
0x61: {  	s11 =	simm.s32 $0x8200  }
0x62: {  	[hbm4b:s5+s3] =	stream.indirect_vreg.scatter [tilespmem:s11], [sflag:$0x1], $0x80, v3, vm0, $0xb8;
	[tilespmem:$0x1C200] =	vst v63  }
0x63: {  	s12 =	simm.s32 $0x8A00  }
0x64: {  	[hbm4b:s6+s3] =	stream.indirect_vreg.scatter [tilespmem:s12], [sflag:$0x1], $0x80, v3, vm0, $0xb8;
	[tilespmem:$0x1C200] =	vst v63  }
0x65: {  	v3 =	vld [tilespmem:$0x30];
	_ =	sdelay $0x4  }
0x66: {  	v35 =	vshrl.u32 v3, $0x3  }
0x67: {  	v4 =	vmul.u32 $0x30, v35  }
0x68: {  	v3 =	vand.u32 $0x7, v3  }
0x69: {  	v3 =	vor.u32 v3, v4  }
0x6a: {  	v4 =	vperm.xlane v3, v0;
	_ =	sdelay $0x1  }
0x6b: {  	v4 =	vadd.s32 v1, v4;
	_ =	sdelay $0x3  }
0x6c: {  	s17 =	simm.s32 $0x9200;
	v3 =	vperm.xlane v3, v2  }
0x6d: {  	[hbm4b:s4+s3] =	stream.indirect_vreg.scatter [tilespmem:s17], [sflag:$0x1], $0x80, v4, vm0, $0xb8;
	[tilespmem:$0x1C200] =	vst v63  }
0x6e: {  	s18 =	simm.s32 $0x9A00;
	v3 =	vadd.s32 v1, v3  }
0x6f: {  	[hbm4b:s5+s3] =	stream.indirect_vreg.scatter [tilespmem:s18], [sflag:$0x1], $0x80, v4, vm0, $0xb8;
	[tilespmem:$0x1C200] =	vst v63  }
0x70: {  	s26 =	simm.s32 $0xA200  }
0x71: {  	[hbm4b:s6+s3] =	stream.indirect_vreg.scatter [tilespmem:s26], [sflag:$0x1], $0x80, v4, vm0, $0xb8;
	[tilespmem:$0x1C200] =	vst v63  }
0x72: {  	s28 =	simm.s32 $0xAA00  }
0x73: {  	[hbm4b:s4+s3] =	stream.indirect_vreg.scatter [tilespmem:s28], [sflag:$0x1], $0x80, v3, vm0, $0xb8;
	[tilespmem:$0x1C200] =	vst v63  }
0x74: {  	s29 =	simm.s32 $0xB200  }
0x75: {  	[hbm4b:s5+s3] =	stream.indirect_vreg.scatter [tilespmem:s29], [sflag:$0x1], $0x80, v3, vm0, $0xb8;
	[tilespmem:$0x1C200] =	vst v63  }
0x76: {  	s30 =	simm.s32 $0xBA00  }
0x77: {  	[hbm4b:s6+s3] =	stream.indirect_vreg.scatter [tilespmem:s30], [sflag:$0x1], $0x80, v3, vm0, $0xb8;
	[tilespmem:$0x1C200] =	vst v63  }
0x78: {  	v3 =	vld [tilespmem:$0x40];
	_ =	sdelay $0x4  }
0x79: {  	v36 =	vshrl.u32 v3, $0x3  }
0x7a: {  	v4 =	vmul.u32 $0x30, v36  }
0x7b: {  	v3 =	vand.u32 $0x7, v3  }
0x7c: {  	v3 =	vor.u32 v3, v4  }
0x7d: {  	v4 =	vperm.xlane v3, v0;
	_ =	sdelay $0x1  }
0x7e: {  	v4 =	vadd.s32 v1, v4;
	_ =	sdelay $0x3  }
0x7f: {  	s31 =	simm.s32 $0xC200;
	v3 =	vperm.xlane v3, v2  }
0x80: {  	[hbm4b:s4+s3] =	stream.indirect_vreg.scatter [tilespmem:s31], [sflag:$0x1], $0x80, v4, vm0, $0xb8;
	[tilespmem:$0x1C200] =	vst v63  }
0x81: {  	s11 =	simm.s32 $0xCA00;
	v3 =	vadd.s32 v1, v3  }
0x82: {  	[hbm4b:s5+s3] =	stream.indirect_vreg.scatter [tilespmem:s11], [sflag:$0x1], $0x80, v4, vm0, $0xb8;
	[tilespmem:$0x1C200] =	vst v63  }
0x83: {  	s17 =	simm.s32 $0xD200  }
0x84: {  	[hbm4b:s6+s3] =	stream.indirect_vreg.scatter [tilespmem:s17], [sflag:$0x1], $0x80, v4, vm0, $0xb8;
	[tilespmem:$0x1C200] =	vst v63  }
0x85: {  	s18 =	simm.s32 $0xDA00  }
0x86: {  	[hbm4b:s4+s3] =	stream.indirect_vreg.scatter [tilespmem:s18], [sflag:$0x1], $0x80, v3, vm0, $0xb8;
	[tilespmem:$0x1C200] =	vst v63  }
0x87: {  	s29 =	simm.s32 $0xE200  }
0x88: {  	[hbm4b:s5+s3] =	stream.indirect_vreg.scatter [tilespmem:s29], [sflag:$0x1], $0x80, v3, vm0, $0xb8;
	[tilespmem:$0x1C200] =	vst v63  }
0x89: {  	s30 =	simm.s32 $0xEA00  }
0x8a: {  	[hbm4b:s6+s3] =	stream.indirect_vreg.scatter [tilespmem:s30], [sflag:$0x1], $0x80, v3, vm0, $0xb8;
	[tilespmem:$0x1C200] =	vst v63  }
0x8b: {  	v3 =	vld [tilespmem:$0x50];
	_ =	sdelay $0x4  }
0x8c: {  	v37 =	vshrl.u32 v3, $0x3  }
0x8d: {  	v4 =	vmul.u32 $0x30, v37  }
0x8e: {  	v3 =	vand.u32 $0x7, v3  }
0x8f: {  	v3 =	vor.u32 v3, v4  }
0x90: {  	v4 =	vperm.xlane v3, v0;
	_ =	sdelay $0x1  }
0x91: {  	v4 =	vadd.s32 v1, v4;
	_ =	sdelay $0x3  }
0x92: {  	s31 =	simm.s32 $0xF200;
	v3 =	vperm.xlane v3, v2  }
0x93: {  	[hbm4b:s4+s3] =	stream.indirect_vreg.scatter [tilespmem:s31], [sflag:$0x1], $0x80, v4, vm0, $0xb8;
	[tilespmem:$0x1C200] =	vst v63  }
0x94: {  	s11 =	simm.s32 $0xFA00;
	v3 =	vadd.s32 v1, v3  }
0x95: {  	[hbm4b:s5+s3] =	stream.indirect_vreg.scatter [tilespmem:s11], [sflag:$0x1], $0x80, v4, vm0, $0xb8;
	[tilespmem:$0x1C200] =	vst v63  }
0x96: {  	s17 =	simm.s32 $0x10200  }
0x97: {  	[hbm4b:s6+s3] =	stream.indirect_vreg.scatter [tilespmem:s17], [sflag:$0x1], $0x80, v4, vm0, $0xb8;
	[tilespmem:$0x1C200] =	vst v63  }
0x98: {  	s18 =	simm.s32 $0x10A00  }
0x99: {  	[hbm4b:s4+s3] =	stream.indirect_vreg.scatter [tilespmem:s18], [sflag:$0x1], $0x80, v3, vm0, $0xb8;
	[tilespmem:$0x1C200] =	vst v63  }
0x9a: {  	s31 =	simm.s32 $0x11200  }
0x9b: {  	[hbm4b:s5+s3] =	stream.indirect_vreg.scatter [tilespmem:s31], [sflag:$0x1], $0x80, v3, vm0, $0xb8;
	[tilespmem:$0x1C200] =	vst v63  }
0x9c: {  	s11 =	simm.s32 $0x11A00  }
0x9d: {  	[hbm4b:s6+s3] =	stream.indirect_vreg.scatter [tilespmem:s11], [sflag:$0x1], $0x80, v3, vm0, $0xb8;
	[tilespmem:$0x1C200] =	vst v63  }
0x9e: {  	v3 =	vld [tilespmem:$0x60];
	_ =	sdelay $0x4  }
0x9f: {  	v38 =	vshrl.u32 v3, $0x3  }
0xa0: {  	v4 =	vmul.u32 $0x30, v38  }
0xa1: {  	v3 =	vand.u32 $0x7, v3  }
0xa2: {  	v3 =	vor.u32 v3, v4  }
0xa3: {  	v4 =	vperm.xlane v3, v0;
	_ =	sdelay $0x1  }
0xa4: {  	v4 =	vadd.s32 v1, v4;
	_ =	sdelay $0x3  }
0xa5: {  	s17 =	simm.s32 $0x12200;
	v3 =	vperm.xlane v3, v2  }
0xa6: {  	[hbm4b:s4+s3] =	stream.indirect_vreg.scatter [tilespmem:s17], [sflag:$0x1], $0x80, v4, vm0, $0xb8;
	[tilespmem:$0x1C200] =	vst v63  }
0xa7: {  	s18 =	simm.s32 $0x12A00;
	v3 =	vadd.s32 v1, v3  }
0xa8: {  	[hbm4b:s5+s3] =	stream.indirect_vreg.scatter [tilespmem:s18], [sflag:$0x1], $0x80, v4, vm0, $0xb8;
	[tilespmem:$0x1C200] =	vst v63  }
0xa9: {  	s11 =	simm.s32 $0x13200  }
0xaa: {  	[hbm4b:s6+s3] =	stream.indirect_vreg.scatter [tilespmem:s11], [sflag:$0x1], $0x80, v4, vm0, $0xb8;
	[tilespmem:$0x1C200] =	vst v63  }
0xab: {  	s17 =	simm.s32 $0x13A00  }
0xac: {  	[hbm4b:s4+s3] =	stream.indirect_vreg.scatter [tilespmem:s17], [sflag:$0x1], $0x80, v3, vm0, $0xb8;
	[tilespmem:$0x1C200] =	vst v63  }
0xad: {  	s18 =	simm.s32 $0x14200  }
0xae: {  	[hbm4b:s5+s3] =	stream.indirect_vreg.scatter [tilespmem:s18], [sflag:$0x1], $0x80, v3, vm0, $0xb8;
	[tilespmem:$0x1C200] =	vst v63  }
0xaf: {  	s11 =	simm.s32 $0x14A00  }
0xb0: {  	[hbm4b:s6+s3] =	stream.indirect_vreg.scatter [tilespmem:s11], [sflag:$0x1], $0x80, v3, vm0, $0xb8;
	[tilespmem:$0x1C200] =	vst v63  }
0xb1: {  	v3 =	vld [tilespmem:$0x70];
	_ =	sdelay $0x4  }
0xb2: {  	v39 =	vshrl.u32 v3, $0x3  }
0xb3: {  	v4 =	vmul.u32 $0x30, v39  }
0xb4: {  	v3 =	vand.u32 $0x7, v3  }
0xb5: {  	v3 =	vor.u32 v3, v4  }
0xb6: {  	v4 =	vperm.xlane v3, v0;
	_ =	sdelay $0x1  }
0xb7: {  	v4 =	vadd.s32 v1, v4;
	_ =	sdelay $0x3  }
0xb8: {  	s17 =	simm.s32 $0x15200;
	v3 =	vperm.xlane v3, v2  }
0xb9: {  	[hbm4b:s4+s3] =	stream.indirect_vreg.scatter [tilespmem:s17], [sflag:$0x1], $0x80, v4, vm0, $0xb8;
	[tilespmem:$0x1C200] =	vst v63  }
0xba: {  	s18 =	simm.s32 $0x15A00;
	v3 =	vadd.s32 v1, v3  }
0xbb: {  	[hbm4b:s5+s3] =	stream.indirect_vreg.scatter [tilespmem:s18], [sflag:$0x1], $0x80, v4, vm0, $0xb8;
	[tilespmem:$0x1C200] =	vst v63  }
0xbc: {  	s11 =	simm.s32 $0x16200  }
0xbd: {  	[hbm4b:s6+s3] =	stream.indirect_vreg.scatter [tilespmem:s11], [sflag:$0x1], $0x80, v4, vm0, $0xb8;
	[tilespmem:$0x1C200] =	vst v63  }
0xbe: {  	s17 =	simm.s32 $0x16A00  }
0xbf: {  	[hbm4b:s4+s3] =	stream.indirect_vreg.scatter [tilespmem:s17], [sflag:$0x1], $0x80, v3, vm0, $0xb8;
	[tilespmem:$0x1C200] =	vst v63  }
0xc0: {  	s18 =	simm.s32 $0x17200  }
0xc1: {  	[hbm4b:s5+s3] =	stream.indirect_vreg.scatter [tilespmem:s18], [sflag:$0x1], $0x80, v3, vm0, $0xb8;
	[tilespmem:$0x1C200] =	vst v63  }
0xc2: {  	s18 =	simm.s32 $0x17A00  }
0xc3: {  	[hbm4b:s6+s3] =	stream.indirect_vreg.scatter [tilespmem:s18], [sflag:$0x1], $0x80, v3, vm0, $0xb8;
	[tilespmem:$0x1C200] =	vst v63  }
0xc4: {  	s11 =	rddreg [dreg:$0x9]  }
0xc5: {  	[tilespmem:s1], [sflag:$0x3] =	stream.linear.gather [hbm4b:s11+s3], $0x4000, $0x38;
	[tilespmem:$0x1C200] =	vst v63  }
0xc6: {  	_ =	swait.ge [sflag:s8], $0x4000  }
0xc7: {  	[sflag:s8] =	ssyncset.done $0x0  }
0xc8: {  	[sflag:s8] =	ssyncadd.s32 $0xFFFFC000  }
0xc9: {  	s0 =	simm.s32 $0x80;
	s18 =	rddreg [dreg:$0x2]  }
0xca: {  	[hbm4b:s18+s0] =	stream.indirect.scatter [tilespmem:s1], [sflag:$0x2], $0x80, s3, s0, $0xb8;
	[tilespmem:$0x1C200] =	vst v63  }
0xcb: {  	_ =	swait.ge [sflag:s15], $0x18000  }
0xcc: {  	[sflag:s15] =	ssyncset.done $0x0  }
0xcd: {  	s11 =	rddreg [dreg:$0xa];
	[sflag:s15] =	ssyncadd.s32 $0xFFFE8000  }
0xce: {  	[tilespmem:s14], [sflag:$0x3] =	stream.linear.gather [hbm4b:s11+s3], $0x18000, $0x38;
	[tilespmem:$0x1C200] =	vst v63  }
0xcf: {  	_ =	swait.ge [sflag:s8], $0x18000  }
0xd0: {  	[sflag:s8] =	ssyncset.done $0x0  }
0xd1: {  	[sflag:s8] =	ssyncadd.s32 $0xFFFE8000  }
0xd2: {  	v3 =	vld [tilespmem:$0x80];
	_ =	sdelay $0x4  }
0xd3: {  	v40 =	vshrl.u32 v3, $0x3  }
0xd4: {  	v4 =	vmul.u32 $0x30, v40  }
0xd5: {  	v3 =	vand.u32 $0x7, v3  }
0xd6: {  	v3 =	vor.u32 v3, v4  }
0xd7: {  	v4 =	vperm.xlane v3, v0;
	_ =	sdelay $0x1  }
0xd8: {  	v4 =	vadd.s32 v1, v4;
	_ =	sdelay $0x3  }
0xd9: {  	v3 =	vperm.xlane v3, v2  }
0xda: {  	[hbm4b:s4+s3] =	stream.indirect_vreg.scatter [tilespmem:s14], [sflag:$0x1], $0x80, v4, vm0, $0xb8;
	[tilespmem:$0x1C200] =	vst v63  }
0xdb: {  	s2 =	simm.s32 $0xA00;
	v3 =	vadd.s32 v1, v3  }
0xdc: {  	[hbm4b:s5+s3] =	stream.indirect_vreg.scatter [tilespmem:s2], [sflag:$0x1], $0x80, v4, vm0, $0xb8;
	[tilespmem:$0x1C200] =	vst v63  }
0xdd: {  	s13 =	simm.s32 $0x1200  }
0xde: {  	[hbm4b:s6+s3] =	stream.indirect_vreg.scatter [tilespmem:s13], [sflag:$0x1], $0x80, v4, vm0, $0xb8;
	[tilespmem:$0x1C200] =	vst v63  }
0xdf: {  	s19 =	simm.s32 $0x1A00  }
0xe0: {  	[hbm4b:s4+s3] =	stream.indirect_vreg.scatter [tilespmem:s19], [sflag:$0x1], $0x80, v3, vm0, $0xb8;
	[tilespmem:$0x1C200] =	vst v63  }
0xe1: {  	s20 =	simm.s32 $0x2200  }
0xe2: {  	[hbm4b:s5+s3] =	stream.indirect_vreg.scatter [tilespmem:s20], [sflag:$0x1], $0x80, v3, vm0, $0xb8;
	[tilespmem:$0x1C200] =	vst v63  }
0xe3: {  	s11 =	simm.s32 $0x2A00  }
0xe4: {  	[hbm4b:s6+s3] =	stream.indirect_vreg.scatter [tilespmem:s11], [sflag:$0x1], $0x80, v3, vm0, $0xb8;
	[tilespmem:$0x1C200] =	vst v63  }
0xe5: {  	v3 =	vld [tilespmem:$0x90];
	_ =	sdelay $0x4  }
0xe6: {  	v41 =	vshrl.u32 v3, $0x3  }
0xe7: {  	v4 =	vmul.u32 $0x30, v41  }
0xe8: {  	v3 =	vand.u32 $0x7, v3  }
0xe9: {  	v3 =	vor.u32 v3, v4  }
0xea: {  	v4 =	vperm.xlane v3, v0;
	_ =	sdelay $0x1  }
0xeb: {  	v4 =	vadd.s32 v1, v4;
	_ =	sdelay $0x3  }
0xec: {  	s20 =	simm.s32 $0x3200;
	v3 =	vperm.xlane v3, v2  }
0xed: {  	[hbm4b:s4+s3] =	stream.indirect_vreg.scatter [tilespmem:s20], [sflag:$0x1], $0x80, v4, vm0, $0xb8;
	[tilespmem:$0x1C200] =	vst v63  }
0xee: {  	s21 =	simm.s32 $0x3A00;
	v3 =	vadd.s32 v1, v3  }
0xef: {  	[hbm4b:s5+s3] =	stream.indirect_vreg.scatter [tilespmem:s21], [sflag:$0x1], $0x80, v4, vm0, $0xb8;
	[tilespmem:$0x1C200] =	vst v63  }
0xf0: {  	s22 =	simm.s32 $0x4200  }
0xf1: {  	[hbm4b:s6+s3] =	stream.indirect_vreg.scatter [tilespmem:s22], [sflag:$0x1], $0x80, v4, vm0, $0xb8;
	[tilespmem:$0x1C200] =	vst v63  }
0xf2: {  	s23 =	simm.s32 $0x4A00  }
0xf3: {  	[hbm4b:s4+s3] =	stream.indirect_vreg.scatter [tilespmem:s23], [sflag:$0x1], $0x80, v3, vm0, $0xb8;
	[tilespmem:$0x1C200] =	vst v63  }
0xf4: {  	s24 =	simm.s32 $0x5200  }
0xf5: {  	[hbm4b:s5+s3] =	stream.indirect_vreg.scatter [tilespmem:s24], [sflag:$0x1], $0x80, v3, vm0, $0xb8;
	[tilespmem:$0x1C200] =	vst v63  }
0xf6: {  	s13 =	simm.s32 $0x5A00  }
0xf7: {  	[hbm4b:s6+s3] =	stream.indirect_vreg.scatter [tilespmem:s13], [sflag:$0x1], $0x80, v3, vm0, $0xb8;
	[tilespmem:$0x1C200] =	vst v63  }
0xf8: {  	v3 =	vld [tilespmem:$0xA0];
	_ =	sdelay $0x4  }
0xf9: {  	v42 =	vshrl.u32 v3, $0x3  }
0xfa: {  	v4 =	vmul.u32 $0x30, v42  }
0xfb: {  	v3 =	vand.u32 $0x7, v3  }
0xfc: {  	v3 =	vor.u32 v3, v4  }
0xfd: {  	v4 =	vperm.xlane v3, v0;
	_ =	sdelay $0x1  }
0xfe: {  	v4 =	vadd.s32 v1, v4;
	_ =	sdelay $0x3  }
0xff: {  	s25 =	simm.s32 $0x6200;
	v3 =	vperm.xlane v3, v2  }
0x100: {  	[hbm4b:s4+s3] =	stream.indirect_vreg.scatter [tilespmem:s25], [sflag:$0x1], $0x80, v4, vm0, $0xb8;
	[tilespmem:$0x1C200] =	vst v63  }
0x101: {  	s22 =	simm.s32 $0x6A00;
	v3 =	vadd.s32 v1, v3  }
0x102: {  	[hbm4b:s5+s3] =	stream.indirect_vreg.scatter [tilespmem:s22], [sflag:$0x1], $0x80, v4, vm0, $0xb8;
	[tilespmem:$0x1C200] =	vst v63  }
0x103: {  	s10 =	simm.s32 $0x7200  }
0x104: {  	[hbm4b:s6+s3] =	stream.indirect_vreg.scatter [tilespmem:s10], [sflag:$0x1], $0x80, v4, vm0, $0xb8;
	[tilespmem:$0x1C200] =	vst v63  }
0x105: {  	s23 =	simm.s32 $0x7A00  }
0x106: {  	[hbm4b:s4+s3] =	stream.indirect_vreg.scatter [tilespmem:s23], [sflag:$0x1], $0x80, v3, vm0, $0xb8;
	[tilespmem:$0x1C200] =	vst v63  }
0x107: {  	s9 =	simm.s32 $0x8200  }
0x108: {  	[hbm4b:s5+s3] =	stream.indirect_vreg.scatter [tilespmem:s9], [sflag:$0x1], $0x80, v3, vm0, $0xb8;
	[tilespmem:$0x1C200] =	vst v63  }
0x109: {  	s9 =	simm.s32 $0x8A00  }
0x10a: {  	[hbm4b:s6+s3] =	stream.indirect_vreg.scatter [tilespmem:s9], [sflag:$0x1], $0x80, v3, vm0, $0xb8;
	[tilespmem:$0x1C200] =	vst v63  }
0x10b: {  	v3 =	vld [tilespmem:$0xB0];
	_ =	sdelay $0x4  }
0x10c: {  	v43 =	vshrl.u32 v3, $0x3  }
0x10d: {  	v4 =	vmul.u32 $0x30, v43  }
0x10e: {  	v3 =	vand.u32 $0x7, v3  }
0x10f: {  	v3 =	vor.u32 v3, v4  }
0x110: {  	v4 =	vperm.xlane v3, v0;
	_ =	sdelay $0x1  }
0x111: {  	v4 =	vadd.s32 v1, v4;
	_ =	sdelay $0x3  }
0x112: {  	s24 =	simm.s32 $0x9200;
	v3 =	vperm.xlane v3, v2  }
0x113: {  	[hbm4b:s4+s3] =	stream.indirect_vreg.scatter [tilespmem:s24], [sflag:$0x1], $0x80, v4, vm0, $0xb8;
	[tilespmem:$0x1C200] =	vst v63  }
0x114: {  	s12 =	simm.s32 $0x9A00;
	v3 =	vadd.s32 v1, v3  }
0x115: {  	[hbm4b:s5+s3] =	stream.indirect_vreg.scatter [tilespmem:s12], [sflag:$0x1], $0x80, v4, vm0, $0xb8;
	[tilespmem:$0x1C200] =	vst v63  }
0x116: {  	s2 =	simm.s32 $0xA200  }
0x117: {  	[hbm4b:s6+s3] =	stream.indirect_vreg.scatter [tilespmem:s2], [sflag:$0x1], $0x80, v4, vm0, $0xb8;
	[tilespmem:$0x1C200] =	vst v63  }
0x118: {  	s25 =	simm.s32 $0xAA00  }
0x119: {  	[hbm4b:s4+s3] =	stream.indirect_vreg.scatter [tilespmem:s25], [sflag:$0x1], $0x80, v3, vm0, $0xb8;
	[tilespmem:$0x1C200] =	vst v63  }
0x11a: {  	s10 =	simm.s32 $0xB200  }
0x11b: {  	[hbm4b:s5+s3] =	stream.indirect_vreg.scatter [tilespmem:s10], [sflag:$0x1], $0x80, v3, vm0, $0xb8;
	[tilespmem:$0x1C200] =	vst v63  }
0x11c: {  	s26 =	simm.s32 $0xBA00  }
0x11d: {  	[hbm4b:s6+s3] =	stream.indirect_vreg.scatter [tilespmem:s26], [sflag:$0x1], $0x80, v3, vm0, $0xb8;
	[tilespmem:$0x1C200] =	vst v63  }
0x11e: {  	v3 =	vld [tilespmem:$0xC0];
	_ =	sdelay $0x4  }
0x11f: {  	v44 =	vshrl.u32 v3, $0x3  }
0x120: {  	v4 =	vmul.u32 $0x30, v44  }
0x121: {  	v3 =	vand.u32 $0x7, v3  }
0x122: {  	v3 =	vor.u32 v3, v4  }
0x123: {  	v4 =	vperm.xlane v3, v0;
	_ =	sdelay $0x1  }
0x124: {  	v4 =	vadd.s32 v1, v4;
	_ =	sdelay $0x3  }
0x125: {  	s28 =	simm.s32 $0xC200;
	v3 =	vperm.xlane v3, v2  }
0x126: {  	[hbm4b:s4+s3] =	stream.indirect_vreg.scatter [tilespmem:s28], [sflag:$0x1], $0x80, v4, vm0, $0xb8;
	[tilespmem:$0x1C200] =	vst v63  }
0x127: {  	s26 =	simm.s32 $0xCA00;
	v3 =	vadd.s32 v1, v3  }
0x128: {  	[hbm4b:s5+s3] =	stream.indirect_vreg.scatter [tilespmem:s26], [sflag:$0x1], $0x80, v4, vm0, $0xb8;
	[tilespmem:$0x1C200] =	vst v63  }
0x129: {  	s12 =	simm.s32 $0xD200  }
0x12a: {  	[hbm4b:s6+s3] =	stream.indirect_vreg.scatter [tilespmem:s12], [sflag:$0x1], $0x80, v4, vm0, $0xb8;
	[tilespmem:$0x1C200] =	vst v63  }
0x12b: {  	s28 =	simm.s32 $0xDA00  }
0x12c: {  	[hbm4b:s4+s3] =	stream.indirect_vreg.scatter [tilespmem:s28], [sflag:$0x1], $0x80, v3, vm0, $0xb8;
	[tilespmem:$0x1C200] =	vst v63  }
0x12d: {  	s19 =	simm.s32 $0xE200  }
0x12e: {  	[hbm4b:s5+s3] =	stream.indirect_vreg.scatter [tilespmem:s19], [sflag:$0x1], $0x80, v3, vm0, $0xb8;
	[tilespmem:$0x1C200] =	vst v63  }
0x12f: {  	s29 =	simm.s32 $0xEA00  }
0x130: {  	[hbm4b:s6+s3] =	stream.indirect_vreg.scatter [tilespmem:s29], [sflag:$0x1], $0x80, v3, vm0, $0xb8;
	[tilespmem:$0x1C200] =	vst v63  }
0x131: {  	v3 =	vld [tilespmem:$0xD0];
	_ =	sdelay $0x4  }
0x132: {  	v45 =	vshrl.u32 v3, $0x3  }
0x133: {  	v4 =	vmul.u32 $0x30, v45  }
0x134: {  	v3 =	vand.u32 $0x7, v3  }
0x135: {  	v3 =	vor.u32 v3, v4  }
0x136: {  	v4 =	vperm.xlane v3, v0;
	_ =	sdelay $0x1  }
0x137: {  	v4 =	vadd.s32 v1, v4;
	_ =	sdelay $0x3  }
0x138: {  	s30 =	simm.s32 $0xF200;
	v3 =	vperm.xlane v3, v2  }
0x139: {  	[hbm4b:s4+s3] =	stream.indirect_vreg.scatter [tilespmem:s30], [sflag:$0x1], $0x80, v4, vm0, $0xb8;
	[tilespmem:$0x1C200] =	vst v63  }
0x13a: {  	s21 =	simm.s32 $0xFA00;
	v3 =	vadd.s32 v1, v3  }
0x13b: {  	[hbm4b:s5+s3] =	stream.indirect_vreg.scatter [tilespmem:s21], [sflag:$0x1], $0x80, v4, vm0, $0xb8;
	[tilespmem:$0x1C200] =	vst v63  }
0x13c: {  	s22 =	simm.s32 $0x10200  }
0x13d: {  	[hbm4b:s6+s3] =	stream.indirect_vreg.scatter [tilespmem:s22], [sflag:$0x1], $0x80, v4, vm0, $0xb8;
	[tilespmem:$0x1C200] =	vst v63  }
0x13e: {  	s23 =	simm.s32 $0x10A00  }
0x13f: {  	[hbm4b:s4+s3] =	stream.indirect_vreg.scatter [tilespmem:s23], [sflag:$0x1], $0x80, v3, vm0, $0xb8;
	[tilespmem:$0x1C200] =	vst v63  }
0x140: {  	s24 =	simm.s32 $0x11200  }
0x141: {  	[hbm4b:s5+s3] =	stream.indirect_vreg.scatter [tilespmem:s24], [sflag:$0x1], $0x80, v3, vm0, $0xb8;
	[tilespmem:$0x1C200] =	vst v63  }
0x142: {  	s31 =	simm.s32 $0x11A00  }
0x143: {  	[hbm4b:s6+s3] =	stream.indirect_vreg.scatter [tilespmem:s31], [sflag:$0x1], $0x80, v3, vm0, $0xb8;
	[tilespmem:$0x1C200] =	vst v63  }
0x144: {  	v3 =	vld [tilespmem:$0xE0];
	_ =	sdelay $0x4  }
0x145: {  	v46 =	vshrl.u32 v3, $0x3  }
0x146: {  	v4 =	vmul.u32 $0x30, v46  }
0x147: {  	v3 =	vand.u32 $0x7, v3  }
0x148: {  	v3 =	vor.u32 v3, v4  }
0x149: {  	v4 =	vperm.xlane v3, v0;
	_ =	sdelay $0x1  }
0x14a: {  	v4 =	vadd.s32 v1, v4;
	_ =	sdelay $0x3  }
0x14b: {  	s29 =	simm.s32 $0x12200;
	v3 =	vperm.xlane v3, v2  }
0x14c: {  	[hbm4b:s4+s3] =	stream.indirect_vreg.scatter [tilespmem:s29], [sflag:$0x1], $0x80, v4, vm0, $0xb8;
	[tilespmem:$0x1C200] =	vst v63  }
0x14d: {  	s25 =	simm.s32 $0x12A00;
	v3 =	vadd.s32 v1, v3  }
0x14e: {  	[hbm4b:s5+s3] =	stream.indirect_vreg.scatter [tilespmem:s25], [sflag:$0x1], $0x80, v4, vm0, $0xb8;
	[tilespmem:$0x1C200] =	vst v63  }
0x14f: {  	s26 =	simm.s32 $0x13200  }
0x150: {  	[hbm4b:s6+s3] =	stream.indirect_vreg.scatter [tilespmem:s26], [sflag:$0x1], $0x80, v4, vm0, $0xb8;
	[tilespmem:$0x1C200] =	vst v63  }
0x151: {  	s28 =	simm.s32 $0x13A00  }
0x152: {  	[hbm4b:s4+s3] =	stream.indirect_vreg.scatter [tilespmem:s28], [sflag:$0x1], $0x80, v3, vm0, $0xb8;
	[tilespmem:$0x1C200] =	vst v63  }
0x153: {  	s29 =	simm.s32 $0x14200  }
0x154: {  	[hbm4b:s5+s3] =	stream.indirect_vreg.scatter [tilespmem:s29], [sflag:$0x1], $0x80, v3, vm0, $0xb8;
	[tilespmem:$0x1C200] =	vst v63  }
0x155: {  	s30 =	simm.s32 $0x14A00  }
0x156: {  	[hbm4b:s6+s3] =	stream.indirect_vreg.scatter [tilespmem:s30], [sflag:$0x1], $0x80, v3, vm0, $0xb8;
	[tilespmem:$0x1C200] =	vst v63  }
0x157: {  	v3 =	vld [tilespmem:$0xF0];
	_ =	sdelay $0x4  }
0x158: {  	v47 =	vshrl.u32 v3, $0x3  }
0x159: {  	v4 =	vmul.u32 $0x30, v47  }
0x15a: {  	v3 =	vand.u32 $0x7, v3  }
0x15b: {  	v3 =	vor.u32 v3, v4  }
0x15c: {  	v4 =	vperm.xlane v3, v0;
	_ =	sdelay $0x1  }
0x15d: {  	v4 =	vadd.s32 v1, v4;
	_ =	sdelay $0x3  }
0x15e: {  	s31 =	simm.s32 $0x15200;
	v3 =	vperm.xlane v3, v2  }
0x15f: {  	[hbm4b:s4+s3] =	stream.indirect_vreg.scatter [tilespmem:s31], [sflag:$0x1], $0x80, v4, vm0, $0xb8;
	[tilespmem:$0x1C200] =	vst v63  }
0x160: {  	s30 =	simm.s32 $0x15A00;
	v3 =	vadd.s32 v1, v3  }
0x161: {  	[hbm4b:s5+s3] =	stream.indirect_vreg.scatter [tilespmem:s30], [sflag:$0x1], $0x80, v4, vm0, $0xb8;
	[tilespmem:$0x1C200] =	vst v63  }
0x162: {  	s31 =	simm.s32 $0x16200  }
0x163: {  	[hbm4b:s6+s3] =	stream.indirect_vreg.scatter [tilespmem:s31], [sflag:$0x1], $0x80, v4, vm0, $0xb8;
	[tilespmem:$0x1C200] =	vst v63  }
0x164: {  	s20 =	simm.s32 $0x16A00  }
0x165: {  	[hbm4b:s4+s3] =	stream.indirect_vreg.scatter [tilespmem:s20], [sflag:$0x1], $0x80, v3, vm0, $0xb8;
	[tilespmem:$0x1C200] =	vst v63  }
0x166: {  	s17 =	simm.s32 $0x17200  }
0x167: {  	[hbm4b:s5+s3] =	stream.indirect_vreg.scatter [tilespmem:s17], [sflag:$0x1], $0x80, v3, vm0, $0xb8;
	[tilespmem:$0x1C200] =	vst v63  }
0x168: {  	s17 =	simm.s32 $0x17A00  }
0x169: {  	[hbm4b:s6+s3] =	stream.indirect_vreg.scatter [tilespmem:s17], [sflag:$0x1], $0x80, v3, vm0, $0xb8;
	[tilespmem:$0x1C200] =	vst v63  }
0x16a: {  	_ =	swait.ge [sflag:s16], $0x4000  }
0x16b: {  	[sflag:s16] =	ssyncset.done $0x0  }
0x16c: {  	s17 =	rddreg [dreg:$0xb];
	[sflag:s16] =	ssyncadd.s32 $0xFFFFC000  }
0x16d: {  	[tilespmem:s1], [sflag:$0x3] =	stream.linear.gather [hbm4b:s17+s3], $0x4000, $0x38;
	[tilespmem:$0x1C200] =	vst v63  }
0x16e: {  	_ =	swait.ge [sflag:s8], $0x4000  }
0x16f: {  	[sflag:s8] =	ssyncset.done $0x0  }
0x170: {  	[sflag:s8] =	ssyncadd.s32 $0xFFFFC000  }
0x171: {  	[hbm4b:s18+s0] =	stream.indirect.scatter [tilespmem:s1], [sflag:$0x2], $0x80, s0, s0, $0xb8;
	[tilespmem:$0x1C200] =	vst v63  }
0x172: {  	_ =	swait.ge [sflag:s15], $0x18000  }
0x173: {  	[sflag:s15] =	ssyncset.done $0x0  }
0x174: {  	s0 =	rddreg [dreg:$0xc];
	[sflag:s15] =	ssyncadd.s32 $0xFFFE8000  }
0x175: {  	[tilespmem:s14], [sflag:$0x3] =	stream.linear.gather [hbm4b:s0+s3], $0x18000, $0x38;
	[tilespmem:$0x1C200] =	vst v63  }
0x176: {  	_ =	swait.ge [sflag:s8], $0x18000  }
0x177: {  	[sflag:s8] =	ssyncset.done $0x0  }
0x178: {  	[sflag:s8] =	ssyncadd.s32 $0xFFFE8000  }
0x179: {  	v3 =	vld [tilespmem:$0x100];
	_ =	sdelay $0x4  }
0x17a: {  	v48 =	vshrl.u32 v3, $0x3  }
0x17b: {  	v4 =	vmul.u32 $0x30, v48  }
0x17c: {  	v3 =	vand.u32 $0x7, v3  }
0x17d: {  	v3 =	vor.u32 v3, v4  }
0x17e: {  	v4 =	vperm.xlane v3, v0;
	_ =	sdelay $0x1  }
0x17f: {  	v4 =	vadd.s32 v1, v4;
	_ =	sdelay $0x3  }
0x180: {  	v3 =	vperm.xlane v3, v2  }
0x181: {  	[hbm4b:s4+s3] =	stream.indirect_vreg.scatter [tilespmem:s14], [sflag:$0x1], $0x80, v4, vm0, $0xb8;
	[tilespmem:$0x1C200] =	vst v63  }
0x182: {  	s17 =	simm.s32 $0xA00;
	v3 =	vadd.s32 v1, v3  }
0x183: {  	[hbm4b:s5+s3] =	stream.indirect_vreg.scatter [tilespmem:s17], [sflag:$0x1], $0x80, v4, vm0, $0xb8;
	[tilespmem:$0x1C200] =	vst v63  }
0x184: {  	s17 =	simm.s32 $0x1200  }
0x185: {  	[hbm4b:s6+s3] =	stream.indirect_vreg.scatter [tilespmem:s17], [sflag:$0x1], $0x80, v4, vm0, $0xb8;
	[tilespmem:$0x1C200] =	vst v63  }
0x186: {  	s17 =	simm.s32 $0x1A00  }
0x187: {  	[hbm4b:s4+s3] =	stream.indirect_vreg.scatter [tilespmem:s17], [sflag:$0x1], $0x80, v3, vm0, $0xb8;
	[tilespmem:$0x1C200] =	vst v63  }
0x188: {  	s17 =	simm.s32 $0x2200  }
0x189: {  	[hbm4b:s5+s3] =	stream.indirect_vreg.scatter [tilespmem:s17], [sflag:$0x1], $0x80, v3, vm0, $0xb8;
	[tilespmem:$0x1C200] =	vst v63  }
0x18a: {  	_ = 	snop  }
0x18b: {  	[hbm4b:s6+s3] =	stream.indirect_vreg.scatter [tilespmem:s11], [sflag:$0x1], $0x80, v3, vm0, $0xb8;
	[tilespmem:$0x1C200] =	vst v63  }
0x18c: {  	v3 =	vld [tilespmem:$0x110];
	_ =	sdelay $0x4  }
0x18d: {  	v49 =	vshrl.u32 v3, $0x3  }
0x18e: {  	v4 =	vmul.u32 $0x30, v49  }
0x18f: {  	v3 =	vand.u32 $0x7, v3  }
0x190: {  	v3 =	vor.u32 v3, v4  }
0x191: {  	v4 =	vperm.xlane v3, v0;
	_ =	sdelay $0x1  }
0x192: {  	v4 =	vadd.s32 v1, v4;
	_ =	sdelay $0x3  }
0x193: {  	s17 =	simm.s32 $0x3200;
	v3 =	vperm.xlane v3, v2  }
0x194: {  	[hbm4b:s4+s3] =	stream.indirect_vreg.scatter [tilespmem:s17], [sflag:$0x1], $0x80, v4, vm0, $0xb8;
	[tilespmem:$0x1C200] =	vst v63  }
0x195: {  	s11 =	simm.s32 $0x3A00;
	v3 =	vadd.s32 v1, v3  }
0x196: {  	[hbm4b:s5+s3] =	stream.indirect_vreg.scatter [tilespmem:s11], [sflag:$0x1], $0x80, v4, vm0, $0xb8;
	[tilespmem:$0x1C200] =	vst v63  }
0x197: {  	s17 =	simm.s32 $0x4200  }
0x198: {  	[hbm4b:s6+s3] =	stream.indirect_vreg.scatter [tilespmem:s17], [sflag:$0x1], $0x80, v4, vm0, $0xb8;
	[tilespmem:$0x1C200] =	vst v63  }
0x199: {  	s11 =	simm.s32 $0x4A00  }
0x19a: {  	[hbm4b:s4+s3] =	stream.indirect_vreg.scatter [tilespmem:s11], [sflag:$0x1], $0x80, v3, vm0, $0xb8;
	[tilespmem:$0x1C200] =	vst v63  }
0x19b: {  	s17 =	simm.s32 $0x5200  }
0x19c: {  	[hbm4b:s5+s3] =	stream.indirect_vreg.scatter [tilespmem:s17], [sflag:$0x1], $0x80, v3, vm0, $0xb8;
	[tilespmem:$0x1C200] =	vst v63  }
0x19d: {  	_ = 	snop  }
0x19e: {  	[hbm4b:s6+s3] =	stream.indirect_vreg.scatter [tilespmem:s13], [sflag:$0x1], $0x80, v3, vm0, $0xb8;
	[tilespmem:$0x1C200] =	vst v63  }
0x19f: {  	v3 =	vld [tilespmem:$0x120];
	_ =	sdelay $0x4  }
0x1a0: {  	v50 =	vshrl.u32 v3, $0x3  }
0x1a1: {  	v4 =	vmul.u32 $0x30, v50  }
0x1a2: {  	v3 =	vand.u32 $0x7, v3  }
0x1a3: {  	v3 =	vor.u32 v3, v4  }
0x1a4: {  	v4 =	vperm.xlane v3, v0;
	_ =	sdelay $0x1  }
0x1a5: {  	v4 =	vadd.s32 v1, v4;
	_ =	sdelay $0x3  }
0x1a6: {  	s11 =	simm.s32 $0x6200;
	v3 =	vperm.xlane v3, v2  }
0x1a7: {  	[hbm4b:s4+s3] =	stream.indirect_vreg.scatter [tilespmem:s11], [sflag:$0x1], $0x80, v4, vm0, $0xb8;
	[tilespmem:$0x1C200] =	vst v63  }
0x1a8: {  	s13 =	simm.s32 $0x6A00;
	v3 =	vadd.s32 v1, v3  }
0x1a9: {  	[hbm4b:s5+s3] =	stream.indirect_vreg.scatter [tilespmem:s13], [sflag:$0x1], $0x80, v4, vm0, $0xb8;
	[tilespmem:$0x1C200] =	vst v63  }
0x1aa: {  	s17 =	simm.s32 $0x7200  }
0x1ab: {  	[hbm4b:s6+s3] =	stream.indirect_vreg.scatter [tilespmem:s17], [sflag:$0x1], $0x80, v4, vm0, $0xb8;
	[tilespmem:$0x1C200] =	vst v63  }
0x1ac: {  	s11 =	simm.s32 $0x7A00  }
0x1ad: {  	[hbm4b:s4+s3] =	stream.indirect_vreg.scatter [tilespmem:s11], [sflag:$0x1], $0x80, v3, vm0, $0xb8;
	[tilespmem:$0x1C200] =	vst v63  }
0x1ae: {  	s13 =	simm.s32 $0x8200  }
0x1af: {  	[hbm4b:s5+s3] =	stream.indirect_vreg.scatter [tilespmem:s13], [sflag:$0x1], $0x80, v3, vm0, $0xb8;
	[tilespmem:$0x1C200] =	vst v63  }
0x1b0: {  	_ = 	snop  }
0x1b1: {  	[hbm4b:s6+s3] =	stream.indirect_vreg.scatter [tilespmem:s9], [sflag:$0x1], $0x80, v3, vm0, $0xb8;
	[tilespmem:$0x1C200] =	vst v63  }
0x1b2: {  	v3 =	vld [tilespmem:$0x130];
	_ =	sdelay $0x4  }
0x1b3: {  	v51 =	vshrl.u32 v3, $0x3  }
0x1b4: {  	v4 =	vmul.u32 $0x30, v51  }
0x1b5: {  	v3 =	vand.u32 $0x7, v3  }
0x1b6: {  	v3 =	vor.u32 v3, v4  }
0x1b7: {  	v4 =	vperm.xlane v3, v0;
	_ =	sdelay $0x1  }
0x1b8: {  	v4 =	vadd.s32 v1, v4;
	_ =	sdelay $0x3  }
0x1b9: {  	s17 =	simm.s32 $0x9200;
	v3 =	vperm.xlane v3, v2  }
0x1ba: {  	[hbm4b:s4+s3] =	stream.indirect_vreg.scatter [tilespmem:s17], [sflag:$0x1], $0x80, v4, vm0, $0xb8;
	[tilespmem:$0x1C200] =	vst v63  }
0x1bb: {  	s9 =	simm.s32 $0x9A00;
	v3 =	vadd.s32 v1, v3  }
0x1bc: {  	[hbm4b:s5+s3] =	stream.indirect_vreg.scatter [tilespmem:s9], [sflag:$0x1], $0x80, v4, vm0, $0xb8;
	[tilespmem:$0x1C200] =	vst v63  }
0x1bd: {  	_ = 	snop  }
0x1be: {  	[hbm4b:s6+s3] =	stream.indirect_vreg.scatter [tilespmem:s2], [sflag:$0x1], $0x80, v4, vm0, $0xb8;
	[tilespmem:$0x1C200] =	vst v63  }
0x1bf: {  	s11 =	simm.s32 $0xAA00  }
0x1c0: {  	[hbm4b:s4+s3] =	stream.indirect_vreg.scatter [tilespmem:s11], [sflag:$0x1], $0x80, v3, vm0, $0xb8;
	[tilespmem:$0x1C200] =	vst v63  }
0x1c1: {  	_ = 	snop  }
0x1c2: {  	[hbm4b:s5+s3] =	stream.indirect_vreg.scatter [tilespmem:s10], [sflag:$0x1], $0x80, v3, vm0, $0xb8;
	[tilespmem:$0x1C200] =	vst v63  }
0x1c3: {  	s13 =	simm.s32 $0xBA00  }
0x1c4: {  	[hbm4b:s6+s3] =	stream.indirect_vreg.scatter [tilespmem:s13], [sflag:$0x1], $0x80, v3, vm0, $0xb8;
	[tilespmem:$0x1C200] =	vst v63  }
0x1c5: {  	v3 =	vld [tilespmem:$0x140];
	_ =	sdelay $0x4  }
0x1c6: {  	v52 =	vshrl.u32 v3, $0x3  }
0x1c7: {  	v4 =	vmul.u32 $0x30, v52  }
0x1c8: {  	v3 =	vand.u32 $0x7, v3  }
0x1c9: {  	v3 =	vor.u32 v3, v4  }
0x1ca: {  	v4 =	vperm.xlane v3, v0;
	_ =	sdelay $0x1  }
0x1cb: {  	v4 =	vadd.s32 v1, v4;
	_ =	sdelay $0x3  }
0x1cc: {  	s17 =	simm.s32 $0xC200;
	v3 =	vperm.xlane v3, v2  }
0x1cd: {  	[hbm4b:s4+s3] =	stream.indirect_vreg.scatter [tilespmem:s17], [sflag:$0x1], $0x80, v4, vm0, $0xb8;
	[tilespmem:$0x1C200] =	vst v63  }
0x1ce: {  	s11 =	simm.s32 $0xCA00;
	v3 =	vadd.s32 v1, v3  }
0x1cf: {  	[hbm4b:s5+s3] =	stream.indirect_vreg.scatter [tilespmem:s11], [sflag:$0x1], $0x80, v4, vm0, $0xb8;
	[tilespmem:$0x1C200] =	vst v63  }
0x1d0: {  	_ = 	snop  }
0x1d1: {  	[hbm4b:s6+s3] =	stream.indirect_vreg.scatter [tilespmem:s12], [sflag:$0x1], $0x80, v4, vm0, $0xb8;
	[tilespmem:$0x1C200] =	vst v63  }
0x1d2: {  	s13 =	simm.s32 $0xDA00  }
0x1d3: {  	[hbm4b:s4+s3] =	stream.indirect_vreg.scatter [tilespmem:s13], [sflag:$0x1], $0x80, v3, vm0, $0xb8;
	[tilespmem:$0x1C200] =	vst v63  }
0x1d4: {  	_ = 	snop  }
0x1d5: {  	[hbm4b:s5+s3] =	stream.indirect_vreg.scatter [tilespmem:s19], [sflag:$0x1], $0x80, v3, vm0, $0xb8;
	[tilespmem:$0x1C200] =	vst v63  }
0x1d6: {  	s17 =	simm.s32 $0xEA00  }
0x1d7: {  	[hbm4b:s6+s3] =	stream.indirect_vreg.scatter [tilespmem:s17], [sflag:$0x1], $0x80, v3, vm0, $0xb8;
	[tilespmem:$0x1C200] =	vst v63  }
0x1d8: {  	v3 =	vld [tilespmem:$0x150];
	_ =	sdelay $0x4  }
0x1d9: {  	v53 =	vshrl.u32 v3, $0x3  }
0x1da: {  	v4 =	vmul.u32 $0x30, v53  }
0x1db: {  	v3 =	vand.u32 $0x7, v3  }
0x1dc: {  	v3 =	vor.u32 v3, v4  }
0x1dd: {  	v4 =	vperm.xlane v3, v0;
	_ =	sdelay $0x1  }
0x1de: {  	v4 =	vadd.s32 v1, v4;
	_ =	sdelay $0x3  }
0x1df: {  	s17 =	simm.s32 $0xF200;
	v3 =	vperm.xlane v3, v2  }
0x1e0: {  	[hbm4b:s4+s3] =	stream.indirect_vreg.scatter [tilespmem:s17], [sflag:$0x1], $0x80, v4, vm0, $0xb8;
	[tilespmem:$0x1C200] =	vst v63  }
0x1e1: {  	v3 =	vadd.s32 v1, v3  }
0x1e2: {  	[hbm4b:s5+s3] =	stream.indirect_vreg.scatter [tilespmem:s21], [sflag:$0x1], $0x80, v4, vm0, $0xb8;
	[tilespmem:$0x1C200] =	vst v63  }
0x1e3: {  	_ = 	snop  }
0x1e4: {  	[hbm4b:s6+s3] =	stream.indirect_vreg.scatter [tilespmem:s22], [sflag:$0x1], $0x80, v4, vm0, $0xb8;
	[tilespmem:$0x1C200] =	vst v63  }
0x1e5: {  	_ = 	snop  }
0x1e6: {  	[hbm4b:s4+s3] =	stream.indirect_vreg.scatter [tilespmem:s23], [sflag:$0x1], $0x80, v3, vm0, $0xb8;
	[tilespmem:$0x1C200] =	vst v63  }
0x1e7: {  	_ = 	snop  }
0x1e8: {  	[hbm4b:s5+s3] =	stream.indirect_vreg.scatter [tilespmem:s24], [sflag:$0x1], $0x80, v3, vm0, $0xb8;
	[tilespmem:$0x1C200] =	vst v63  }
0x1e9: {  	s17 =	simm.s32 $0x11A00  }
0x1ea: {  	[hbm4b:s6+s3] =	stream.indirect_vreg.scatter [tilespmem:s17], [sflag:$0x1], $0x80, v3, vm0, $0xb8;
	[tilespmem:$0x1C200] =	vst v63  }
0x1eb: {  	v3 =	vld [tilespmem:$0x160];
	_ =	sdelay $0x4  }
0x1ec: {  	v54 =	vshrl.u32 v3, $0x3  }
0x1ed: {  	v4 =	vmul.u32 $0x30, v54  }
0x1ee: {  	v3 =	vand.u32 $0x7, v3  }
0x1ef: {  	v3 =	vor.u32 v3, v4  }
0x1f0: {  	v4 =	vperm.xlane v3, v0;
	_ =	sdelay $0x1  }
0x1f1: {  	v4 =	vadd.s32 v1, v4;
	_ =	sdelay $0x3  }
0x1f2: {  	s17 =	simm.s32 $0x12200;
	v3 =	vperm.xlane v3, v2  }
0x1f3: {  	[hbm4b:s4+s3] =	stream.indirect_vreg.scatter [tilespmem:s17], [sflag:$0x1], $0x80, v4, vm0, $0xb8;
	[tilespmem:$0x1C200] =	vst v63  }
0x1f4: {  	v3 =	vadd.s32 v1, v3  }
0x1f5: {  	[hbm4b:s5+s3] =	stream.indirect_vreg.scatter [tilespmem:s25], [sflag:$0x1], $0x80, v4, vm0, $0xb8;
	[tilespmem:$0x1C200] =	vst v63  }
0x1f6: {  	_ = 	snop  }
0x1f7: {  	[hbm4b:s6+s3] =	stream.indirect_vreg.scatter [tilespmem:s26], [sflag:$0x1], $0x80, v4, vm0, $0xb8;
	[tilespmem:$0x1C200] =	vst v63  }
0x1f8: {  	_ = 	snop  }
0x1f9: {  	[hbm4b:s4+s3] =	stream.indirect_vreg.scatter [tilespmem:s28], [sflag:$0x1], $0x80, v3, vm0, $0xb8;
	[tilespmem:$0x1C200] =	vst v63  }
0x1fa: {  	_ = 	snop  }
0x1fb: {  	[hbm4b:s5+s3] =	stream.indirect_vreg.scatter [tilespmem:s29], [sflag:$0x1], $0x80, v3, vm0, $0xb8;
	[tilespmem:$0x1C200] =	vst v63  }
0x1fc: {  	s17 =	simm.s32 $0x14A00  }
0x1fd: {  	[hbm4b:s6+s3] =	stream.indirect_vreg.scatter [tilespmem:s17], [sflag:$0x1], $0x80, v3, vm0, $0xb8;
	[tilespmem:$0x1C200] =	vst v63  }
0x1fe: {  	v3 =	vld [tilespmem:$0x170];
	_ =	sdelay $0x4  }
0x1ff: {  	v55 =	vshrl.u32 v3, $0x3  }
0x200: {  	v4 =	vmul.u32 $0x30, v55  }
0x201: {  	v3 =	vand.u32 $0x7, v3  }
0x202: {  	v3 =	vor.u32 v3, v4  }
0x203: {  	v4 =	vperm.xlane v3, v0;
	_ =	sdelay $0x1  }
0x204: {  	v4 =	vadd.s32 v1, v4;
	_ =	sdelay $0x3  }
0x205: {  	s17 =	simm.s32 $0x15200;
	v3 =	vperm.xlane v3, v2  }
0x206: {  	[hbm4b:s4+s3] =	stream.indirect_vreg.scatter [tilespmem:s17], [sflag:$0x1], $0x80, v4, vm0, $0xb8;
	[tilespmem:$0x1C200] =	vst v63  }
0x207: {  	v3 =	vadd.s32 v1, v3  }
0x208: {  	[hbm4b:s5+s3] =	stream.indirect_vreg.scatter [tilespmem:s30], [sflag:$0x1], $0x80, v4, vm0, $0xb8;
	[tilespmem:$0x1C200] =	vst v63  }
0x209: {  	_ = 	snop  }
0x20a: {  	[hbm4b:s6+s3] =	stream.indirect_vreg.scatter [tilespmem:s31], [sflag:$0x1], $0x80, v4, vm0, $0xb8;
	[tilespmem:$0x1C200] =	vst v63  }
0x20b: {  	_ = 	snop  }
0x20c: {  	[hbm4b:s4+s3] =	stream.indirect_vreg.scatter [tilespmem:s20], [sflag:$0x1], $0x80, v3, vm0, $0xb8;
	[tilespmem:$0x1C200] =	vst v63  }
0x20d: {  	s17 =	simm.s32 $0x17200  }
0x20e: {  	[hbm4b:s5+s3] =	stream.indirect_vreg.scatter [tilespmem:s17], [sflag:$0x1], $0x80, v3, vm0, $0xb8;
	[tilespmem:$0x1C200] =	vst v63  }
0x20f: {  	s17 =	simm.s32 $0x17A00  }
0x210: {  	[hbm4b:s6+s3] =	stream.indirect_vreg.scatter [tilespmem:s17], [sflag:$0x1], $0x80, v3, vm0, $0xb8;
	[tilespmem:$0x1C200] =	vst v63  }
0x211: {  	_ =	swait.ge [sflag:s16], $0x4000  }
0x212: {  	[sflag:s16] =	ssyncset.done $0x0  }
0x213: {  	s0 =	rddreg [dreg:$0xd];
	[sflag:s16] =	ssyncadd.s32 $0xFFFFC000  }
0x214: {  	[tilespmem:s1], [sflag:$0x3] =	stream.linear.gather [hbm4b:s0+s3], $0x4000, $0x38;
	[tilespmem:$0x1C200] =	vst v63  }
0x215: {  	_ =	swait.ge [sflag:s8], $0x4000  }
0x216: {  	[sflag:s8] =	ssyncset.done $0x0  }
0x217: {  	s17 =	simm.s32 $0x80;
	s0 =	simm.s32 $0x100;
	[sflag:s8] =	ssyncadd.s32 $0xFFFFC000  }
0x218: {  	[hbm4b:s18+s17] =	stream.indirect.scatter [tilespmem:s1], [sflag:$0x2], $0x80, s0, s17, $0xb8;
	[tilespmem:$0x1C200] =	vst v63  }
0x219: {  	_ =	swait.ge [sflag:s15], $0x18000  }
0x21a: {  	[sflag:s15] =	ssyncset.done $0x0  }
0x21b: {  	s0 =	rddreg [dreg:$0xe];
	[sflag:s15] =	ssyncadd.s32 $0xFFFE8000  }
0x21c: {  	[tilespmem:s14], [sflag:$0x3] =	stream.linear.gather [hbm4b:s0+s3], $0x18000, $0x38;
	[tilespmem:$0x1C200] =	vst v63  }
0x21d: {  	_ =	swait.ge [sflag:s8], $0x18000  }
0x21e: {  	[sflag:s8] =	ssyncset.done $0x0  }
0x21f: {  	[sflag:s8] =	ssyncadd.s32 $0xFFFE8000  }
0x220: {  	v3 =	vld [tilespmem:$0x180];
	_ =	sdelay $0x4  }
0x221: {  	v56 =	vshrl.u32 v3, $0x3  }
0x222: {  	v4 =	vmul.u32 $0x30, v56  }
0x223: {  	v3 =	vand.u32 $0x7, v3  }
0x224: {  	v3 =	vor.u32 v3, v4  }
0x225: {  	v4 =	vperm.xlane v3, v0;
	_ =	sdelay $0x1  }
0x226: {  	v4 =	vadd.s32 v1, v4;
	_ =	sdelay $0x3  }
0x227: {  	v3 =	vperm.xlane v3, v2  }
0x228: {  	[hbm4b:s4+s3] =	stream.indirect_vreg.scatter [tilespmem:s14], [sflag:$0x1], $0x80, v4, vm0, $0xb8;
	[tilespmem:$0x1C200] =	vst v63  }
0x229: {  	s17 =	simm.s32 $0xA00;
	v3 =	vadd.s32 v1, v3  }
0x22a: {  	[hbm4b:s5+s3] =	stream.indirect_vreg.scatter [tilespmem:s17], [sflag:$0x1], $0x80, v4, vm0, $0xb8;
	[tilespmem:$0x1C200] =	vst v63  }
0x22b: {  	s17 =	simm.s32 $0x1200  }
0x22c: {  	[hbm4b:s6+s3] =	stream.indirect_vreg.scatter [tilespmem:s17], [sflag:$0x1], $0x80, v4, vm0, $0xb8;
	[tilespmem:$0x1C200] =	vst v63  }
0x22d: {  	s17 =	simm.s32 $0x1A00  }
0x22e: {  	[hbm4b:s4+s3] =	stream.indirect_vreg.scatter [tilespmem:s17], [sflag:$0x1], $0x80, v3, vm0, $0xb8;
	[tilespmem:$0x1C200] =	vst v63  }
0x22f: {  	s17 =	simm.s32 $0x2200  }
0x230: {  	[hbm4b:s5+s3] =	stream.indirect_vreg.scatter [tilespmem:s17], [sflag:$0x1], $0x80, v3, vm0, $0xb8;
	[tilespmem:$0x1C200] =	vst v63  }
0x231: {  	s17 =	simm.s32 $0x2A00  }
0x232: {  	[hbm4b:s6+s3] =	stream.indirect_vreg.scatter [tilespmem:s17], [sflag:$0x1], $0x80, v3, vm0, $0xb8;
	[tilespmem:$0x1C200] =	vst v63  }
0x233: {  	v3 =	vld [tilespmem:$0x190];
	_ =	sdelay $0x4  }
0x234: {  	v57 =	vshrl.u32 v3, $0x3  }
0x235: {  	v4 =	vmul.u32 $0x30, v57  }
0x236: {  	v3 =	vand.u32 $0x7, v3  }
0x237: {  	v3 =	vor.u32 v3, v4  }
0x238: {  	v4 =	vperm.xlane v3, v0;
	_ =	sdelay $0x1  }
0x239: {  	v4 =	vadd.s32 v1, v4;
	_ =	sdelay $0x3  }
0x23a: {  	s17 =	simm.s32 $0x3200;
	v3 =	vperm.xlane v3, v2  }
0x23b: {  	[hbm4b:s4+s3] =	stream.indirect_vreg.scatter [tilespmem:s17], [sflag:$0x1], $0x80, v4, vm0, $0xb8;
	[tilespmem:$0x1C200] =	vst v63  }
0x23c: {  	v3 =	vadd.s32 v1, v3;
	s17 =	simm.s32 $0x3A00  }
0x23d: {  	[hbm4b:s5+s3] =	stream.indirect_vreg.scatter [tilespmem:s17], [sflag:$0x1], $0x80, v4, vm0, $0xb8;
	[tilespmem:$0x1C200] =	vst v63  }
0x23e: {  	s17 =	simm.s32 $0x4200  }
0x23f: {  	[hbm4b:s6+s3] =	stream.indirect_vreg.scatter [tilespmem:s17], [sflag:$0x1], $0x80, v4, vm0, $0xb8;
	[tilespmem:$0x1C200] =	vst v63  }
0x240: {  	s17 =	simm.s32 $0x4A00  }
0x241: {  	[hbm4b:s4+s3] =	stream.indirect_vreg.scatter [tilespmem:s17], [sflag:$0x1], $0x80, v3, vm0, $0xb8;
	[tilespmem:$0x1C200] =	vst v63  }
0x242: {  	s17 =	simm.s32 $0x5200  }
0x243: {  	[hbm4b:s5+s3] =	stream.indirect_vreg.scatter [tilespmem:s17], [sflag:$0x1], $0x80, v3, vm0, $0xb8;
	[tilespmem:$0x1C200] =	vst v63  }
0x244: {  	s17 =	simm.s32 $0x5A00  }
0x245: {  	[hbm4b:s6+s3] =	stream.indirect_vreg.scatter [tilespmem:s17], [sflag:$0x1], $0x80, v3, vm0, $0xb8;
	[tilespmem:$0x1C200] =	vst v63  }
0x246: {  	v3 =	vld [tilespmem:$0x1A0];
	_ =	sdelay $0x4  }
0x247: {  	v58 =	vshrl.u32 v3, $0x3  }
0x248: {  	v4 =	vmul.u32 $0x30, v58  }
0x249: {  	v3 =	vand.u32 $0x7, v3  }
0x24a: {  	v3 =	vor.u32 v3, v4  }
0x24b: {  	v4 =	vperm.xlane v3, v0;
	_ =	sdelay $0x1  }
0x24c: {  	v4 =	vadd.s32 v1, v4;
	_ =	sdelay $0x3  }
0x24d: {  	s17 =	simm.s32 $0x6200;
	v3 =	vperm.xlane v3, v2  }
0x24e: {  	[hbm4b:s4+s3] =	stream.indirect_vreg.scatter [tilespmem:s17], [sflag:$0x1], $0x80, v4, vm0, $0xb8;
	[tilespmem:$0x1C200] =	vst v63  }
0x24f: {  	v3 =	vadd.s32 v1, v3;
	s17 =	simm.s32 $0x6A00  }
0x250: {  	[hbm4b:s5+s3] =	stream.indirect_vreg.scatter [tilespmem:s17], [sflag:$0x1], $0x80, v4, vm0, $0xb8;
	[tilespmem:$0x1C200] =	vst v63  }
0x251: {  	s17 =	simm.s32 $0x7200  }
0x252: {  	[hbm4b:s6+s3] =	stream.indirect_vreg.scatter [tilespmem:s17], [sflag:$0x1], $0x80, v4, vm0, $0xb8;
	[tilespmem:$0x1C200] =	vst v63  }
0x253: {  	s17 =	simm.s32 $0x7A00  }
0x254: {  	[hbm4b:s4+s3] =	stream.indirect_vreg.scatter [tilespmem:s17], [sflag:$0x1], $0x80, v3, vm0, $0xb8;
	[tilespmem:$0x1C200] =	vst v63  }
0x255: {  	s17 =	simm.s32 $0x8200  }
0x256: {  	[hbm4b:s5+s3] =	stream.indirect_vreg.scatter [tilespmem:s17], [sflag:$0x1], $0x80, v3, vm0, $0xb8;
	[tilespmem:$0x1C200] =	vst v63  }
0x257: {  	s17 =	simm.s32 $0x8A00  }
0x258: {  	[hbm4b:s6+s3] =	stream.indirect_vreg.scatter [tilespmem:s17], [sflag:$0x1], $0x80, v3, vm0, $0xb8;
	[tilespmem:$0x1C200] =	vst v63  }
0x259: {  	v3 =	vld [tilespmem:$0x1B0];
	_ =	sdelay $0x4  }
0x25a: {  	v59 =	vshrl.u32 v3, $0x3  }
0x25b: {  	v4 =	vmul.u32 $0x30, v59  }
0x25c: {  	v3 =	vand.u32 $0x7, v3  }
0x25d: {  	v3 =	vor.u32 v3, v4  }
0x25e: {  	v4 =	vperm.xlane v3, v0;
	_ =	sdelay $0x1  }
0x25f: {  	v4 =	vadd.s32 v1, v4;
	_ =	sdelay $0x3  }
0x260: {  	s17 =	simm.s32 $0x9200;
	v3 =	vperm.xlane v3, v2  }
0x261: {  	[hbm4b:s4+s3] =	stream.indirect_vreg.scatter [tilespmem:s17], [sflag:$0x1], $0x80, v4, vm0, $0xb8;
	[tilespmem:$0x1C200] =	vst v63  }
0x262: {  	v3 =	vadd.s32 v1, v3;
	s17 =	simm.s32 $0x9A00  }
0x263: {  	[hbm4b:s5+s3] =	stream.indirect_vreg.scatter [tilespmem:s17], [sflag:$0x1], $0x80, v4, vm0, $0xb8;
	[tilespmem:$0x1C200] =	vst v63  }
0x264: {  	s2 =	simm.s32 $0xA200  }
0x265: {  	[hbm4b:s6+s3] =	stream.indirect_vreg.scatter [tilespmem:s2], [sflag:$0x1], $0x80, v4, vm0, $0xb8;
	[tilespmem:$0x1C200] =	vst v63  }
0x266: {  	s9 =	simm.s32 $0xAA00  }
0x267: {  	[hbm4b:s4+s3] =	stream.indirect_vreg.scatter [tilespmem:s9], [sflag:$0x1], $0x80, v3, vm0, $0xb8;
	[tilespmem:$0x1C200] =	vst v63  }
0x268: {  	s10 =	simm.s32 $0xB200  }
0x269: {  	[hbm4b:s5+s3] =	stream.indirect_vreg.scatter [tilespmem:s10], [sflag:$0x1], $0x80, v3, vm0, $0xb8;
	[tilespmem:$0x1C200] =	vst v63  }
0x26a: {  	s9 =	simm.s32 $0xBA00  }
0x26b: {  	[hbm4b:s6+s3] =	stream.indirect_vreg.scatter [tilespmem:s9], [sflag:$0x1], $0x80, v3, vm0, $0xb8;
	[tilespmem:$0x1C200] =	vst v63  }
0x26c: {  	v3 =	vld [tilespmem:$0x1C0];
	_ =	sdelay $0x4  }
0x26d: {  	v60 =	vshrl.u32 v3, $0x3  }
0x26e: {  	v4 =	vmul.u32 $0x30, v60  }
0x26f: {  	v3 =	vand.u32 $0x7, v3  }
0x270: {  	v3 =	vor.u32 v3, v4  }
0x271: {  	v4 =	vperm.xlane v3, v0;
	_ =	sdelay $0x1  }
0x272: {  	v4 =	vadd.s32 v1, v4;
	_ =	sdelay $0x3  }
0x273: {  	s10 =	simm.s32 $0xC200;
	v3 =	vperm.xlane v3, v2  }
0x274: {  	[hbm4b:s4+s3] =	stream.indirect_vreg.scatter [tilespmem:s10], [sflag:$0x1], $0x80, v4, vm0, $0xb8;
	[tilespmem:$0x1C200] =	vst v63  }
0x275: {  	s11 =	simm.s32 $0xCA00;
	v3 =	vadd.s32 v1, v3  }
0x276: {  	[hbm4b:s5+s3] =	stream.indirect_vreg.scatter [tilespmem:s11], [sflag:$0x1], $0x80, v4, vm0, $0xb8;
	[tilespmem:$0x1C200] =	vst v63  }
0x277: {  	s12 =	simm.s32 $0xD200  }
0x278: {  	[hbm4b:s6+s3] =	stream.indirect_vreg.scatter [tilespmem:s12], [sflag:$0x1], $0x80, v4, vm0, $0xb8;
	[tilespmem:$0x1C200] =	vst v63  }
0x279: {  	s13 =	simm.s32 $0xDA00  }
0x27a: {  	[hbm4b:s4+s3] =	stream.indirect_vreg.scatter [tilespmem:s13], [sflag:$0x1], $0x80, v3, vm0, $0xb8;
	[tilespmem:$0x1C200] =	vst v63  }
0x27b: {  	s19 =	simm.s32 $0xE200  }
0x27c: {  	[hbm4b:s5+s3] =	stream.indirect_vreg.scatter [tilespmem:s19], [sflag:$0x1], $0x80, v3, vm0, $0xb8;
	[tilespmem:$0x1C200] =	vst v63  }
0x27d: {  	s17 =	simm.s32 $0xEA00  }
0x27e: {  	[hbm4b:s6+s3] =	stream.indirect_vreg.scatter [tilespmem:s17], [sflag:$0x1], $0x80, v3, vm0, $0xb8;
	[tilespmem:$0x1C200] =	vst v63  }
0x27f: {  	v3 =	vld [tilespmem:$0x1D0];
	_ =	sdelay $0x4  }
0x280: {  	v61 =	vshrl.u32 v3, $0x3  }
0x281: {  	v4 =	vmul.u32 $0x30, v61  }
0x282: {  	v3 =	vand.u32 $0x7, v3  }
0x283: {  	v3 =	vor.u32 v3, v4  }
0x284: {  	v4 =	vperm.xlane v3, v0;
	_ =	sdelay $0x1  }
0x285: {  	v4 =	vadd.s32 v1, v4;
	_ =	sdelay $0x3  }
0x286: {  	s19 =	simm.s32 $0xF200;
	v3 =	vperm.xlane v3, v2  }
0x287: {  	[hbm4b:s4+s3] =	stream.indirect_vreg.scatter [tilespmem:s19], [sflag:$0x1], $0x80, v4, vm0, $0xb8;
	[tilespmem:$0x1C200] =	vst v63  }
0x288: {  	s21 =	simm.s32 $0xFA00;
	v3 =	vadd.s32 v1, v3  }
0x289: {  	[hbm4b:s5+s3] =	stream.indirect_vreg.scatter [tilespmem:s21], [sflag:$0x1], $0x80, v4, vm0, $0xb8;
	[tilespmem:$0x1C200] =	vst v63  }
0x28a: {  	s22 =	simm.s32 $0x10200  }
0x28b: {  	[hbm4b:s6+s3] =	stream.indirect_vreg.scatter [tilespmem:s22], [sflag:$0x1], $0x80, v4, vm0, $0xb8;
	[tilespmem:$0x1C200] =	vst v63  }
0x28c: {  	s23 =	simm.s32 $0x10A00  }
0x28d: {  	[hbm4b:s4+s3] =	stream.indirect_vreg.scatter [tilespmem:s23], [sflag:$0x1], $0x80, v3, vm0, $0xb8;
	[tilespmem:$0x1C200] =	vst v63  }
0x28e: {  	s24 =	simm.s32 $0x11200  }
0x28f: {  	[hbm4b:s5+s3] =	stream.indirect_vreg.scatter [tilespmem:s24], [sflag:$0x1], $0x80, v3, vm0, $0xb8;
	[tilespmem:$0x1C200] =	vst v63  }
0x290: {  	s22 =	simm.s32 $0x11A00  }
0x291: {  	[hbm4b:s6+s3] =	stream.indirect_vreg.scatter [tilespmem:s22], [sflag:$0x1], $0x80, v3, vm0, $0xb8;
	[tilespmem:$0x1C200] =	vst v63  }
0x292: {  	v3 =	vld [tilespmem:$0x1E0];
	_ =	sdelay $0x4  }
0x293: {  	v62 =	vshrl.u32 v3, $0x3  }
0x294: {  	v4 =	vmul.u32 $0x30, v62  }
0x295: {  	v3 =	vand.u32 $0x7, v3  }
0x296: {  	v3 =	vor.u32 v3, v4  }
0x297: {  	v4 =	vperm.xlane v3, v0;
	_ =	sdelay $0x1  }
0x298: {  	v4 =	vadd.s32 v1, v4;
	_ =	sdelay $0x3  }
0x299: {  	s23 =	simm.s32 $0x12200;
	v3 =	vperm.xlane v3, v2  }
0x29a: {  	[hbm4b:s4+s3] =	stream.indirect_vreg.scatter [tilespmem:s23], [sflag:$0x1], $0x80, v4, vm0, $0xb8;
	[tilespmem:$0x1C200] =	vst v63  }
0x29b: {  	s25 =	simm.s32 $0x12A00;
	v3 =	vadd.s32 v1, v3  }
0x29c: {  	[hbm4b:s5+s3] =	stream.indirect_vreg.scatter [tilespmem:s25], [sflag:$0x1], $0x80, v4, vm0, $0xb8;
	[tilespmem:$0x1C200] =	vst v63  }
0x29d: {  	s26 =	simm.s32 $0x13200  }
0x29e: {  	[hbm4b:s6+s3] =	stream.indirect_vreg.scatter [tilespmem:s26], [sflag:$0x1], $0x80, v4, vm0, $0xb8;
	[tilespmem:$0x1C200] =	vst v63  }
0x29f: {  	s28 =	simm.s32 $0x13A00  }
0x2a0: {  	[hbm4b:s4+s3] =	stream.indirect_vreg.scatter [tilespmem:s28], [sflag:$0x1], $0x80, v3, vm0, $0xb8;
	[tilespmem:$0x1C200] =	vst v63  }
0x2a1: {  	s29 =	simm.s32 $0x14200  }
0x2a2: {  	[hbm4b:s5+s3] =	stream.indirect_vreg.scatter [tilespmem:s29], [sflag:$0x1], $0x80, v3, vm0, $0xb8;
	[tilespmem:$0x1C200] =	vst v63  }
0x2a3: {  	s24 =	simm.s32 $0x14A00  }
0x2a4: {  	[hbm4b:s6+s3] =	stream.indirect_vreg.scatter [tilespmem:s24], [sflag:$0x1], $0x80, v3, vm0, $0xb8;
	[tilespmem:$0x1C200] =	vst v63  }
0x2a5: {  	v3 =	vld [tilespmem:$0x1F0];
	_ =	sdelay $0x4  }
0x2a6: {  	v63 =	vshrl.u32 v3, $0x3  }
0x2a7: {  	v4 =	vmul.u32 $0x30, v63  }
0x2a8: {  	v3 =	vand.u32 $0x7, v3  }
0x2a9: {  	v3 =	vor.u32 v3, v4  }
0x2aa: {  	v4 =	vperm.xlane v3, v0;
	_ =	sdelay $0x1  }
0x2ab: {  	v4 =	vadd.s32 v1, v4;
	_ =	sdelay $0x3  }
0x2ac: {  	s25 =	simm.s32 $0x15200;
	v3 =	vperm.xlane v3, v2  }
0x2ad: {  	[hbm4b:s4+s3] =	stream.indirect_vreg.scatter [tilespmem:s25], [sflag:$0x1], $0x80, v4, vm0, $0xb8;
	[tilespmem:$0x1C200] =	vst v63  }
0x2ae: {  	s30 =	simm.s32 $0x15A00;
	v3 =	vadd.s32 v1, v3  }
0x2af: {  	[hbm4b:s5+s3] =	stream.indirect_vreg.scatter [tilespmem:s30], [sflag:$0x1], $0x80, v4, vm0, $0xb8;
	[tilespmem:$0x1C200] =	vst v63  }
0x2b0: {  	s31 =	simm.s32 $0x16200  }
0x2b1: {  	[hbm4b:s6+s3] =	stream.indirect_vreg.scatter [tilespmem:s31], [sflag:$0x1], $0x80, v4, vm0, $0xb8;
	[tilespmem:$0x1C200] =	vst v63  }
0x2b2: {  	s20 =	simm.s32 $0x16A00  }
0x2b3: {  	[hbm4b:s4+s3] =	stream.indirect_vreg.scatter [tilespmem:s20], [sflag:$0x1], $0x80, v3, vm0, $0xb8;
	[tilespmem:$0x1C200] =	vst v63  }
0x2b4: {  	s26 =	simm.s32 $0x17200  }
0x2b5: {  	[hbm4b:s5+s3] =	stream.indirect_vreg.scatter [tilespmem:s26], [sflag:$0x1], $0x80, v3, vm0, $0xb8;
	[tilespmem:$0x1C200] =	vst v63  }
0x2b6: {  	s28 =	simm.s32 $0x17A00  }
0x2b7: {  	[hbm4b:s6+s3] =	stream.indirect_vreg.scatter [tilespmem:s28], [sflag:$0x1], $0x80, v3, vm0, $0xb8;
	[tilespmem:$0x1C200] =	vst v63  }
0x2b8: {  	_ =	swait.ge [sflag:s16], $0x4000  }
0x2b9: {  	[sflag:s16] =	ssyncset.done $0x0  }
0x2ba: {  	s29 =	rddreg [dreg:$0xf];
	[sflag:s16] =	ssyncadd.s32 $0xFFFFC000  }
0x2bb: {  	[tilespmem:s1], [sflag:$0x3] =	stream.linear.gather [hbm4b:s29+s3], $0x4000, $0x38;
	[tilespmem:$0x1C200] =	vst v63  }
0x2bc: {  	_ =	swait.ge [sflag:s8], $0x4000  }
0x2bd: {  	[sflag:s8] =	ssyncset.done $0x0  }
0x2be: {  	s30 =	simm.s32 $0x180;
	s31 =	simm.s32 $0x80;
	[sflag:s8] =	ssyncadd.s32 $0xFFFFC000  }
0x2bf: {  	[hbm4b:s18+s31] =	stream.indirect.scatter [tilespmem:s1], [sflag:$0x2], $0x80, s30, s31, $0xb8;
	[tilespmem:$0x1C200] =	vst v63  }
0x2c0: {  	p0 =	sne.s32 s7, $0x1;
	_ =	swait.ge [sflag:s15], $0x18000  }
.Ltmp0:
0x2c1: {  	[sflag:s15] =	ssyncset.done $0x0;
	(pc) =	sbr.rel @p0 .LBB2_1-.Ltmp0, $4  }
0x2c2: {  	[sflag:s15] =	ssyncadd.s32 $0xFFFE8000  }
0x2c3: {  	_ =	swait.ge [sflag:s16], $0x4000  }
0x2c4: {  	[sflag:s16] =	ssyncset.done $0x0  }
0x2c5: {  	s7 =	sadd.s32 $0xFFFFFFFF, s7;
	[sflag:s16] =	ssyncadd.s32 $0xFFFFC000  }
0x2c6: {  	_ =	sfence.sel $0x180000  }
0x2c7: {  	[bflag:$0x0] =	sbarrier.arrive $0xFFFF  }
0x2c8: {  	_ =	strace $0x90000047  }
0x2c9: {  	s0 =	stileid.u32;
	[bflag:$0x2] =	sbarrier.arrive $0xFFFF  }
0x2ca: {  	p0 =	sne.s32 s0, $0x0;
	s0 =	rddreg [dreg:$0x3]  }
0x2cb: {  	s0 =	sadd.s32 @!p0 $0x100000, s0  }
0x2cc: {  	[sflag:s0] =	ssyncadd.tile.s32 @!p0 $0x1;
	_ =	shalt  }
.Lfunc_end2:
_tile_overlayer_lowered:
.L_overlay_start_2:
0x2cd: {  	(tag) =	ssettag $0x2  }
0x2ce: {  	s0 =	rddreg [dreg:$0x0];
	s2 =	stileid.u32  }
0x2cf: {  	s1 =	rddreg [dreg:$0x1];
	p0 =	sne.s32 s2, $0x0  }
0x2d0: {  	s3 =	rddreg [dreg:$0x2];
	[bflag:$0x3] =	sbarrier.arrive $0xFFFF;
	s2 =	simm.s32 @!p0 $0x1C03  }
0x2d1: {  	[timem:s3], [sflag:s2] =	dma.local @!p0 [hbm:s0], s1  }
0x2d2: {  	s0 =	simm.s32 @!p0 $0x3  }
0x2d3: {  	_ =	swait.ge @!p0 [sflag:s0], s1  }
0x2d4: {  	s1 =	ssub.s32 @!p0 $0x0, s1;
	[sflag:s0] =	ssyncset.done @!p0 $0x0  }
0x2d5: {  	[sflag:s0] =	ssyncadd.s32 @!p0 s1  }
0x2d6: {  	[bflag:$0x3] =	sbarrier.arrive $0xFFFF  }
0x2d7: {  	_ =	shalt  }

// kernel: kernel.9.cloned.1.call-start
scs
__scs_entry_jumppad:
0x0: {  	(pc) =	sbr.rel $0x88, $3  }
0x1: {  	(tag) =	ssettag $0x0;
	lr =	simm.s32 $0x1  }
0x2: {  	[smem:$0x3F9B] =	sst lr;
	_ =	strace $0xD0000000  }
0x3: {  	_ = 	snop  }
0x4: {  	_ = 	snop  }
0x5: {  	_ = 	snop  }
0x6: {  	_ = 	snop  }
0x7: {  	_ = 	snop  }
__scs_overlays_trampoline_lowered:
0x8: {  	[smem:$0x3FAA] =	sst s0  }
0x9: {  	[smem:$0x3FAB] =	sst s1  }
0xa: {  	[smem:$0x3FAC] =	sst s2  }
0xb: {  	[smem:$0x3FAD] =	sst s3  }
0xc: {  	[smem:$0x3FAE] =	sst s4  }
0xd: {  	[smem:$0x3FAF] =	sst s5  }
0xe: {  	[smem:$0x3FB0] =	sst s6  }
0xf: {  	[smem:$0x3FB1] =	sst s7  }
0x10: {  	[smem:$0x3FB2] =	sst s8  }
0x11: {  	[smem:$0x3FB3] =	sst s9;
	s0 =	simm.s32 @!p0 $0x0  }
0x12: {  	s1 =	sld [smem:$0x3F99];
	s0 =	simm.s32 @p0 $0x1  }
0x13: {  	[smem:$0x3FB4] =	sst s0;
	s0 =	simm.s32 @!p1 $0x0  }
0x14: {  	s2 =	sld [smem:$0x3F98];
	s0 =	simm.s32 @p1 $0x1  }
0x15: {  	[smem:$0x3FB5] =	sst s0;
	s0 =	simm.s32 @!p2 $0x0  }
0x16: {  	s3 =	sld [smem:$0x3FDB];
	s0 =	simm.s32 @p2 $0x1  }
0x17: {  	s4 =	simm.s32 $0x1BF5;
	[smem:$0x3FB7] =	sst s0  }
0x18: {  	s0 =	sld [smem:$0x3F9A];
	_ =	swait.ge [sflag:s4], $0x0  }
0x19: {  	s7 =	sld [smem:$0x3F9B]  }
0x1a: {  	s8 =	sadd.s32 $0xFFFFE003, lr  }
0x1b: {  	s9 =	sadd.s32 $0xFFFFFEF7, lr;
	s5 =	simm.s32 $0xFFFFFFFF;
	p2 =	slt.u32 s8, $0xFFFFF086  }
0x1c: {  	p1 =	slt.u32 s9, $0xF7A;
	s5 =	simm.s32 @!p2 $0x0  }
0x1d: {  	s5 =	simm.s32 @p1 $0x1;
	p0 =	seq.s32 s7, s2  }
0x1e: {  	s7 =	smul.u32 @!p0 $0xF7A, s2;
	p2 =	seq.s32 @!p0 s5, $0x0  }
0x1f: {  	s9 =	smul.u32 $0xF7A, s1;
	s8 =	simm.s32 @!p0 $0x1BF5;
	p2 =	por !p2, p0  }
0x20: {  	[sflag:s8] =	ssyncset.s32 @!p0 $0xFFFFF086;
	s6 =	sadd.s32 @!p0 s3, s7;
	s7 =	simm.s32 @!p0 $0x108  }
0x21: {  	s3 =	sadd.s32 s3, s9;
	s6 =	sadd.s32 @!p0 $0x88, s6;
	s7 =	simm.s32 @p2 $0x1082  }
0x22: {  	[simem:s7], [sflag:s8] =	dma.local @!p0 [hbm:s6], $0xF7A  }
0x23: {  	s9 =	sor.u32 $0xD0000000, s2;
	s6 =	simm.s32 $0x108;
	_ =	swait.ge @!p0 [sflag:s8], $0x0  }
0x24: {  	s3 =	sadd.s32 $0x88, s3;
	s6 =	simm.s32 @!p1 $0x1082;
	[sflag:s4] =	ssyncset.s32 $0xFFFFF086  }
0x25: {  	[simem:s6], [sflag:s4] =	dma.local [hbm:s3], $0xF7A  }
0x26: {  	[smem:$0x3F9B] =	sst s1;
	(tag) =	ssettag s2;
	_ =	strace s9  }
0x27: {  	s1 =	sld [smem:$0x3FAB]  }
0x28: {  	s2 =	sld [smem:$0x3FAC]  }
0x29: {  	s4 =	sld [smem:$0x3FAE]  }
0x2a: {  	p0 =	seq.s32 s5, $0x0;
	s5 =	sld [smem:$0x3FAF]  }
0x2b: {  	s6 =	sld [smem:$0x3FB0]  }
0x2c: {  	s7 =	sld [smem:$0x3FB1]  }
0x2d: {  	s3 =	simm.s32 $0x108;
	s8 =	sld [smem:$0x3FB2]  }
0x2e: {  	s3 =	simm.s32 @!p0 $0x1082;
	s9 =	sld [smem:$0x3FB3]  }
0x2f: {  	lr =	sadd.s32 s0, s3;
	s0 =	sld [smem:$0x3FAA]  }
0x30: {  	s3 =	sld [smem:$0x3FAD]  }
0x31: {  	[smem:$0x3FB6] =	sst s10  }
0x32: {  	s10 =	sld [smem:$0x3FB4];
	_ =	sdelay $0x3  }
0x33: {  	p0 =	seq.s32 s10, $0x1;
	s10 =	sld [smem:$0x3FB6];
	_ =	sdelay $0x3  }
0x34: {  	[smem:$0x3FB6] =	sst s10  }
0x35: {  	s10 =	sld [smem:$0x3FB5];
	_ =	sdelay $0x3  }
0x36: {  	p1 =	seq.s32 s10, $0x1;
	s10 =	sld [smem:$0x3FB6];
	_ =	sdelay $0x3  }
0x37: {  	[smem:$0x3FB6] =	sst s10  }
0x38: {  	s10 =	sld [smem:$0x3FB7]  }
0x39: {  	_ = 	snop;
	(pc) =	sbr.ind lr, $3  }
0x3a: {  	_ = 	snop  }
0x3b: {  	_ = 	snop  }
0x3c: {  	p2 =	seq.s32 s10, $0x1;
	s10 =	sld [smem:$0x3FB6]  }
0x3d: {  	_ =	shalt  }
0x3e: {  	_ =	shalt  }
0x3f: {  	_ =	shalt  }
0x40: {  	_ =	shalt  }
0x41: {  	_ =	shalt  }
0x42: {  	_ =	shalt  }
0x43: {  	_ =	shalt  }
0x44: {  	_ =	shalt  }
0x45: {  	_ =	shalt  }
0x46: {  	_ =	shalt  }
0x47: {  	_ =	shalt  }
0x48: {  	_ =	shalt  }
0x49: {  	_ =	shalt  }
0x4a: {  	_ =	shalt  }
0x4b: {  	_ =	shalt  }
0x4c: {  	_ =	shalt  }
0x4d: {  	_ =	shalt  }
0x4e: {  	_ =	shalt  }
0x4f: {  	_ =	shalt  }
0x50: {  	_ =	shalt  }
0x51: {  	_ =	shalt  }
0x52: {  	_ =	shalt  }
0x53: {  	_ =	shalt  }
0x54: {  	_ =	shalt  }
0x55: {  	_ =	shalt  }
0x56: {  	_ =	shalt  }
0x57: {  	_ =	shalt  }
0x58: {  	_ =	shalt  }
0x59: {  	_ =	shalt  }
0x5a: {  	_ =	shalt  }
0x5b: {  	_ =	shalt  }
0x5c: {  	_ =	shalt  }
0x5d: {  	_ =	shalt  }
0x5e: {  	_ =	shalt  }
0x5f: {  	_ =	shalt  }
0x60: {  	_ =	shalt  }
0x61: {  	_ =	shalt  }
0x62: {  	_ =	shalt  }
0x63: {  	_ =	shalt  }
0x64: {  	_ =	shalt  }
0x65: {  	_ =	shalt  }
0x66: {  	_ =	shalt  }
0x67: {  	_ =	shalt  }
0x68: {  	_ =	shalt  }
0x69: {  	_ =	shalt  }
0x6a: {  	_ =	shalt  }
0x6b: {  	_ =	shalt  }
0x6c: {  	_ =	shalt  }
0x6d: {  	_ =	shalt  }
0x6e: {  	_ =	shalt  }
0x6f: {  	_ =	shalt  }
0x70: {  	_ =	shalt  }
0x71: {  	_ =	shalt  }
0x72: {  	_ =	shalt  }
0x73: {  	_ =	shalt  }
0x74: {  	_ =	shalt  }
0x75: {  	_ =	shalt  }
0x76: {  	_ =	shalt  }
0x77: {  	_ =	shalt  }
0x78: {  	_ =	shalt  }
0x79: {  	_ =	shalt  }
0x7a: {  	_ =	shalt  }
0x7b: {  	_ =	shalt  }
0x7c: {  	_ =	shalt  }
0x7d: {  	_ =	shalt  }
0x7e: {  	_ =	shalt  }
0x7f: {  	_ =	shalt  }
0x80: {  	_ =	shalt  }
0x81: {  	_ =	shalt  }
0x82: {  	_ =	shalt  }
0x83: {  	_ =	shalt  }
0x84: {  	_ =	shalt  }
0x85: {  	_ =	shalt  }
0x86: {  	_ =	shalt  }
0x87: {  	_ =	shalt  }
.Lfunc_end0:
.L_simem_size_0:
called_computation.1_lowered:
.L_overlay_start_0:
0x88: {  	s2 =	sld [smem:$0x3FD9]  }
0x89: {  	s3 =	sld [smem:$0x3FFE];
	_ =	sdelay $0x1  }
0x8a: {  	s1 =	srdreg.scid  }
0x8b: {  	s0 =	sand.u32 $0x1, s1  }
0x8c: {  	s17 =	sshll.u32 s0, $0xA;
	s2 =	sadd.s32 s3, s2  }
0x8d: {  	s2 =	sadd.s32 s2, s17  }
0x8e: {  	[smem:$0x3FC2] =	sst s2  }
0x8f: {  	_ = 	snop  }
0x90: {  	s2 =	sld [smem:$0x3FD0];
	(tm) =	ssettm $0x1  }
0x91: {  	s18 =	sld [smem:$0x3FFB];
	_ =	sdelay $0x3  }
0x92: {  	_ =	strace s18  }
0x93: {  	s3 =	sld [smem:$0x3FFC];
	_ =	sdelay $0x3  }
0x94: {  	_ =	strace s3  }
0x95: {  	s3 =	sld [smem:$0x3FFD];
	_ =	sdelay $0x3  }
0x96: {  	_ =	strace s3  }
0x97: {  	_ =	strace $0x8FFFFFFF  }
0x98: {  	s19 =	sld [smem:$0x3FDB];
	_ =	sdelay $0x1  }
0x99: {  	s4 =	simm.s32 $_scs_section_size  }
0x9a: {  	s5 =	simm.s32 $_size__tile_overlayer_lowered;
	s6 =	simm.s32 $_tile_overlayer_lowered  }
0x9b: {  	s22 =	simm.s32 $0x1BFF;
	s21 =	sshll.u32 s6, $0x1;
	s3 =	sadd.s32 s4, s19  }
0x9c: {  	s7 =	simm.s32 $0x0;
	s20 =	sshll.u32 s5, $0x1;
	s5 =	sadd.s32 s21, s3  }
0x9d: {  	[timem:s7], [sflag:s22] =	dma.local [hbm:s5], s20  }
0x9e: {  	_ =	swait.ge [sflag:s22], s20  }
0x9f: {  	s4 =	ssub.s32 $0x0, s20;
	[sflag:s22] =	ssyncset.done $0x0  }
0xa0: {  	[sflag:s22] =	ssyncadd.s32 s4;
	_ =	sdelay $0x1  }
0xa1: {  	s23 =	simm.s32 $0x1B8B  }
0xa2: {  	_ =	swait.ge [sflag:s23], $0x1  }
0xa3: {  	[sflag:s23] =	ssyncset.done $0x0  }
0xa4: {  	s25 =	simm.s32 $0x1B8E;
	s24 =	sld [smem:$0x3FFE];
	[sflag:s23] =	ssyncadd.s32 $0xFFFFFFFF  }
0xa5: {  	s26 =	simm.s32 $execute0_lowered;
	[smem:$0x3FD2] =	sst s25  }
0xa6: {  	s5 =	sshll.u32 s26, $0x1;
	_ =	strace $0x80000049;
	[dreg:$0x1] =	wrdreg $0xFFFFFFFF  }
0xa7: {  	s28 =	simm.s32 $_size_execute0_lowered;
	s3 =	sadd.s32 s3, s5;
	[dreg:$0x0] =	wrdreg $0x0  }
0xa8: {  	s5 =	sshll.u32 s28, $0x1;
	[dreg:$0x2] =	wrdreg s3  }
0xa9: {  	[dreg:$0x3] =	wrdreg s5  }
0xaa: {  	[dreg:$0x4] =	wrdreg $0xC0  }
0xab: {  	_ =	task [dreg:s7], $0x5FFFF  }
0xac: {  	[dreg:$0x1] =	wrdreg $0xFFFFFFFF  }
0xad: {  	[dreg:$0x0] =	wrdreg $0x60  }
0xae: {  	[dreg:$0x2] =	wrdreg s24  }
0xaf: {  	[dreg:$0x3] =	wrdreg s2  }
0xb0: {  	[dreg:$0x4] =	wrdreg $0x9  }
0xb1: {  	_ =	task.clear_ibuf [dreg:s7], $0x5FFFF;
	_ =	strace $0x90000049  }
0xb2: {  	s29 =	simm.s32 $0x9;
	_ =	strace $0x8000004B  }
0xb3: {  	_ =	swait.ge [sflag:s29], $0x1  }
0xb4: {  	[sflag:s29] =	ssyncadd.s32 $0xFFFFFFFF  }
0xb5: {  	_ =	strace $0x9000004B  }
0xb6: {  	_ =	sfence  }
0xb7: {  	s30 =	sld [smem:$0x0];
	_ =	sdelay $0x2  }
0xb8: {  	s31 =	sshll.u32 s1, $0xD;
	s1 =	sshrl.u32 s1, $0x2  }
0xb9: {  	s3 =	sand.u32 $0x4000, s31;
	s1 =	sadd.s32 s1, s30  }
0xba: {  	s0 =	sor.u32 s3, s0;
	s1 =	sshll.u32 s1, $0x11  }
0xbb: {  	s0 =	sor.u32 s1, s0  }
0xbc: {  	s0 =	sadd.s32 $0x8F2B, s0  }
0xbd: {  	[sflag:s0] =	ssyncadd.remote.s32 $0x1  }
0xbe: {  	_ =	sfence.sel $0xFFFF  }
0xbf: {  	[dreg:$0x0] =	wrdreg $0xFFFFFFFF;
	(pc) =	sbr.abs _section_cstart, $3  }
0xc0: {  	[dreg:$0x1] =	wrdreg $0xFFFFFFFF  }
0xc1: {  	_ =	task.clear_ibuf [dreg:s7], $0x2FFFF;
	_ =	strace $0x9FFFFFFF  }
0xc2: {  	(tm) =	ssettm $0x7FFFFFFF  }
0xc3: {  	_ =	shalt  }
tec
execute0_lowered:
.L_overlay_start_1:
0x0: {  	(tag) =	ssettag $0x1  }
0x1: {  	s0 =	rddreg [dreg:$0x0]  }
0x2: {  	s1 =	rddreg [dreg:$0x1];
	s2 =	srdreg.scid  }
0x3: {  	s3 =	stileid.u32;
	s29 =	simm.s32 $0x80;
	s30 =	simm.s32 $0x100  }
0x4: {  	s31 =	simm.s32 $0x180;
	s16 =	simm.s32 $0x200;
	s4 =	sand.u32 $0x1, s2  }
0x5: {  	s2 =	simm.s32 $0x0;
	s3 =	sshll.u32 s3, $0x7;
	s6 =	sadd.s32 $0x41200, s0  }
0x6: {  	s5 =	sshll.u32 s4, $0x6;
	[smem:$0x7FF] =	sst s2;
	s4 =	ssub.s32 $0x2, s4  }
0x7: {  	s5 =	sor.u32 s5, s3;
	_ =	strace $0x8000004A;
	[dreg:$0xb] =	wrdreg s29  }
0x8: {  	s3 =	sadd.s32 $0x28AA00, s0;
	s25 =	sshrl.u32 s4, $0x1;
	[dreg:$0xc] =	wrdreg s30  }
0x9: {  	[dreg:$0xd] =	wrdreg s31;
	s7 =	sadd.s32 s6, s5;
	s8 =	sor.u32 $0x10, s5  }
0xa: {  	s21 =	sor.u32 $0x20, s5;
	s10 =	sor.u32 $0x30, s5;
	s5 =	smul.u32 $0x300, s5  }
0xb: {  	s28 =	ssub.s32 s4, s25;
	[dreg:$0x3] =	wrdreg s7;
	s20 =	sadd.s32 s6, s8  }
0xc: {  	s4 =	sadd.s32 $0x28AB00, s0;
	s9 =	sadd.s32 s6, s21;
	[dreg:$0x4] =	wrdreg s20  }
0xd: {  	s6 =	sadd.s32 s6, s10;
	s8 =	smul.u32 $0x300, s8;
	[dreg:$0x5] =	wrdreg s9  }
0xe: {  	s22 =	smul.u32 $0x300, s21;
	[dreg:$0x6] =	wrdreg s6;
	s5 =	sadd.s32 s1, s5  }
0xf: {  	s24 =	smul.u32 $0x300, s10;
	[dreg:$0x7] =	wrdreg s5;
	s23 =	sadd.s32 s1, s8  }
0x10: {  	v2 =	vlaneseq.u32;
	s7 =	simm.s32 $0x2;
	s26 =	sadd.s32 s1, s22;
	[dreg:$0x8] =	wrdreg s23  }
0x11: {  	vm0 =	vmmov $0xffff;
	v1 =	vshrl.u32 v2, $0x3;
	s6 =	smax.u32 s28, $0x1;
	s1 =	sadd.s32 s1, s24;
	[dreg:$0x9] =	wrdreg s26  }
0x12: {  	v0 =	vand.u32 $0x7, v2;
	v2 =	vor.u32 $0x8, v2;
	v1 =	vmul.u32 $0x8, v1;
	s5 =	sadd.s32 $0x28AC00, s0;
	[dreg:$0xa] =	wrdreg s1;
	s1 =	simm.s32 $0x1  }
.LBB2_1:
0x13: {  	s9 =	rddreg [dreg:$0x3]  }
0x14: {  	[tilespmem:s2], [sflag:$0x2] =	stream.linear.gather [hbm4b:s9+s2], $0x80, $0x38;
	[tilespmem:$0x18200] =	vst v63  }
0x15: {  	_ =	swait.ge [sflag:s7], $0x80  }
0x16: {  	s24 =	rddreg [dreg:$0x4];
	[sflag:s7] =	ssyncset.done $0x0  }
0x17: {  	s10 =	rddreg [dreg:$0xb];
	[sflag:s7] =	ssyncadd.s32 $0xFFFFFF80  }
0x18: {  	[tilespmem:s10], [sflag:$0x2] =	stream.linear.gather [hbm4b:s24+s2], $0x80, $0x38;
	[tilespmem:$0x18200] =	vst v63  }
0x19: {  	_ =	swait.ge [sflag:s7], $0x80  }
0x1a: {  	s25 =	rddreg [dreg:$0x5];
	[sflag:s7] =	ssyncset.done $0x0  }
0x1b: {  	s26 =	rddreg [dreg:$0xc];
	[sflag:s7] =	ssyncadd.s32 $0xFFFFFF80  }
0x1c: {  	[tilespmem:s26], [sflag:$0x2] =	stream.linear.gather [hbm4b:s25+s2], $0x80, $0x38;
	[tilespmem:$0x18200] =	vst v63  }
0x1d: {  	_ =	swait.ge [sflag:s7], $0x80  }
0x1e: {  	s28 =	rddreg [dreg:$0x6];
	[sflag:s7] =	ssyncset.done $0x0  }
0x1f: {  	s29 =	rddreg [dreg:$0xd];
	[sflag:s7] =	ssyncadd.s32 $0xFFFFFF80  }
0x20: {  	[tilespmem:s29], [sflag:$0x2] =	stream.linear.gather [hbm4b:s28+s2], $0x80, $0x38;
	[tilespmem:$0x18200] =	vst v63  }
0x21: {  	_ =	swait.ge [sflag:s7], $0x80  }
0x22: {  	[sflag:s7] =	ssyncset.done $0x0  }
0x23: {  	[sflag:s7] =	ssyncadd.s32 $0xFFFFFF80  }
0x24: {  	v3 =	vld [tilespmem:$0x0];
	_ =	sdelay $0x4  }
0x25: {  	v4 =	vshrl.u32 v3, $0x3  }
0x26: {  	v4 =	vmul.u32 $0x30, v4  }
0x27: {  	v3 =	vand.u32 $0x7, v3  }
0x28: {  	v3 =	vor.u32 v3, v4  }
0x29: {  	v4 =	vperm.xlane v3, v0;
	_ =	sdelay $0x1  }
0x2a: {  	v4 =	vadd.s32 v1, v4;
	_ =	sdelay $0x3  }
0x2b: {  	v3 =	vperm.xlane v3, v2  }
0x2c: {  	[tilespmem:s16], [sflag:$0x1] =	stream.indirect_vreg.gather [hbm4b:s3+s2], $0x80, v4, vm0, $0xb8;
	[tilespmem:$0x18200] =	vst v63  }
0x2d: {  	s0 =	simm.s32 $0xA00;
	v3 =	vadd.s32 v1, v3  }
0x2e: {  	[tilespmem:s0], [sflag:$0x1] =	stream.indirect_vreg.gather [hbm4b:s4+s2], $0x80, v4, vm0, $0xb8;
	[tilespmem:$0x18200] =	vst v63  }
0x2f: {  	s30 =	simm.s32 $0x1200  }
0x30: {  	[tilespmem:s30], [sflag:$0x1] =	stream.indirect_vreg.gather [hbm4b:s5+s2], $0x80, v4, vm0, $0xb8;
	[tilespmem:$0x18200] =	vst v63  }
0x31: {  	s31 =	simm.s32 $0x1A00  }
0x32: {  	[tilespmem:s31], [sflag:$0x1] =	stream.indirect_vreg.gather [hbm4b:s3+s2], $0x80, v3, vm0, $0xb8;
	[tilespmem:$0x18200] =	vst v63  }
0x33: {  	s8 =	simm.s32 $0x2200  }
0x34: {  	[tilespmem:s8], [sflag:$0x1] =	stream.indirect_vreg.gather [hbm4b:s4+s2], $0x80, v3, vm0, $0xb8;
	[tilespmem:$0x18200] =	vst v63  }
0x35: {  	s9 =	simm.s32 $0x2A00  }
0x36: {  	[tilespmem:s9], [sflag:$0x1] =	stream.indirect_vreg.gather [hbm4b:s5+s2], $0x80, v3, vm0, $0xb8;
	[tilespmem:$0x18200] =	vst v63  }
0x37: {  	v3 =	vld [tilespmem:$0x10];
	_ =	sdelay $0x4  }
0x38: {  	v33 =	vshrl.u32 v3, $0x3  }
0x39: {  	v4 =	vmul.u32 $0x30, v33  }
0x3a: {  	v3 =	vand.u32 $0x7, v3  }
0x3b: {  	v3 =	vor.u32 v3, v4  }
0x3c: {  	v4 =	vperm.xlane v3, v0;
	_ =	sdelay $0x1  }
0x3d: {  	v4 =	vadd.s32 v1, v4;
	_ =	sdelay $0x3  }
0x3e: {  	s10 =	simm.s32 $0x3200;
	v3 =	vperm.xlane v3, v2  }
0x3f: {  	[tilespmem:s10], [sflag:$0x1] =	stream.indirect_vreg.gather [hbm4b:s3+s2], $0x80, v4, vm0, $0xb8;
	[tilespmem:$0x18200] =	vst v63  }
0x40: {  	s11 =	simm.s32 $0x3A00;
	v3 =	vadd.s32 v1, v3  }
0x41: {  	[tilespmem:s11], [sflag:$0x1] =	stream.indirect_vreg.gather [hbm4b:s4+s2], $0x80, v4, vm0, $0xb8;
	[tilespmem:$0x18200] =	vst v63  }
0x42: {  	s12 =	simm.s32 $0x4200  }
0x43: {  	[tilespmem:s12], [sflag:$0x1] =	stream.indirect_vreg.gather [hbm4b:s5+s2], $0x80, v4, vm0, $0xb8;
	[tilespmem:$0x18200] =	vst v63  }
0x44: {  	s13 =	simm.s32 $0x4A00  }
0x45: {  	[tilespmem:s13], [sflag:$0x1] =	stream.indirect_vreg.gather [hbm4b:s3+s2], $0x80, v3, vm0, $0xb8;
	[tilespmem:$0x18200] =	vst v63  }
0x46: {  	s14 =	simm.s32 $0x5200  }
0x47: {  	[tilespmem:s14], [sflag:$0x1] =	stream.indirect_vreg.gather [hbm4b:s4+s2], $0x80, v3, vm0, $0xb8;
	[tilespmem:$0x18200] =	vst v63  }
0x48: {  	s15 =	simm.s32 $0x5A00  }
0x49: {  	[tilespmem:s15], [sflag:$0x1] =	stream.indirect_vreg.gather [hbm4b:s5+s2], $0x80, v3, vm0, $0xb8;
	[tilespmem:$0x18200] =	vst v63  }
0x4a: {  	v3 =	vld [tilespmem:$0x20];
	_ =	sdelay $0x4  }
0x4b: {  	v34 =	vshrl.u32 v3, $0x3  }
0x4c: {  	v4 =	vmul.u32 $0x30, v34  }
0x4d: {  	v3 =	vand.u32 $0x7, v3  }
0x4e: {  	v3 =	vor.u32 v3, v4  }
0x4f: {  	v4 =	vperm.xlane v3, v0;
	_ =	sdelay $0x1  }
0x50: {  	v4 =	vadd.s32 v1, v4;
	_ =	sdelay $0x3  }
0x51: {  	s17 =	simm.s32 $0x6200;
	v3 =	vperm.xlane v3, v2  }
0x52: {  	[tilespmem:s17], [sflag:$0x1] =	stream.indirect_vreg.gather [hbm4b:s3+s2], $0x80, v4, vm0, $0xb8;
	[tilespmem:$0x18200] =	vst v63  }
0x53: {  	s18 =	simm.s32 $0x6A00;
	v3 =	vadd.s32 v1, v3  }
0x54: {  	[tilespmem:s18], [sflag:$0x1] =	stream.indirect_vreg.gather [hbm4b:s4+s2], $0x80, v4, vm0, $0xb8;
	[tilespmem:$0x18200] =	vst v63  }
0x55: {  	s19 =	simm.s32 $0x7200  }
0x56: {  	[tilespmem:s19], [sflag:$0x1] =	stream.indirect_vreg.gather [hbm4b:s5+s2], $0x80, v4, vm0, $0xb8;
	[tilespmem:$0x18200] =	vst v63  }
0x57: {  	s20 =	simm.s32 $0x7A00  }
0x58: {  	[tilespmem:s20], [sflag:$0x1] =	stream.indirect_vreg.gather [hbm4b:s3+s2], $0x80, v3, vm0, $0xb8;
	[tilespmem:$0x18200] =	vst v63  }
0x59: {  	s21 =	simm.s32 $0x8200  }
0x5a: {  	[tilespmem:s21], [sflag:$0x1] =	stream.indirect_vreg.gather [hbm4b:s4+s2], $0x80, v3, vm0, $0xb8;
	[tilespmem:$0x18200] =	vst v63  }
0x5b: {  	s22 =	simm.s32 $0x8A00  }
0x5c: {  	[tilespmem:s22], [sflag:$0x1] =	stream.indirect_vreg.gather [hbm4b:s5+s2], $0x80, v3, vm0, $0xb8;
	[tilespmem:$0x18200] =	vst v63  }
0x5d: {  	v3 =	vld [tilespmem:$0x30];
	_ =	sdelay $0x4  }
0x5e: {  	v35 =	vshrl.u32 v3, $0x3  }
0x5f: {  	v4 =	vmul.u32 $0x30, v35  }
0x60: {  	v3 =	vand.u32 $0x7, v3  }
0x61: {  	v3 =	vor.u32 v3, v4  }
0x62: {  	v4 =	vperm.xlane v3, v0;
	_ =	sdelay $0x1  }
0x63: {  	v4 =	vadd.s32 v1, v4;
	_ =	sdelay $0x3  }
0x64: {  	s23 =	simm.s32 $0x9200;
	v3 =	vperm.xlane v3, v2  }
0x65: {  	[tilespmem:s23], [sflag:$0x1] =	stream.indirect_vreg.gather [hbm4b:s3+s2], $0x80, v4, vm0, $0xb8;
	[tilespmem:$0x18200] =	vst v63  }
0x66: {  	s24 =	simm.s32 $0x9A00;
	v3 =	vadd.s32 v1, v3  }
0x67: {  	[tilespmem:s24], [sflag:$0x1] =	stream.indirect_vreg.gather [hbm4b:s4+s2], $0x80, v4, vm0, $0xb8;
	[tilespmem:$0x18200] =	vst v63  }
0x68: {  	s26 =	simm.s32 $0xA200  }
0x69: {  	[tilespmem:s26], [sflag:$0x1] =	stream.indirect_vreg.gather [hbm4b:s5+s2], $0x80, v4, vm0, $0xb8;
	[tilespmem:$0x18200] =	vst v63  }
0x6a: {  	s28 =	simm.s32 $0xAA00  }
0x6b: {  	[tilespmem:s28], [sflag:$0x1] =	stream.indirect_vreg.gather [hbm4b:s3+s2], $0x80, v3, vm0, $0xb8;
	[tilespmem:$0x18200] =	vst v63  }
0x6c: {  	s29 =	simm.s32 $0xB200  }
0x6d: {  	[tilespmem:s29], [sflag:$0x1] =	stream.indirect_vreg.gather [hbm4b:s4+s2], $0x80, v3, vm0, $0xb8;
	[tilespmem:$0x18200] =	vst v63  }
0x6e: {  	s30 =	simm.s32 $0xBA00  }
0x6f: {  	[tilespmem:s30], [sflag:$0x1] =	stream.indirect_vreg.gather [hbm4b:s5+s2], $0x80, v3, vm0, $0xb8;
	[tilespmem:$0x18200] =	vst v63  }
0x70: {  	v3 =	vld [tilespmem:$0x40];
	_ =	sdelay $0x4  }
0x71: {  	v36 =	vshrl.u32 v3, $0x3  }
0x72: {  	v4 =	vmul.u32 $0x30, v36  }
0x73: {  	v3 =	vand.u32 $0x7, v3  }
0x74: {  	v3 =	vor.u32 v3, v4  }
0x75: {  	v4 =	vperm.xlane v3, v0;
	_ =	sdelay $0x1  }
0x76: {  	v4 =	vadd.s32 v1, v4;
	_ =	sdelay $0x3  }
0x77: {  	s31 =	simm.s32 $0xC200;
	v3 =	vperm.xlane v3, v2  }
0x78: {  	[tilespmem:s31], [sflag:$0x1] =	stream.indirect_vreg.gather [hbm4b:s3+s2], $0x80, v4, vm0, $0xb8;
	[tilespmem:$0x18200] =	vst v63  }
0x79: {  	s0 =	simm.s32 $0xCA00;
	v3 =	vadd.s32 v1, v3  }
0x7a: {  	[tilespmem:s0], [sflag:$0x1] =	stream.indirect_vreg.gather [hbm4b:s4+s2], $0x80, v4, vm0, $0xb8;
	[tilespmem:$0x18200] =	vst v63  }
0x7b: {  	s15 =	simm.s32 $0xD200  }
0x7c: {  	[tilespmem:s15], [sflag:$0x1] =	stream.indirect_vreg.gather [hbm4b:s5+s2], $0x80, v4, vm0, $0xb8;
	[tilespmem:$0x18200] =	vst v63  }
0x7d: {  	s19 =	simm.s32 $0xDA00  }
0x7e: {  	[tilespmem:s19], [sflag:$0x1] =	stream.indirect_vreg.gather [hbm4b:s3+s2], $0x80, v3, vm0, $0xb8;
	[tilespmem:$0x18200] =	vst v63  }
0x7f: {  	s20 =	simm.s32 $0xE200  }
0x80: {  	[tilespmem:s20], [sflag:$0x1] =	stream.indirect_vreg.gather [hbm4b:s4+s2], $0x80, v3, vm0, $0xb8;
	[tilespmem:$0x18200] =	vst v63  }
0x81: {  	s21 =	simm.s32 $0xEA00  }
0x82: {  	[tilespmem:s21], [sflag:$0x1] =	stream.indirect_vreg.gather [hbm4b:s5+s2], $0x80, v3, vm0, $0xb8;
	[tilespmem:$0x18200] =	vst v63  }
0x83: {  	v3 =	vld [tilespmem:$0x50];
	_ =	sdelay $0x4  }
0x84: {  	v37 =	vshrl.u32 v3, $0x3  }
0x85: {  	v4 =	vmul.u32 $0x30, v37  }
0x86: {  	v3 =	vand.u32 $0x7, v3  }
0x87: {  	v3 =	vor.u32 v3, v4  }
0x88: {  	v4 =	vperm.xlane v3, v0;
	_ =	sdelay $0x1  }
0x89: {  	v4 =	vadd.s32 v1, v4;
	_ =	sdelay $0x3  }
0x8a: {  	s22 =	simm.s32 $0xF200;
	v3 =	vperm.xlane v3, v2  }
0x8b: {  	[tilespmem:s22], [sflag:$0x1] =	stream.indirect_vreg.gather [hbm4b:s3+s2], $0x80, v4, vm0, $0xb8;
	[tilespmem:$0x18200] =	vst v63  }
0x8c: {  	s23 =	simm.s32 $0xFA00;
	v3 =	vadd.s32 v1, v3  }
0x8d: {  	[tilespmem:s23], [sflag:$0x1] =	stream.indirect_vreg.gather [hbm4b:s4+s2], $0x80, v4, vm0, $0xb8;
	[tilespmem:$0x18200] =	vst v63  }
0x8e: {  	s24 =	simm.s32 $0x10200  }
0x8f: {  	[tilespmem:s24], [sflag:$0x1] =	stream.indirect_vreg.gather [hbm4b:s5+s2], $0x80, v4, vm0, $0xb8;
	[tilespmem:$0x18200] =	vst v63  }
0x90: {  	s26 =	simm.s32 $0x10A00  }
0x91: {  	[tilespmem:s26], [sflag:$0x1] =	stream.indirect_vreg.gather [hbm4b:s3+s2], $0x80, v3, vm0, $0xb8;
	[tilespmem:$0x18200] =	vst v63  }
0x92: {  	s28 =	simm.s32 $0x11200  }
0x93: {  	[tilespmem:s28], [sflag:$0x1] =	stream.indirect_vreg.gather [hbm4b:s4+s2], $0x80, v3, vm0, $0xb8;
	[tilespmem:$0x18200] =	vst v63  }
0x94: {  	s29 =	simm.s32 $0x11A00  }
0x95: {  	[tilespmem:s29], [sflag:$0x1] =	stream.indirect_vreg.gather [hbm4b:s5+s2], $0x80, v3, vm0, $0xb8;
	[tilespmem:$0x18200] =	vst v63  }
0x96: {  	v3 =	vld [tilespmem:$0x60];
	_ =	sdelay $0x4  }
0x97: {  	v38 =	vshrl.u32 v3, $0x3  }
0x98: {  	v4 =	vmul.u32 $0x30, v38  }
0x99: {  	v3 =	vand.u32 $0x7, v3  }
0x9a: {  	v3 =	vor.u32 v3, v4  }
0x9b: {  	v4 =	vperm.xlane v3, v0;
	_ =	sdelay $0x1  }
0x9c: {  	v4 =	vadd.s32 v1, v4;
	_ =	sdelay $0x3  }
0x9d: {  	s30 =	simm.s32 $0x12200;
	v3 =	vperm.xlane v3, v2  }
0x9e: {  	[tilespmem:s30], [sflag:$0x1] =	stream.indirect_vreg.gather [hbm4b:s3+s2], $0x80, v4, vm0, $0xb8;
	[tilespmem:$0x18200] =	vst v63  }
0x9f: {  	s31 =	simm.s32 $0x12A00;
	v3 =	vadd.s32 v1, v3  }
0xa0: {  	[tilespmem:s31], [sflag:$0x1] =	stream.indirect_vreg.gather [hbm4b:s4+s2], $0x80, v4, vm0, $0xb8;
	[tilespmem:$0x18200] =	vst v63  }
0xa1: {  	s0 =	simm.s32 $0x13200  }
0xa2: {  	[tilespmem:s0], [sflag:$0x1] =	stream.indirect_vreg.gather [hbm4b:s5+s2], $0x80, v4, vm0, $0xb8;
	[tilespmem:$0x18200] =	vst v63  }
0xa3: {  	s15 =	simm.s32 $0x13A00  }
0xa4: {  	[tilespmem:s15], [sflag:$0x1] =	stream.indirect_vreg.gather [hbm4b:s3+s2], $0x80, v3, vm0, $0xb8;
	[tilespmem:$0x18200] =	vst v63  }
0xa5: {  	s23 =	simm.s32 $0x14200  }
0xa6: {  	[tilespmem:s23], [sflag:$0x1] =	stream.indirect_vreg.gather [hbm4b:s4+s2], $0x80, v3, vm0, $0xb8;
	[tilespmem:$0x18200] =	vst v63  }
0xa7: {  	s24 =	simm.s32 $0x14A00  }
0xa8: {  	[tilespmem:s24], [sflag:$0x1] =	stream.indirect_vreg.gather [hbm4b:s5+s2], $0x80, v3, vm0, $0xb8;
	[tilespmem:$0x18200] =	vst v63  }
0xa9: {  	v3 =	vld [tilespmem:$0x70];
	_ =	sdelay $0x4  }
0xaa: {  	v39 =	vshrl.u32 v3, $0x3  }
0xab: {  	v4 =	vmul.u32 $0x30, v39  }
0xac: {  	v3 =	vand.u32 $0x7, v3  }
0xad: {  	v3 =	vor.u32 v3, v4  }
0xae: {  	v4 =	vperm.xlane v3, v0;
	_ =	sdelay $0x1  }
0xaf: {  	v4 =	vadd.s32 v1, v4;
	_ =	sdelay $0x3  }
0xb0: {  	s26 =	simm.s32 $0x15200;
	v3 =	vperm.xlane v3, v2  }
0xb1: {  	[tilespmem:s26], [sflag:$0x1] =	stream.indirect_vreg.gather [hbm4b:s3+s2], $0x80, v4, vm0, $0xb8;
	[tilespmem:$0x18200] =	vst v63  }
0xb2: {  	s28 =	simm.s32 $0x15A00;
	v3 =	vadd.s32 v1, v3  }
0xb3: {  	[tilespmem:s28], [sflag:$0x1] =	stream.indirect_vreg.gather [hbm4b:s4+s2], $0x80, v4, vm0, $0xb8;
	[tilespmem:$0x18200] =	vst v63  }
0xb4: {  	s29 =	simm.s32 $0x16200  }
0xb5: {  	[tilespmem:s29], [sflag:$0x1] =	stream.indirect_vreg.gather [hbm4b:s5+s2], $0x80, v4, vm0, $0xb8;
	[tilespmem:$0x18200] =	vst v63  }
0xb6: {  	s30 =	simm.s32 $0x16A00  }
0xb7: {  	[tilespmem:s30], [sflag:$0x1] =	stream.indirect_vreg.gather [hbm4b:s3+s2], $0x80, v3, vm0, $0xb8;
	[tilespmem:$0x18200] =	vst v63  }
0xb8: {  	s31 =	simm.s32 $0x17200  }
0xb9: {  	[tilespmem:s31], [sflag:$0x1] =	stream.indirect_vreg.gather [hbm4b:s4+s2], $0x80, v3, vm0, $0xb8;
	[tilespmem:$0x18200] =	vst v63  }
0xba: {  	s0 =	simm.s32 $0x17A00  }
0xbb: {  	[tilespmem:s0], [sflag:$0x1] =	stream.indirect_vreg.gather [hbm4b:s5+s2], $0x80, v3, vm0, $0xb8;
	[tilespmem:$0x18200] =	vst v63  }
0xbc: {  	_ =	swait.ge [sflag:s1], $0x18000  }
0xbd: {  	[sflag:s1] =	ssyncset.done $0x0  }
0xbe: {  	s15 =	rddreg [dreg:$0x7];
	[sflag:s1] =	ssyncadd.s32 $0xFFFE8000  }
0xbf: {  	[hbm4b:s15+s2] =	stream.linear.scatter [tilespmem:s16], [sflag:$0x2], $0x18000, $0x38;
	[tilespmem:$0x18200] =	vst v63  }
0xc0: {  	_ =	swait.ge [sflag:s7], $0x18000  }
0xc1: {  	[sflag:s7] =	ssyncset.done $0x0  }
0xc2: {  	[sflag:s7] =	ssyncadd.s32 $0xFFFE8000  }
0xc3: {  	v3 =	vld [tilespmem:$0x80];
	_ =	sdelay $0x4  }
0xc4: {  	v40 =	vshrl.u32 v3, $0x3  }
0xc5: {  	v4 =	vmul.u32 $0x30, v40  }
0xc6: {  	v3 =	vand.u32 $0x7, v3  }
0xc7: {  	v3 =	vor.u32 v3, v4  }
0xc8: {  	v4 =	vperm.xlane v3, v0;
	_ =	sdelay $0x1  }
0xc9: {  	v4 =	vadd.s32 v1, v4;
	_ =	sdelay $0x3  }
0xca: {  	v3 =	vperm.xlane v3, v2  }
0xcb: {  	[tilespmem:s16], [sflag:$0x1] =	stream.indirect_vreg.gather [hbm4b:s3+s2], $0x80, v4, vm0, $0xb8;
	[tilespmem:$0x18200] =	vst v63  }
0xcc: {  	s25 =	simm.s32 $0xA00;
	v3 =	vadd.s32 v1, v3  }
0xcd: {  	[tilespmem:s25], [sflag:$0x1] =	stream.indirect_vreg.gather [hbm4b:s4+s2], $0x80, v4, vm0, $0xb8;
	[tilespmem:$0x18200] =	vst v63  }
0xce: {  	s25 =	simm.s32 $0x1200  }
0xcf: {  	[tilespmem:s25], [sflag:$0x1] =	stream.indirect_vreg.gather [hbm4b:s5+s2], $0x80, v4, vm0, $0xb8;
	[tilespmem:$0x18200] =	vst v63  }
0xd0: {  	s26 =	simm.s32 $0x1A00  }
0xd1: {  	[tilespmem:s26], [sflag:$0x1] =	stream.indirect_vreg.gather [hbm4b:s3+s2], $0x80, v3, vm0, $0xb8;
	[tilespmem:$0x18200] =	vst v63  }
0xd2: {  	s28 =	simm.s32 $0x2200  }
0xd3: {  	[tilespmem:s28], [sflag:$0x1] =	stream.indirect_vreg.gather [hbm4b:s4+s2], $0x80, v3, vm0, $0xb8;
	[tilespmem:$0x18200] =	vst v63  }
0xd4: {  	s8 =	simm.s32 $0x2A00  }
0xd5: {  	[tilespmem:s8], [sflag:$0x1] =	stream.indirect_vreg.gather [hbm4b:s5+s2], $0x80, v3, vm0, $0xb8;
	[tilespmem:$0x18200] =	vst v63  }
0xd6: {  	v3 =	vld [tilespmem:$0x90];
	_ =	sdelay $0x4  }
0xd7: {  	v41 =	vshrl.u32 v3, $0x3  }
0xd8: {  	v4 =	vmul.u32 $0x30, v41  }
0xd9: {  	v3 =	vand.u32 $0x7, v3  }
0xda: {  	v3 =	vor.u32 v3, v4  }
0xdb: {  	v4 =	vperm.xlane v3, v0;
	_ =	sdelay $0x1  }
0xdc: {  	v4 =	vadd.s32 v1, v4;
	_ =	sdelay $0x3  }
0xdd: {  	s10 =	simm.s32 $0x3200;
	v3 =	vperm.xlane v3, v2  }
0xde: {  	[tilespmem:s10], [sflag:$0x1] =	stream.indirect_vreg.gather [hbm4b:s3+s2], $0x80, v4, vm0, $0xb8;
	[tilespmem:$0x18200] =	vst v63  }
0xdf: {  	s29 =	simm.s32 $0x3A00;
	v3 =	vadd.s32 v1, v3  }
0xe0: {  	[tilespmem:s29], [sflag:$0x1] =	stream.indirect_vreg.gather [hbm4b:s4+s2], $0x80, v4, vm0, $0xb8;
	[tilespmem:$0x18200] =	vst v63  }
0xe1: {  	s30 =	simm.s32 $0x4200  }
0xe2: {  	[tilespmem:s30], [sflag:$0x1] =	stream.indirect_vreg.gather [hbm4b:s5+s2], $0x80, v4, vm0, $0xb8;
	[tilespmem:$0x18200] =	vst v63  }
0xe3: {  	s31 =	simm.s32 $0x4A00  }
0xe4: {  	[tilespmem:s31], [sflag:$0x1] =	stream.indirect_vreg.gather [hbm4b:s3+s2], $0x80, v3, vm0, $0xb8;
	[tilespmem:$0x18200] =	vst v63  }
0xe5: {  	s0 =	simm.s32 $0x5200  }
0xe6: {  	[tilespmem:s0], [sflag:$0x1] =	stream.indirect_vreg.gather [hbm4b:s4+s2], $0x80, v3, vm0, $0xb8;
	[tilespmem:$0x18200] =	vst v63  }
0xe7: {  	s11 =	simm.s32 $0x5A00  }
0xe8: {  	[tilespmem:s11], [sflag:$0x1] =	stream.indirect_vreg.gather [hbm4b:s5+s2], $0x80, v3, vm0, $0xb8;
	[tilespmem:$0x18200] =	vst v63  }
0xe9: {  	v3 =	vld [tilespmem:$0xA0];
	_ =	sdelay $0x4  }
0xea: {  	v42 =	vshrl.u32 v3, $0x3  }
0xeb: {  	v4 =	vmul.u32 $0x30, v42  }
0xec: {  	v3 =	vand.u32 $0x7, v3  }
0xed: {  	v3 =	vor.u32 v3, v4  }
0xee: {  	v4 =	vperm.xlane v3, v0;
	_ =	sdelay $0x1  }
0xef: {  	v4 =	vadd.s32 v1, v4;
	_ =	sdelay $0x3  }
0xf0: {  	s12 =	simm.s32 $0x6200;
	v3 =	vperm.xlane v3, v2  }
0xf1: {  	[tilespmem:s12], [sflag:$0x1] =	stream.indirect_vreg.gather [hbm4b:s3+s2], $0x80, v4, vm0, $0xb8;
	[tilespmem:$0x18200] =	vst v63  }
0xf2: {  	s8 =	simm.s32 $0x6A00;
	v3 =	vadd.s32 v1, v3  }
0xf3: {  	[tilespmem:s8], [sflag:$0x1] =	stream.indirect_vreg.gather [hbm4b:s4+s2], $0x80, v4, vm0, $0xb8;
	[tilespmem:$0x18200] =	vst v63  }
0xf4: {  	s10 =	simm.s32 $0x7200  }
0xf5: {  	[tilespmem:s10], [sflag:$0x1] =	stream.indirect_vreg.gather [hbm4b:s5+s2], $0x80, v4, vm0, $0xb8;
	[tilespmem:$0x18200] =	vst v63  }
0xf6: {  	s11 =	simm.s32 $0x7A00  }
0xf7: {  	[tilespmem:s11], [sflag:$0x1] =	stream.indirect_vreg.gather [hbm4b:s3+s2], $0x80, v3, vm0, $0xb8;
	[tilespmem:$0x18200] =	vst v63  }
0xf8: {  	s12 =	simm.s32 $0x8200  }
0xf9: {  	[tilespmem:s12], [sflag:$0x1] =	stream.indirect_vreg.gather [hbm4b:s4+s2], $0x80, v3, vm0, $0xb8;
	[tilespmem:$0x18200] =	vst v63  }
0xfa: {  	s13 =	simm.s32 $0x8A00  }
0xfb: {  	[tilespmem:s13], [sflag:$0x1] =	stream.indirect_vreg.gather [hbm4b:s5+s2], $0x80, v3, vm0, $0xb8;
	[tilespmem:$0x18200] =	vst v63  }
0xfc: {  	v3 =	vld [tilespmem:$0xB0];
	_ =	sdelay $0x4  }
0xfd: {  	v43 =	vshrl.u32 v3, $0x3  }
0xfe: {  	v4 =	vmul.u32 $0x30, v43  }
0xff: {  	v3 =	vand.u32 $0x7, v3  }
0x100: {  	v3 =	vor.u32 v3, v4  }
0x101: {  	v4 =	vperm.xlane v3, v0;
	_ =	sdelay $0x1  }
0x102: {  	v4 =	vadd.s32 v1, v4;
	_ =	sdelay $0x3  }
0x103: {  	s14 =	simm.s32 $0x9200;
	v3 =	vperm.xlane v3, v2  }
0x104: {  	[tilespmem:s14], [sflag:$0x1] =	stream.indirect_vreg.gather [hbm4b:s3+s2], $0x80, v4, vm0, $0xb8;
	[tilespmem:$0x18200] =	vst v63  }
0x105: {  	s13 =	simm.s32 $0x9A00;
	v3 =	vadd.s32 v1, v3  }
0x106: {  	[tilespmem:s13], [sflag:$0x1] =	stream.indirect_vreg.gather [hbm4b:s4+s2], $0x80, v4, vm0, $0xb8;
	[tilespmem:$0x18200] =	vst v63  }
0x107: {  	s14 =	simm.s32 $0xA200  }
0x108: {  	[tilespmem:s14], [sflag:$0x1] =	stream.indirect_vreg.gather [hbm4b:s5+s2], $0x80, v4, vm0, $0xb8;
	[tilespmem:$0x18200] =	vst v63  }
0x109: {  	s15 =	simm.s32 $0xAA00  }
0x10a: {  	[tilespmem:s15], [sflag:$0x1] =	stream.indirect_vreg.gather [hbm4b:s3+s2], $0x80, v3, vm0, $0xb8;
	[tilespmem:$0x18200] =	vst v63  }
0x10b: {  	s9 =	simm.s32 $0xB200  }
0x10c: {  	[tilespmem:s9], [sflag:$0x1] =	stream.indirect_vreg.gather [hbm4b:s4+s2], $0x80, v3, vm0, $0xb8;
	[tilespmem:$0x18200] =	vst v63  }
0x10d: {  	s17 =	simm.s32 $0xBA00  }
0x10e: {  	[tilespmem:s17], [sflag:$0x1] =	stream.indirect_vreg.gather [hbm4b:s5+s2], $0x80, v3, vm0, $0xb8;
	[tilespmem:$0x18200] =	vst v63  }
0x10f: {  	v3 =	vld [tilespmem:$0xC0];
	_ =	sdelay $0x4  }
0x110: {  	v44 =	vshrl.u32 v3, $0x3  }
0x111: {  	v4 =	vmul.u32 $0x30, v44  }
0x112: {  	v3 =	vand.u32 $0x7, v3  }
0x113: {  	v3 =	vor.u32 v3, v4  }
0x114: {  	v4 =	vperm.xlane v3, v0;
	_ =	sdelay $0x1  }
0x115: {  	v4 =	vadd.s32 v1, v4;
	_ =	sdelay $0x3  }
0x116: {  	s18 =	simm.s32 $0xC200;
	v3 =	vperm.xlane v3, v2  }
0x117: {  	[tilespmem:s18], [sflag:$0x1] =	stream.indirect_vreg.gather [hbm4b:s3+s2], $0x80, v4, vm0, $0xb8;
	[tilespmem:$0x18200] =	vst v63  }
0x118: {  	v3 =	vadd.s32 v1, v3;
	s18 =	simm.s32 $0xCA00  }
0x119: {  	[tilespmem:s18], [sflag:$0x1] =	stream.indirect_vreg.gather [hbm4b:s4+s2], $0x80, v4, vm0, $0xb8;
	[tilespmem:$0x18200] =	vst v63  }
0x11a: {  	s17 =	simm.s32 $0xD200  }
0x11b: {  	[tilespmem:s17], [sflag:$0x1] =	stream.indirect_vreg.gather [hbm4b:s5+s2], $0x80, v4, vm0, $0xb8;
	[tilespmem:$0x18200] =	vst v63  }
0x11c: {  	s17 =	simm.s32 $0xDA00  }
0x11d: {  	[tilespmem:s17], [sflag:$0x1] =	stream.indirect_vreg.gather [hbm4b:s3+s2], $0x80, v3, vm0, $0xb8;
	[tilespmem:$0x18200] =	vst v63  }
0x11e: {  	s17 =	simm.s32 $0xE200  }
0x11f: {  	[tilespmem:s17], [sflag:$0x1] =	stream.indirect_vreg.gather [hbm4b:s4+s2], $0x80, v3, vm0, $0xb8;
	[tilespmem:$0x18200] =	vst v63  }
0x120: {  	s19 =	simm.s32 $0xEA00  }
0x121: {  	[tilespmem:s19], [sflag:$0x1] =	stream.indirect_vreg.gather [hbm4b:s5+s2], $0x80, v3, vm0, $0xb8;
	[tilespmem:$0x18200] =	vst v63  }
0x122: {  	v3 =	vld [tilespmem:$0xD0];
	_ =	sdelay $0x4  }
0x123: {  	v45 =	vshrl.u32 v3, $0x3  }
0x124: {  	v4 =	vmul.u32 $0x30, v45  }
0x125: {  	v3 =	vand.u32 $0x7, v3  }
0x126: {  	v3 =	vor.u32 v3, v4  }
0x127: {  	v4 =	vperm.xlane v3, v0;
	_ =	sdelay $0x1  }
0x128: {  	v4 =	vadd.s32 v1, v4;
	_ =	sdelay $0x3  }
0x129: {  	s20 =	simm.s32 $0xF200;
	v3 =	vperm.xlane v3, v2  }
0x12a: {  	[tilespmem:s20], [sflag:$0x1] =	stream.indirect_vreg.gather [hbm4b:s3+s2], $0x80, v4, vm0, $0xb8;
	[tilespmem:$0x18200] =	vst v63  }
0x12b: {  	s17 =	simm.s32 $0xFA00;
	v3 =	vadd.s32 v1, v3  }
0x12c: {  	[tilespmem:s17], [sflag:$0x1] =	stream.indirect_vreg.gather [hbm4b:s4+s2], $0x80, v4, vm0, $0xb8;
	[tilespmem:$0x18200] =	vst v63  }
0x12d: {  	s19 =	simm.s32 $0x10200  }
0x12e: {  	[tilespmem:s19], [sflag:$0x1] =	stream.indirect_vreg.gather [hbm4b:s5+s2], $0x80, v4, vm0, $0xb8;
	[tilespmem:$0x18200] =	vst v63  }
0x12f: {  	s17 =	simm.s32 $0x10A00  }
0x130: {  	[tilespmem:s17], [sflag:$0x1] =	stream.indirect_vreg.gather [hbm4b:s3+s2], $0x80, v3, vm0, $0xb8;
	[tilespmem:$0x18200] =	vst v63  }
0x131: {  	s19 =	simm.s32 $0x11200  }
0x132: {  	[tilespmem:s19], [sflag:$0x1] =	stream.indirect_vreg.gather [hbm4b:s4+s2], $0x80, v3, vm0, $0xb8;
	[tilespmem:$0x18200] =	vst v63  }
0x133: {  	s21 =	simm.s32 $0x11A00  }
0x134: {  	[tilespmem:s21], [sflag:$0x1] =	stream.indirect_vreg.gather [hbm4b:s5+s2], $0x80, v3, vm0, $0xb8;
	[tilespmem:$0x18200] =	vst v63  }
0x135: {  	v3 =	vld [tilespmem:$0xE0];
	_ =	sdelay $0x4  }
0x136: {  	v46 =	vshrl.u32 v3, $0x3  }
0x137: {  	v4 =	vmul.u32 $0x30, v46  }
0x138: {  	v3 =	vand.u32 $0x7, v3  }
0x139: {  	v3 =	vor.u32 v3, v4  }
0x13a: {  	v4 =	vperm.xlane v3, v0;
	_ =	sdelay $0x1  }
0x13b: {  	v4 =	vadd.s32 v1, v4;
	_ =	sdelay $0x3  }
0x13c: {  	s22 =	simm.s32 $0x12200;
	v3 =	vperm.xlane v3, v2  }
0x13d: {  	[tilespmem:s22], [sflag:$0x1] =	stream.indirect_vreg.gather [hbm4b:s3+s2], $0x80, v4, vm0, $0xb8;
	[tilespmem:$0x18200] =	vst v63  }
0x13e: {  	s17 =	simm.s32 $0x12A00;
	v3 =	vadd.s32 v1, v3  }
0x13f: {  	[tilespmem:s17], [sflag:$0x1] =	stream.indirect_vreg.gather [hbm4b:s4+s2], $0x80, v4, vm0, $0xb8;
	[tilespmem:$0x18200] =	vst v63  }
0x140: {  	s19 =	simm.s32 $0x13200  }
0x141: {  	[tilespmem:s19], [sflag:$0x1] =	stream.indirect_vreg.gather [hbm4b:s5+s2], $0x80, v4, vm0, $0xb8;
	[tilespmem:$0x18200] =	vst v63  }
0x142: {  	s21 =	simm.s32 $0x13A00  }
0x143: {  	[tilespmem:s21], [sflag:$0x1] =	stream.indirect_vreg.gather [hbm4b:s3+s2], $0x80, v3, vm0, $0xb8;
	[tilespmem:$0x18200] =	vst v63  }
0x144: {  	s22 =	simm.s32 $0x14200  }
0x145: {  	[tilespmem:s22], [sflag:$0x1] =	stream.indirect_vreg.gather [hbm4b:s4+s2], $0x80, v3, vm0, $0xb8;
	[tilespmem:$0x18200] =	vst v63  }
0x146: {  	s23 =	simm.s32 $0x14A00  }
0x147: {  	[tilespmem:s23], [sflag:$0x1] =	stream.indirect_vreg.gather [hbm4b:s5+s2], $0x80, v3, vm0, $0xb8;
	[tilespmem:$0x18200] =	vst v63  }
0x148: {  	v3 =	vld [tilespmem:$0xF0];
	_ =	sdelay $0x4  }
0x149: {  	v47 =	vshrl.u32 v3, $0x3  }
0x14a: {  	v4 =	vmul.u32 $0x30, v47  }
0x14b: {  	v3 =	vand.u32 $0x7, v3  }
0x14c: {  	v3 =	vor.u32 v3, v4  }
0x14d: {  	v4 =	vperm.xlane v3, v0;
	_ =	sdelay $0x1  }
0x14e: {  	v4 =	vadd.s32 v1, v4;
	_ =	sdelay $0x3  }
0x14f: {  	s24 =	simm.s32 $0x15200;
	v3 =	vperm.xlane v3, v2  }
0x150: {  	[tilespmem:s24], [sflag:$0x1] =	stream.indirect_vreg.gather [hbm4b:s3+s2], $0x80, v4, vm0, $0xb8;
	[tilespmem:$0x18200] =	vst v63  }
0x151: {  	v3 =	vadd.s32 v1, v3;
	s24 =	simm.s32 $0x15A00  }
0x152: {  	[tilespmem:s24], [sflag:$0x1] =	stream.indirect_vreg.gather [hbm4b:s4+s2], $0x80, v4, vm0, $0xb8;
	[tilespmem:$0x18200] =	vst v63  }
0x153: {  	s17 =	simm.s32 $0x16200  }
0x154: {  	[tilespmem:s17], [sflag:$0x1] =	stream.indirect_vreg.gather [hbm4b:s5+s2], $0x80, v4, vm0, $0xb8;
	[tilespmem:$0x18200] =	vst v63  }
0x155: {  	s19 =	simm.s32 $0x16A00  }
0x156: {  	[tilespmem:s19], [sflag:$0x1] =	stream.indirect_vreg.gather [hbm4b:s3+s2], $0x80, v3, vm0, $0xb8;
	[tilespmem:$0x18200] =	vst v63  }
0x157: {  	s21 =	simm.s32 $0x17200  }
0x158: {  	[tilespmem:s21], [sflag:$0x1] =	stream.indirect_vreg.gather [hbm4b:s4+s2], $0x80, v3, vm0, $0xb8;
	[tilespmem:$0x18200] =	vst v63  }
0x159: {  	s22 =	simm.s32 $0x17A00  }
0x15a: {  	[tilespmem:s22], [sflag:$0x1] =	stream.indirect_vreg.gather [hbm4b:s5+s2], $0x80, v3, vm0, $0xb8;
	[tilespmem:$0x18200] =	vst v63  }
0x15b: {  	_ =	swait.ge [sflag:s1], $0x18000  }
0x15c: {  	[sflag:s1] =	ssyncset.done $0x0  }
0x15d: {  	s23 =	rddreg [dreg:$0x8];
	[sflag:s1] =	ssyncadd.s32 $0xFFFE8000  }
0x15e: {  	[hbm4b:s23+s2] =	stream.linear.scatter [tilespmem:s16], [sflag:$0x2], $0x18000, $0x38;
	[tilespmem:$0x18200] =	vst v63  }
0x15f: {  	_ =	swait.ge [sflag:s7], $0x18000  }
0x160: {  	[sflag:s7] =	ssyncset.done $0x0  }
0x161: {  	[sflag:s7] =	ssyncadd.s32 $0xFFFE8000  }
0x162: {  	v3 =	vld [tilespmem:$0x100];
	_ =	sdelay $0x4  }
0x163: {  	v48 =	vshrl.u32 v3, $0x3  }
0x164: {  	v4 =	vmul.u32 $0x30, v48  }
0x165: {  	v3 =	vand.u32 $0x7, v3  }
0x166: {  	v3 =	vor.u32 v3, v4  }
0x167: {  	v4 =	vperm.xlane v3, v0;
	_ =	sdelay $0x1  }
0x168: {  	v4 =	vadd.s32 v1, v4;
	_ =	sdelay $0x3  }
0x169: {  	v3 =	vperm.xlane v3, v2  }
0x16a: {  	[tilespmem:s16], [sflag:$0x1] =	stream.indirect_vreg.gather [hbm4b:s3+s2], $0x80, v4, vm0, $0xb8;
	[tilespmem:$0x18200] =	vst v63  }
0x16b: {  	s24 =	simm.s32 $0xA00;
	v3 =	vadd.s32 v1, v3  }
0x16c: {  	[tilespmem:s24], [sflag:$0x1] =	stream.indirect_vreg.gather [hbm4b:s4+s2], $0x80, v4, vm0, $0xb8;
	[tilespmem:$0x18200] =	vst v63  }
0x16d: {  	_ = 	snop  }
0x16e: {  	[tilespmem:s25], [sflag:$0x1] =	stream.indirect_vreg.gather [hbm4b:s5+s2], $0x80, v4, vm0, $0xb8;
	[tilespmem:$0x18200] =	vst v63  }
0x16f: {  	_ = 	snop  }
0x170: {  	[tilespmem:s26], [sflag:$0x1] =	stream.indirect_vreg.gather [hbm4b:s3+s2], $0x80, v3, vm0, $0xb8;
	[tilespmem:$0x18200] =	vst v63  }
0x171: {  	_ = 	snop  }
0x172: {  	[tilespmem:s28], [sflag:$0x1] =	stream.indirect_vreg.gather [hbm4b:s4+s2], $0x80, v3, vm0, $0xb8;
	[tilespmem:$0x18200] =	vst v63  }
0x173: {  	s26 =	simm.s32 $0x2A00  }
0x174: {  	[tilespmem:s26], [sflag:$0x1] =	stream.indirect_vreg.gather [hbm4b:s5+s2], $0x80, v3, vm0, $0xb8;
	[tilespmem:$0x18200] =	vst v63  }
0x175: {  	v3 =	vld [tilespmem:$0x110];
	_ =	sdelay $0x4  }
0x176: {  	v49 =	vshrl.u32 v3, $0x3  }
0x177: {  	v4 =	vmul.u32 $0x30, v49  }
0x178: {  	v3 =	vand.u32 $0x7, v3  }
0x179: {  	v3 =	vor.u32 v3, v4  }
0x17a: {  	v4 =	vperm.xlane v3, v0;
	_ =	sdelay $0x1  }
0x17b: {  	v4 =	vadd.s32 v1, v4;
	_ =	sdelay $0x3  }
0x17c: {  	s28 =	simm.s32 $0x3200;
	v3 =	vperm.xlane v3, v2  }
0x17d: {  	[tilespmem:s28], [sflag:$0x1] =	stream.indirect_vreg.gather [hbm4b:s3+s2], $0x80, v4, vm0, $0xb8;
	[tilespmem:$0x18200] =	vst v63  }
0x17e: {  	v3 =	vadd.s32 v1, v3  }
0x17f: {  	[tilespmem:s29], [sflag:$0x1] =	stream.indirect_vreg.gather [hbm4b:s4+s2], $0x80, v4, vm0, $0xb8;
	[tilespmem:$0x18200] =	vst v63  }
0x180: {  	_ = 	snop  }
0x181: {  	[tilespmem:s30], [sflag:$0x1] =	stream.indirect_vreg.gather [hbm4b:s5+s2], $0x80, v4, vm0, $0xb8;
	[tilespmem:$0x18200] =	vst v63  }
0x182: {  	_ = 	snop  }
0x183: {  	[tilespmem:s31], [sflag:$0x1] =	stream.indirect_vreg.gather [hbm4b:s3+s2], $0x80, v3, vm0, $0xb8;
	[tilespmem:$0x18200] =	vst v63  }
0x184: {  	_ = 	snop  }
0x185: {  	[tilespmem:s0], [sflag:$0x1] =	stream.indirect_vreg.gather [hbm4b:s4+s2], $0x80, v3, vm0, $0xb8;
	[tilespmem:$0x18200] =	vst v63  }
0x186: {  	s19 =	simm.s32 $0x5A00  }
0x187: {  	[tilespmem:s19], [sflag:$0x1] =	stream.indirect_vreg.gather [hbm4b:s5+s2], $0x80, v3, vm0, $0xb8;
	[tilespmem:$0x18200] =	vst v63  }
0x188: {  	v3 =	vld [tilespmem:$0x120];
	_ =	sdelay $0x4  }
0x189: {  	v50 =	vshrl.u32 v3, $0x3  }
0x18a: {  	v4 =	vmul.u32 $0x30, v50  }
0x18b: {  	v3 =	vand.u32 $0x7, v3  }
0x18c: {  	v3 =	vor.u32 v3, v4  }
0x18d: {  	v4 =	vperm.xlane v3, v0;
	_ =	sdelay $0x1  }
0x18e: {  	v4 =	vadd.s32 v1, v4;
	_ =	sdelay $0x3  }
0x18f: {  	s21 =	simm.s32 $0x6200;
	v3 =	vperm.xlane v3, v2  }
0x190: {  	[tilespmem:s21], [sflag:$0x1] =	stream.indirect_vreg.gather [hbm4b:s3+s2], $0x80, v4, vm0, $0xb8;
	[tilespmem:$0x18200] =	vst v63  }
0x191: {  	v3 =	vadd.s32 v1, v3  }
0x192: {  	[tilespmem:s8], [sflag:$0x1] =	stream.indirect_vreg.gather [hbm4b:s4+s2], $0x80, v4, vm0, $0xb8;
	[tilespmem:$0x18200] =	vst v63  }
0x193: {  	_ = 	snop  }
0x194: {  	[tilespmem:s10], [sflag:$0x1] =	stream.indirect_vreg.gather [hbm4b:s5+s2], $0x80, v4, vm0, $0xb8;
	[tilespmem:$0x18200] =	vst v63  }
0x195: {  	_ = 	snop  }
0x196: {  	[tilespmem:s11], [sflag:$0x1] =	stream.indirect_vreg.gather [hbm4b:s3+s2], $0x80, v3, vm0, $0xb8;
	[tilespmem:$0x18200] =	vst v63  }
0x197: {  	_ = 	snop  }
0x198: {  	[tilespmem:s12], [sflag:$0x1] =	stream.indirect_vreg.gather [hbm4b:s4+s2], $0x80, v3, vm0, $0xb8;
	[tilespmem:$0x18200] =	vst v63  }
0x199: {  	s22 =	simm.s32 $0x8A00  }
0x19a: {  	[tilespmem:s22], [sflag:$0x1] =	stream.indirect_vreg.gather [hbm4b:s5+s2], $0x80, v3, vm0, $0xb8;
	[tilespmem:$0x18200] =	vst v63  }
0x19b: {  	v3 =	vld [tilespmem:$0x130];
	_ =	sdelay $0x4  }
0x19c: {  	v51 =	vshrl.u32 v3, $0x3  }
0x19d: {  	v4 =	vmul.u32 $0x30, v51  }
0x19e: {  	v3 =	vand.u32 $0x7, v3  }
0x19f: {  	v3 =	vor.u32 v3, v4  }
0x1a0: {  	v4 =	vperm.xlane v3, v0;
	_ =	sdelay $0x1  }
0x1a1: {  	v4 =	vadd.s32 v1, v4;
	_ =	sdelay $0x3  }
0x1a2: {  	s30 =	simm.s32 $0x9200;
	v3 =	vperm.xlane v3, v2  }
0x1a3: {  	[tilespmem:s30], [sflag:$0x1] =	stream.indirect_vreg.gather [hbm4b:s3+s2], $0x80, v4, vm0, $0xb8;
	[tilespmem:$0x18200] =	vst v63  }
0x1a4: {  	v3 =	vadd.s32 v1, v3  }
0x1a5: {  	[tilespmem:s13], [sflag:$0x1] =	stream.indirect_vreg.gather [hbm4b:s4+s2], $0x80, v4, vm0, $0xb8;
	[tilespmem:$0x18200] =	vst v63  }
0x1a6: {  	_ = 	snop  }
0x1a7: {  	[tilespmem:s14], [sflag:$0x1] =	stream.indirect_vreg.gather [hbm4b:s5+s2], $0x80, v4, vm0, $0xb8;
	[tilespmem:$0x18200] =	vst v63  }
0x1a8: {  	_ = 	snop  }
0x1a9: {  	[tilespmem:s15], [sflag:$0x1] =	stream.indirect_vreg.gather [hbm4b:s3+s2], $0x80, v3, vm0, $0xb8;
	[tilespmem:$0x18200] =	vst v63  }
0x1aa: {  	s31 =	simm.s32 $0xB200  }
0x1ab: {  	[tilespmem:s31], [sflag:$0x1] =	stream.indirect_vreg.gather [hbm4b:s4+s2], $0x80, v3, vm0, $0xb8;
	[tilespmem:$0x18200] =	vst v63  }
0x1ac: {  	s19 =	simm.s32 $0xBA00  }
0x1ad: {  	[tilespmem:s19], [sflag:$0x1] =	stream.indirect_vreg.gather [hbm4b:s5+s2], $0x80, v3, vm0, $0xb8;
	[tilespmem:$0x18200] =	vst v63  }
0x1ae: {  	v3 =	vld [tilespmem:$0x140];
	_ =	sdelay $0x4  }
0x1af: {  	v52 =	vshrl.u32 v3, $0x3  }
0x1b0: {  	v4 =	vmul.u32 $0x30, v52  }
0x1b1: {  	v3 =	vand.u32 $0x7, v3  }
0x1b2: {  	v3 =	vor.u32 v3, v4  }
0x1b3: {  	v4 =	vperm.xlane v3, v0;
	_ =	sdelay $0x1  }
0x1b4: {  	v4 =	vadd.s32 v1, v4;
	_ =	sdelay $0x3  }
0x1b5: {  	s21 =	simm.s32 $0xC200;
	v3 =	vperm.xlane v3, v2  }
0x1b6: {  	[tilespmem:s21], [sflag:$0x1] =	stream.indirect_vreg.gather [hbm4b:s3+s2], $0x80, v4, vm0, $0xb8;
	[tilespmem:$0x18200] =	vst v63  }
0x1b7: {  	s18 =	simm.s32 $0xCA00;
	v3 =	vadd.s32 v1, v3  }
0x1b8: {  	[tilespmem:s18], [sflag:$0x1] =	stream.indirect_vreg.gather [hbm4b:s4+s2], $0x80, v4, vm0, $0xb8;
	[tilespmem:$0x18200] =	vst v63  }
0x1b9: {  	s22 =	simm.s32 $0xD200  }
0x1ba: {  	[tilespmem:s22], [sflag:$0x1] =	stream.indirect_vreg.gather [hbm4b:s5+s2], $0x80, v4, vm0, $0xb8;
	[tilespmem:$0x18200] =	vst v63  }
0x1bb: {  	s31 =	simm.s32 $0xDA00  }
0x1bc: {  	[tilespmem:s31], [sflag:$0x1] =	stream.indirect_vreg.gather [hbm4b:s3+s2], $0x80, v3, vm0, $0xb8;
	[tilespmem:$0x18200] =	vst v63  }
0x1bd: {  	s19 =	simm.s32 $0xE200  }
0x1be: {  	[tilespmem:s19], [sflag:$0x1] =	stream.indirect_vreg.gather [hbm4b:s4+s2], $0x80, v3, vm0, $0xb8;
	[tilespmem:$0x18200] =	vst v63  }
0x1bf: {  	s21 =	simm.s32 $0xEA00  }
0x1c0: {  	[tilespmem:s21], [sflag:$0x1] =	stream.indirect_vreg.gather [hbm4b:s5+s2], $0x80, v3, vm0, $0xb8;
	[tilespmem:$0x18200] =	vst v63  }
0x1c1: {  	v3 =	vld [tilespmem:$0x150];
	_ =	sdelay $0x4  }
0x1c2: {  	v53 =	vshrl.u32 v3, $0x3  }
0x1c3: {  	v4 =	vmul.u32 $0x30, v53  }
0x1c4: {  	v3 =	vand.u32 $0x7, v3  }
0x1c5: {  	v3 =	vor.u32 v3, v4  }
0x1c6: {  	v4 =	vperm.xlane v3, v0;
	_ =	sdelay $0x1  }
0x1c7: {  	v4 =	vadd.s32 v1, v4;
	_ =	sdelay $0x3  }
0x1c8: {  	s22 =	simm.s32 $0xF200;
	v3 =	vperm.xlane v3, v2  }
0x1c9: {  	[tilespmem:s22], [sflag:$0x1] =	stream.indirect_vreg.gather [hbm4b:s3+s2], $0x80, v4, vm0, $0xb8;
	[tilespmem:$0x18200] =	vst v63  }
0x1ca: {  	s20 =	simm.s32 $0xFA00;
	v3 =	vadd.s32 v1, v3  }
0x1cb: {  	[tilespmem:s20], [sflag:$0x1] =	stream.indirect_vreg.gather [hbm4b:s4+s2], $0x80, v4, vm0, $0xb8;
	[tilespmem:$0x18200] =	vst v63  }
0x1cc: {  	s21 =	simm.s32 $0x10200  }
0x1cd: {  	[tilespmem:s21], [sflag:$0x1] =	stream.indirect_vreg.gather [hbm4b:s5+s2], $0x80, v4, vm0, $0xb8;
	[tilespmem:$0x18200] =	vst v63  }
0x1ce: {  	s22 =	simm.s32 $0x10A00  }
0x1cf: {  	[tilespmem:s22], [sflag:$0x1] =	stream.indirect_vreg.gather [hbm4b:s3+s2], $0x80, v3, vm0, $0xb8;
	[tilespmem:$0x18200] =	vst v63  }
0x1d0: {  	s9 =	simm.s32 $0x11200  }
0x1d1: {  	[tilespmem:s9], [sflag:$0x1] =	stream.indirect_vreg.gather [hbm4b:s4+s2], $0x80, v3, vm0, $0xb8;
	[tilespmem:$0x18200] =	vst v63  }
0x1d2: {  	s9 =	simm.s32 $0x11A00  }
0x1d3: {  	[tilespmem:s9], [sflag:$0x1] =	stream.indirect_vreg.gather [hbm4b:s5+s2], $0x80, v3, vm0, $0xb8;
	[tilespmem:$0x18200] =	vst v63  }
0x1d4: {  	v3 =	vld [tilespmem:$0x160];
	_ =	sdelay $0x4  }
0x1d5: {  	v54 =	vshrl.u32 v3, $0x3  }
0x1d6: {  	v4 =	vmul.u32 $0x30, v54  }
0x1d7: {  	v3 =	vand.u32 $0x7, v3  }
0x1d8: {  	v3 =	vor.u32 v3, v4  }
0x1d9: {  	v4 =	vperm.xlane v3, v0;
	_ =	sdelay $0x1  }
0x1da: {  	v4 =	vadd.s32 v1, v4;
	_ =	sdelay $0x3  }
0x1db: {  	s9 =	simm.s32 $0x12200;
	v3 =	vperm.xlane v3, v2  }
0x1dc: {  	[tilespmem:s9], [sflag:$0x1] =	stream.indirect_vreg.gather [hbm4b:s3+s2], $0x80, v4, vm0, $0xb8;
	[tilespmem:$0x18200] =	vst v63  }
0x1dd: {  	v3 =	vadd.s32 v1, v3;
	s9 =	simm.s32 $0x12A00  }
0x1de: {  	[tilespmem:s9], [sflag:$0x1] =	stream.indirect_vreg.gather [hbm4b:s4+s2], $0x80, v4, vm0, $0xb8;
	[tilespmem:$0x18200] =	vst v63  }
0x1df: {  	s9 =	simm.s32 $0x13200  }
0x1e0: {  	[tilespmem:s9], [sflag:$0x1] =	stream.indirect_vreg.gather [hbm4b:s5+s2], $0x80, v4, vm0, $0xb8;
	[tilespmem:$0x18200] =	vst v63  }
0x1e1: {  	s9 =	simm.s32 $0x13A00  }
0x1e2: {  	[tilespmem:s9], [sflag:$0x1] =	stream.indirect_vreg.gather [hbm4b:s3+s2], $0x80, v3, vm0, $0xb8;
	[tilespmem:$0x18200] =	vst v63  }
0x1e3: {  	s9 =	simm.s32 $0x14200  }
0x1e4: {  	[tilespmem:s9], [sflag:$0x1] =	stream.indirect_vreg.gather [hbm4b:s4+s2], $0x80, v3, vm0, $0xb8;
	[tilespmem:$0x18200] =	vst v63  }
0x1e5: {  	s9 =	simm.s32 $0x14A00  }
0x1e6: {  	[tilespmem:s9], [sflag:$0x1] =	stream.indirect_vreg.gather [hbm4b:s5+s2], $0x80, v3, vm0, $0xb8;
	[tilespmem:$0x18200] =	vst v63  }
0x1e7: {  	v3 =	vld [tilespmem:$0x170];
	_ =	sdelay $0x4  }
0x1e8: {  	v55 =	vshrl.u32 v3, $0x3  }
0x1e9: {  	v4 =	vmul.u32 $0x30, v55  }
0x1ea: {  	v3 =	vand.u32 $0x7, v3  }
0x1eb: {  	v3 =	vor.u32 v3, v4  }
0x1ec: {  	v4 =	vperm.xlane v3, v0;
	_ =	sdelay $0x1  }
0x1ed: {  	v4 =	vadd.s32 v1, v4;
	_ =	sdelay $0x3  }
0x1ee: {  	s9 =	simm.s32 $0x15200;
	v3 =	vperm.xlane v3, v2  }
0x1ef: {  	[tilespmem:s9], [sflag:$0x1] =	stream.indirect_vreg.gather [hbm4b:s3+s2], $0x80, v4, vm0, $0xb8;
	[tilespmem:$0x18200] =	vst v63  }
0x1f0: {  	v3 =	vadd.s32 v1, v3;
	s9 =	simm.s32 $0x15A00  }
0x1f1: {  	[tilespmem:s9], [sflag:$0x1] =	stream.indirect_vreg.gather [hbm4b:s4+s2], $0x80, v4, vm0, $0xb8;
	[tilespmem:$0x18200] =	vst v63  }
0x1f2: {  	s9 =	simm.s32 $0x16200  }
0x1f3: {  	[tilespmem:s9], [sflag:$0x1] =	stream.indirect_vreg.gather [hbm4b:s5+s2], $0x80, v4, vm0, $0xb8;
	[tilespmem:$0x18200] =	vst v63  }
0x1f4: {  	s9 =	simm.s32 $0x16A00  }
0x1f5: {  	[tilespmem:s9], [sflag:$0x1] =	stream.indirect_vreg.gather [hbm4b:s3+s2], $0x80, v3, vm0, $0xb8;
	[tilespmem:$0x18200] =	vst v63  }
0x1f6: {  	s9 =	simm.s32 $0x17200  }
0x1f7: {  	[tilespmem:s9], [sflag:$0x1] =	stream.indirect_vreg.gather [hbm4b:s4+s2], $0x80, v3, vm0, $0xb8;
	[tilespmem:$0x18200] =	vst v63  }
0x1f8: {  	s9 =	simm.s32 $0x17A00  }
0x1f9: {  	[tilespmem:s9], [sflag:$0x1] =	stream.indirect_vreg.gather [hbm4b:s5+s2], $0x80, v3, vm0, $0xb8;
	[tilespmem:$0x18200] =	vst v63  }
0x1fa: {  	_ =	swait.ge [sflag:s1], $0x18000  }
0x1fb: {  	[sflag:s1] =	ssyncset.done $0x0  }
0x1fc: {  	s9 =	rddreg [dreg:$0x9];
	[sflag:s1] =	ssyncadd.s32 $0xFFFE8000  }
0x1fd: {  	[hbm4b:s9+s2] =	stream.linear.scatter [tilespmem:s16], [sflag:$0x2], $0x18000, $0x38;
	[tilespmem:$0x18200] =	vst v63  }
0x1fe: {  	_ =	swait.ge [sflag:s7], $0x18000  }
0x1ff: {  	[sflag:s7] =	ssyncset.done $0x0  }
0x200: {  	[sflag:s7] =	ssyncadd.s32 $0xFFFE8000  }
0x201: {  	v3 =	vld [tilespmem:$0x180];
	_ =	sdelay $0x4  }
0x202: {  	v56 =	vshrl.u32 v3, $0x3  }
0x203: {  	v4 =	vmul.u32 $0x30, v56  }
0x204: {  	v3 =	vand.u32 $0x7, v3  }
0x205: {  	v3 =	vor.u32 v3, v4  }
0x206: {  	v4 =	vperm.xlane v3, v0;
	_ =	sdelay $0x1  }
0x207: {  	v4 =	vadd.s32 v1, v4;
	_ =	sdelay $0x3  }
0x208: {  	v3 =	vperm.xlane v3, v2  }
0x209: {  	[tilespmem:s16], [sflag:$0x1] =	stream.indirect_vreg.gather [hbm4b:s3+s2], $0x80, v4, vm0, $0xb8;
	[tilespmem:$0x18200] =	vst v63  }
0x20a: {  	s17 =	simm.s32 $0xA00;
	v3 =	vadd.s32 v1, v3  }
0x20b: {  	[tilespmem:s17], [sflag:$0x1] =	stream.indirect_vreg.gather [hbm4b:s4+s2], $0x80, v4, vm0, $0xb8;
	[tilespmem:$0x18200] =	vst v63  }
0x20c: {  	s23 =	simm.s32 $0x1200  }
0x20d: {  	[tilespmem:s23], [sflag:$0x1] =	stream.indirect_vreg.gather [hbm4b:s5+s2], $0x80, v4, vm0, $0xb8;
	[tilespmem:$0x18200] =	vst v63  }
0x20e: {  	s24 =	simm.s32 $0x1A00  }
0x20f: {  	[tilespmem:s24], [sflag:$0x1] =	stream.indirect_vreg.gather [hbm4b:s3+s2], $0x80, v3, vm0, $0xb8;
	[tilespmem:$0x18200] =	vst v63  }
0x210: {  	s25 =	simm.s32 $0x2200  }
0x211: {  	[tilespmem:s25], [sflag:$0x1] =	stream.indirect_vreg.gather [hbm4b:s4+s2], $0x80, v3, vm0, $0xb8;
	[tilespmem:$0x18200] =	vst v63  }
0x212: {  	s24 =	simm.s32 $0x2A00  }
0x213: {  	[tilespmem:s24], [sflag:$0x1] =	stream.indirect_vreg.gather [hbm4b:s5+s2], $0x80, v3, vm0, $0xb8;
	[tilespmem:$0x18200] =	vst v63  }
0x214: {  	v3 =	vld [tilespmem:$0x190];
	_ =	sdelay $0x4  }
0x215: {  	v57 =	vshrl.u32 v3, $0x3  }
0x216: {  	v4 =	vmul.u32 $0x30, v57  }
0x217: {  	v3 =	vand.u32 $0x7, v3  }
0x218: {  	v3 =	vor.u32 v3, v4  }
0x219: {  	v4 =	vperm.xlane v3, v0;
	_ =	sdelay $0x1  }
0x21a: {  	v4 =	vadd.s32 v1, v4;
	_ =	sdelay $0x3  }
0x21b: {  	s25 =	simm.s32 $0x3200;
	v3 =	vperm.xlane v3, v2  }
0x21c: {  	[tilespmem:s25], [sflag:$0x1] =	stream.indirect_vreg.gather [hbm4b:s3+s2], $0x80, v4, vm0, $0xb8;
	[tilespmem:$0x18200] =	vst v63  }
0x21d: {  	s26 =	simm.s32 $0x3A00;
	v3 =	vadd.s32 v1, v3  }
0x21e: {  	[tilespmem:s26], [sflag:$0x1] =	stream.indirect_vreg.gather [hbm4b:s4+s2], $0x80, v4, vm0, $0xb8;
	[tilespmem:$0x18200] =	vst v63  }
0x21f: {  	s28 =	simm.s32 $0x4200  }
0x220: {  	[tilespmem:s28], [sflag:$0x1] =	stream.indirect_vreg.gather [hbm4b:s5+s2], $0x80, v4, vm0, $0xb8;
	[tilespmem:$0x18200] =	vst v63  }
0x221: {  	s29 =	simm.s32 $0x4A00  }
0x222: {  	[tilespmem:s29], [sflag:$0x1] =	stream.indirect_vreg.gather [hbm4b:s3+s2], $0x80, v3, vm0, $0xb8;
	[tilespmem:$0x18200] =	vst v63  }
0x223: {  	s0 =	simm.s32 $0x5200  }
0x224: {  	[tilespmem:s0], [sflag:$0x1] =	stream.indirect_vreg.gather [hbm4b:s4+s2], $0x80, v3, vm0, $0xb8;
	[tilespmem:$0x18200] =	vst v63  }
0x225: {  	s28 =	simm.s32 $0x5A00  }
0x226: {  	[tilespmem:s28], [sflag:$0x1] =	stream.indirect_vreg.gather [hbm4b:s5+s2], $0x80, v3, vm0, $0xb8;
	[tilespmem:$0x18200] =	vst v63  }
0x227: {  	v3 =	vld [tilespmem:$0x1A0];
	_ =	sdelay $0x4  }
0x228: {  	v58 =	vshrl.u32 v3, $0x3  }
0x229: {  	v4 =	vmul.u32 $0x30, v58  }
0x22a: {  	v3 =	vand.u32 $0x7, v3  }
0x22b: {  	v3 =	vor.u32 v3, v4  }
0x22c: {  	v4 =	vperm.xlane v3, v0;
	_ =	sdelay $0x1  }
0x22d: {  	v4 =	vadd.s32 v1, v4;
	_ =	sdelay $0x3  }
0x22e: {  	s29 =	simm.s32 $0x6200;
	v3 =	vperm.xlane v3, v2  }
0x22f: {  	[tilespmem:s29], [sflag:$0x1] =	stream.indirect_vreg.gather [hbm4b:s3+s2], $0x80, v4, vm0, $0xb8;
	[tilespmem:$0x18200] =	vst v63  }
0x230: {  	s8 =	simm.s32 $0x6A00;
	v3 =	vadd.s32 v1, v3  }
0x231: {  	[tilespmem:s8], [sflag:$0x1] =	stream.indirect_vreg.gather [hbm4b:s4+s2], $0x80, v4, vm0, $0xb8;
	[tilespmem:$0x18200] =	vst v63  }
0x232: {  	s10 =	simm.s32 $0x7200  }
0x233: {  	[tilespmem:s10], [sflag:$0x1] =	stream.indirect_vreg.gather [hbm4b:s5+s2], $0x80, v4, vm0, $0xb8;
	[tilespmem:$0x18200] =	vst v63  }
0x234: {  	s11 =	simm.s32 $0x7A00  }
0x235: {  	[tilespmem:s11], [sflag:$0x1] =	stream.indirect_vreg.gather [hbm4b:s3+s2], $0x80, v3, vm0, $0xb8;
	[tilespmem:$0x18200] =	vst v63  }
0x236: {  	s12 =	simm.s32 $0x8200  }
0x237: {  	[tilespmem:s12], [sflag:$0x1] =	stream.indirect_vreg.gather [hbm4b:s4+s2], $0x80, v3, vm0, $0xb8;
	[tilespmem:$0x18200] =	vst v63  }
0x238: {  	s8 =	simm.s32 $0x8A00  }
0x239: {  	[tilespmem:s8], [sflag:$0x1] =	stream.indirect_vreg.gather [hbm4b:s5+s2], $0x80, v3, vm0, $0xb8;
	[tilespmem:$0x18200] =	vst v63  }
0x23a: {  	v3 =	vld [tilespmem:$0x1B0];
	_ =	sdelay $0x4  }
0x23b: {  	v59 =	vshrl.u32 v3, $0x3  }
0x23c: {  	v4 =	vmul.u32 $0x30, v59  }
0x23d: {  	v3 =	vand.u32 $0x7, v3  }
0x23e: {  	v3 =	vor.u32 v3, v4  }
0x23f: {  	v4 =	vperm.xlane v3, v0;
	_ =	sdelay $0x1  }
0x240: {  	v4 =	vadd.s32 v1, v4;
	_ =	sdelay $0x3  }
0x241: {  	s9 =	simm.s32 $0x9200;
	v3 =	vperm.xlane v3, v2  }
0x242: {  	[tilespmem:s9], [sflag:$0x1] =	stream.indirect_vreg.gather [hbm4b:s3+s2], $0x80, v4, vm0, $0xb8;
	[tilespmem:$0x18200] =	vst v63  }
0x243: {  	s13 =	simm.s32 $0x9A00;
	v3 =	vadd.s32 v1, v3  }
0x244: {  	[tilespmem:s13], [sflag:$0x1] =	stream.indirect_vreg.gather [hbm4b:s4+s2], $0x80, v4, vm0, $0xb8;
	[tilespmem:$0x18200] =	vst v63  }
0x245: {  	s14 =	simm.s32 $0xA200  }
0x246: {  	[tilespmem:s14], [sflag:$0x1] =	stream.indirect_vreg.gather [hbm4b:s5+s2], $0x80, v4, vm0, $0xb8;
	[tilespmem:$0x18200] =	vst v63  }
0x247: {  	s15 =	simm.s32 $0xAA00  }
0x248: {  	[tilespmem:s15], [sflag:$0x1] =	stream.indirect_vreg.gather [hbm4b:s3+s2], $0x80, v3, vm0, $0xb8;
	[tilespmem:$0x18200] =	vst v63  }
0x249: {  	s10 =	simm.s32 $0xB200  }
0x24a: {  	[tilespmem:s10], [sflag:$0x1] =	stream.indirect_vreg.gather [hbm4b:s4+s2], $0x80, v3, vm0, $0xb8;
	[tilespmem:$0x18200] =	vst v63  }
0x24b: {  	s11 =	simm.s32 $0xBA00  }
0x24c: {  	[tilespmem:s11], [sflag:$0x1] =	stream.indirect_vreg.gather [hbm4b:s5+s2], $0x80, v3, vm0, $0xb8;
	[tilespmem:$0x18200] =	vst v63  }
0x24d: {  	v3 =	vld [tilespmem:$0x1C0];
	_ =	sdelay $0x4  }
0x24e: {  	v60 =	vshrl.u32 v3, $0x3  }
0x24f: {  	v4 =	vmul.u32 $0x30, v60  }
0x250: {  	v3 =	vand.u32 $0x7, v3  }
0x251: {  	v3 =	vor.u32 v3, v4  }
0x252: {  	v4 =	vperm.xlane v3, v0;
	_ =	sdelay $0x1  }
0x253: {  	v4 =	vadd.s32 v1, v4;
	_ =	sdelay $0x3  }
0x254: {  	s12 =	simm.s32 $0xC200;
	v3 =	vperm.xlane v3, v2  }
0x255: {  	[tilespmem:s12], [sflag:$0x1] =	stream.indirect_vreg.gather [hbm4b:s3+s2], $0x80, v4, vm0, $0xb8;
	[tilespmem:$0x18200] =	vst v63  }
0x256: {  	s30 =	simm.s32 $0xCA00;
	v3 =	vadd.s32 v1, v3  }
0x257: {  	[tilespmem:s30], [sflag:$0x1] =	stream.indirect_vreg.gather [hbm4b:s4+s2], $0x80, v4, vm0, $0xb8;
	[tilespmem:$0x18200] =	vst v63  }
0x258: {  	s18 =	simm.s32 $0xD200  }
0x259: {  	[tilespmem:s18], [sflag:$0x1] =	stream.indirect_vreg.gather [hbm4b:s5+s2], $0x80, v4, vm0, $0xb8;
	[tilespmem:$0x18200] =	vst v63  }
0x25a: {  	s31 =	simm.s32 $0xDA00  }
0x25b: {  	[tilespmem:s31], [sflag:$0x1] =	stream.indirect_vreg.gather [hbm4b:s3+s2], $0x80, v3, vm0, $0xb8;
	[tilespmem:$0x18200] =	vst v63  }
0x25c: {  	s19 =	simm.s32 $0xE200  }
0x25d: {  	[tilespmem:s19], [sflag:$0x1] =	stream.indirect_vreg.gather [hbm4b:s4+s2], $0x80, v3, vm0, $0xb8;
	[tilespmem:$0x18200] =	vst v63  }
0x25e: {  	s13 =	simm.s32 $0xEA00  }
0x25f: {  	[tilespmem:s13], [sflag:$0x1] =	stream.indirect_vreg.gather [hbm4b:s5+s2], $0x80, v3, vm0, $0xb8;
	[tilespmem:$0x18200] =	vst v63  }
0x260: {  	v3 =	vld [tilespmem:$0x1D0];
	_ =	sdelay $0x4  }
0x261: {  	v61 =	vshrl.u32 v3, $0x3  }
0x262: {  	v4 =	vmul.u32 $0x30, v61  }
0x263: {  	v3 =	vand.u32 $0x7, v3  }
0x264: {  	v3 =	vor.u32 v3, v4  }
0x265: {  	v4 =	vperm.xlane v3, v0;
	_ =	sdelay $0x1  }
0x266: {  	v4 =	vadd.s32 v1, v4;
	_ =	sdelay $0x3  }
0x267: {  	s14 =	simm.s32 $0xF200;
	v3 =	vperm.xlane v3, v2  }
0x268: {  	[tilespmem:s14], [sflag:$0x1] =	stream.indirect_vreg.gather [hbm4b:s3+s2], $0x80, v4, vm0, $0xb8;
	[tilespmem:$0x18200] =	vst v63  }
0x269: {  	s20 =	simm.s32 $0xFA00;
	v3 =	vadd.s32 v1, v3  }
0x26a: {  	[tilespmem:s20], [sflag:$0x1] =	stream.indirect_vreg.gather [hbm4b:s4+s2], $0x80, v4, vm0, $0xb8;
	[tilespmem:$0x18200] =	vst v63  }
0x26b: {  	s21 =	simm.s32 $0x10200  }
0x26c: {  	[tilespmem:s21], [sflag:$0x1] =	stream.indirect_vreg.gather [hbm4b:s5+s2], $0x80, v4, vm0, $0xb8;
	[tilespmem:$0x18200] =	vst v63  }
0x26d: {  	s22 =	simm.s32 $0x10A00  }
0x26e: {  	[tilespmem:s22], [sflag:$0x1] =	stream.indirect_vreg.gather [hbm4b:s3+s2], $0x80, v3, vm0, $0xb8;
	[tilespmem:$0x18200] =	vst v63  }
0x26f: {  	s15 =	simm.s32 $0x11200  }
0x270: {  	[tilespmem:s15], [sflag:$0x1] =	stream.indirect_vreg.gather [hbm4b:s4+s2], $0x80, v3, vm0, $0xb8;
	[tilespmem:$0x18200] =	vst v63  }
0x271: {  	s17 =	simm.s32 $0x11A00  }
0x272: {  	[tilespmem:s17], [sflag:$0x1] =	stream.indirect_vreg.gather [hbm4b:s5+s2], $0x80, v3, vm0, $0xb8;
	[tilespmem:$0x18200] =	vst v63  }
0x273: {  	v3 =	vld [tilespmem:$0x1E0];
	_ =	sdelay $0x4  }
0x274: {  	v62 =	vshrl.u32 v3, $0x3  }
0x275: {  	v4 =	vmul.u32 $0x30, v62  }
0x276: {  	v3 =	vand.u32 $0x7, v3  }
0x277: {  	v3 =	vor.u32 v3, v4  }
0x278: {  	v4 =	vperm.xlane v3, v0;
	_ =	sdelay $0x1  }
0x279: {  	v4 =	vadd.s32 v1, v4;
	_ =	sdelay $0x3  }
0x27a: {  	s18 =	simm.s32 $0x12200;
	v3 =	vperm.xlane v3, v2  }
0x27b: {  	[tilespmem:s18], [sflag:$0x1] =	stream.indirect_vreg.gather [hbm4b:s3+s2], $0x80, v4, vm0, $0xb8;
	[tilespmem:$0x18200] =	vst v63  }
0x27c: {  	s19 =	simm.s32 $0x12A00;
	v3 =	vadd.s32 v1, v3  }
0x27d: {  	[tilespmem:s19], [sflag:$0x1] =	stream.indirect_vreg.gather [hbm4b:s4+s2], $0x80, v4, vm0, $0xb8;
	[tilespmem:$0x18200] =	vst v63  }
0x27e: {  	s20 =	simm.s32 $0x13200  }
0x27f: {  	[tilespmem:s20], [sflag:$0x1] =	stream.indirect_vreg.gather [hbm4b:s5+s2], $0x80, v4, vm0, $0xb8;
	[tilespmem:$0x18200] =	vst v63  }
0x280: {  	s21 =	simm.s32 $0x13A00  }
0x281: {  	[tilespmem:s21], [sflag:$0x1] =	stream.indirect_vreg.gather [hbm4b:s3+s2], $0x80, v3, vm0, $0xb8;
	[tilespmem:$0x18200] =	vst v63  }
0x282: {  	s22 =	simm.s32 $0x14200  }
0x283: {  	[tilespmem:s22], [sflag:$0x1] =	stream.indirect_vreg.gather [hbm4b:s4+s2], $0x80, v3, vm0, $0xb8;
	[tilespmem:$0x18200] =	vst v63  }
0x284: {  	s23 =	simm.s32 $0x14A00  }
0x285: {  	[tilespmem:s23], [sflag:$0x1] =	stream.indirect_vreg.gather [hbm4b:s5+s2], $0x80, v3, vm0, $0xb8;
	[tilespmem:$0x18200] =	vst v63  }
0x286: {  	v3 =	vld [tilespmem:$0x1F0];
	_ =	sdelay $0x4  }
0x287: {  	v63 =	vshrl.u32 v3, $0x3  }
0x288: {  	v4 =	vmul.u32 $0x30, v63  }
0x289: {  	v3 =	vand.u32 $0x7, v3  }
0x28a: {  	v3 =	vor.u32 v3, v4  }
0x28b: {  	v4 =	vperm.xlane v3, v0;
	_ =	sdelay $0x1  }
0x28c: {  	v4 =	vadd.s32 v1, v4;
	_ =	sdelay $0x3  }
0x28d: {  	s24 =	simm.s32 $0x15200;
	v3 =	vperm.xlane v3, v2  }
0x28e: {  	[tilespmem:s24], [sflag:$0x1] =	stream.indirect_vreg.gather [hbm4b:s3+s2], $0x80, v4, vm0, $0xb8;
	[tilespmem:$0x18200] =	vst v63  }
0x28f: {  	s25 =	simm.s32 $0x15A00;
	v3 =	vadd.s32 v1, v3  }
0x290: {  	[tilespmem:s25], [sflag:$0x1] =	stream.indirect_vreg.gather [hbm4b:s4+s2], $0x80, v4, vm0, $0xb8;
	[tilespmem:$0x18200] =	vst v63  }
0x291: {  	s26 =	simm.s32 $0x16200  }
0x292: {  	[tilespmem:s26], [sflag:$0x1] =	stream.indirect_vreg.gather [hbm4b:s5+s2], $0x80, v4, vm0, $0xb8;
	[tilespmem:$0x18200] =	vst v63  }
0x293: {  	s28 =	simm.s32 $0x16A00  }
0x294: {  	[tilespmem:s28], [sflag:$0x1] =	stream.indirect_vreg.gather [hbm4b:s3+s2], $0x80, v3, vm0, $0xb8;
	[tilespmem:$0x18200] =	vst v63  }
0x295: {  	s29 =	simm.s32 $0x17200  }
0x296: {  	[tilespmem:s29], [sflag:$0x1] =	stream.indirect_vreg.gather [hbm4b:s4+s2], $0x80, v3, vm0, $0xb8;
	[tilespmem:$0x18200] =	vst v63  }
0x297: {  	s30 =	simm.s32 $0x17A00  }
0x298: {  	[tilespmem:s30], [sflag:$0x1] =	stream.indirect_vreg.gather [hbm4b:s5+s2], $0x80, v3, vm0, $0xb8;
	[tilespmem:$0x18200] =	vst v63  }
0x299: {  	_ =	swait.ge [sflag:s1], $0x18000  }
0x29a: {  	p0 =	sne.s32 s6, $0x1;
	[sflag:s1] =	ssyncset.done $0x0  }
.Ltmp0:
0x29b: {  	s31 =	rddreg [dreg:$0xa];
	[sflag:s1] =	ssyncadd.s32 $0xFFFE8000;
	(pc) =	sbr.rel @p0 .LBB2_1-.Ltmp0, $4  }
0x29c: {  	[hbm4b:s31+s2] =	stream.linear.scatter [tilespmem:s16], [sflag:$0x2], $0x18000, $0x38;
	[tilespmem:$0x18200] =	vst v63  }
0x29d: {  	_ =	swait.ge [sflag:s7], $0x18000  }
0x29e: {  	[sflag:s7] =	ssyncset.done $0x0  }
0x29f: {  	s6 =	sadd.s32 $0xFFFFFFFF, s6;
	[sflag:s7] =	ssyncadd.s32 $0xFFFE8000  }
0x2a0: {  	_ =	sfence.sel $0x180000  }
0x2a1: {  	[bflag:$0x0] =	sbarrier.arrive $0xFFFF  }
0x2a2: {  	_ =	strace $0x9000004A  }
0x2a3: {  	s0 =	stileid.u32;
	[bflag:$0x2] =	sbarrier.arrive $0xFFFF  }
0x2a4: {  	p0 =	sne.s32 s0, $0x0;
	s0 =	rddreg [dreg:$0x2]  }
0x2a5: {  	s0 =	sadd.s32 @!p0 $0x100000, s0  }
0x2a6: {  	[sflag:s0] =	ssyncadd.tile.s32 @!p0 $0x1;
	_ =	shalt  }
.Lfunc_end2:
_tile_overlayer_lowered:
.L_overlay_start_2:
0x2a7: {  	(tag) =	ssettag $0x2  }
0x2a8: {  	s0 =	rddreg [dreg:$0x0];
	s2 =	stileid.u32  }
0x2a9: {  	s1 =	rddreg [dreg:$0x1];
	p0 =	sne.s32 s2, $0x0  }
0x2aa: {  	s3 =	rddreg [dreg:$0x2];
	[bflag:$0x3] =	sbarrier.arrive $0xFFFF;
	s2 =	simm.s32 @!p0 $0x1C02  }
0x2ab: {  	[timem:s3], [sflag:s2] =	dma.local @!p0 [hbm:s0], s1  }
0x2ac: {  	s0 =	simm.s32 @!p0 $0x2  }
0x2ad: {  	_ =	swait.ge @!p0 [sflag:s0], s1  }
0x2ae: {  	s1 =	ssub.s32 @!p0 $0x0, s1;
	[sflag:s0] =	ssyncset.done @!p0 $0x0  }
0x2af: {  	[sflag:s0] =	ssyncadd.s32 @!p0 s1  }
0x2b0: {  	[bflag:$0x3] =	sbarrier.arrive $0xFFFF  }
0x2b1: {  	_ =	shalt  }

</sc_bundles>
